<compile_context>
chip_gen: v7x
topology: tpu7x:2x2x1
jax: 0.10.2.dev20260603
libtpu: 0.0.44.dev20260713+nightly
codegen_flags: <defaults>
</compile_context>

<pallas_src>
import functools

import jax
import jax.numpy as jnp
from jax import lax
from jax.experimental import pallas as pl
from jax.experimental.pallas import tpu as pltpu
from jax.experimental.pallas import tpu_sc as plsc

N_BLK = 1000

NR = 4
NF = 8
FS = 16
BLK = 1000
BLKP = 1008
CQ = 1024
GC = 64
NGC = CQ // GC
UNROLL = 5


def _mm_pre_body(z_ref, w_ref, a_ref, b_ref):
    p = jnp.dot(z_ref[...], w_ref[...], preferred_element_type=jnp.float32)
    h = a_ref.shape[1]
    a_ref[...] = p[:, :h]
    b_ref[...] = p[:, h:]


def _mm_post_body(z_ref, mmax_ref, a_ref, wu_ref, bu_ref, bm_ref, out_ref):
    mmax = mmax_ref[...]
    m = jnp.where(jnp.isneginf(mmax), 0.0, mmax + a_ref[...] + bm_ref[...])
    inp = jnp.concatenate([z_ref[...], m], axis=1)
    out_ref[...] = jnp.dot(inp, wu_ref[...],
                           preferred_element_type=jnp.float32) + bu_ref[...]


def _sc_body(n, e, dests_hbm, srcs_hbm, w_hbm, b8_hbm, wcol_hbm, m_hbm,
             d_stage, s_stage, w_stage, cq_gi, cq_d, cq_w, rows, m_a, m_b,
             wcol_v, sem, sem_stage):
    rn = n // NR
    nb = e // BLK
    cid = lax.axis_index("c")
    sid = lax.axis_index("s")
    wid = sid * 2 + cid
    r = wid % NR
    fc = wid // NR
    lo = r * rn

    pltpu.sync_copy(wcol_hbm, wcol_v)
    wc = wcol_v[pl.ds(fc * FS, FS)]

    iota = lax.iota(jnp.int32, 16)
    neginf = jnp.full((16,), -jnp.inf, jnp.float32)
    zero16 = jnp.zeros((16,), jnp.int32)

    def init_m(i, carry):
        m_a[i, :] = neginf
        m_b[i, :] = neginf
        return carry

    lax.fori_loop(0, rn + 1, init_m, 0)

    def init_q(i, carry):
        cq_gi[pl.ds(i * 16, 16)] = zero16
        return carry

    lax.fori_loop(0, CQ // 16, init_q, 0)

    def stage_start(b):
        buf = b & 1
        off = b * BLK
        pltpu.async_copy(dests_hbm.at[pl.ds(off, BLK)],
                         d_stage.at[buf, pl.ds(0, BLK)], sem_stage)
        pltpu.async_copy(srcs_hbm.at[pl.ds(off, BLK)],
                         s_stage.at[buf, pl.ds(0, BLK)], sem_stage)
        pltpu.async_copy(w_hbm.at[pl.ds(off, BLK)],
                         w_stage.at[buf, pl.ds(0, BLK)], sem_stage)

    def stage_wait(b):
        buf = b & 1
        off = b * BLK
        pltpu.make_async_copy(dests_hbm.at[pl.ds(off, BLK)],
                              d_stage.at[buf, pl.ds(0, BLK)],
                              sem_stage).wait()
        pltpu.make_async_copy(srcs_hbm.at[pl.ds(off, BLK)],
                              s_stage.at[buf, pl.ds(0, BLK)],
                              sem_stage).wait()
        pltpu.make_async_copy(w_hbm.at[pl.ds(off, BLK)],
                              w_stage.at[buf, pl.ds(0, BLK)],
                              sem_stage).wait()

    def rmw_block(buf, cnt):
        def rmw(p, carry):
            e0 = 2 * p
            e1 = 2 * p + 1
            ev0 = jnp.full((16,), e0, jnp.int32)
            ev1 = jnp.full((16,), e1, jnp.int32)
            d0 = plsc.load_gather(cq_d.at[buf], [ev0])
            d1 = plsc.load_gather(cq_d.at[buf], [ev1])
            w0 = plsc.load_gather(cq_w.at[buf], [ev0])
            w1 = plsc.load_gather(cq_w.at[buf], [ev1])
            s0 = rows[buf, e0, :] + w0 * wc
            s1 = rows[buf, e1, :] + w1 * wc
            c0 = plsc.load_gather(m_a, [d0, iota])
            c1 = plsc.load_gather(m_b, [d1, iota])
            plsc.store_scatter(m_a, [d0, iota], jnp.maximum(c0, s0))
            plsc.store_scatter(m_b, [d1, iota], jnp.maximum(c1, s1))
            return carry

        lax.fori_loop(0, cnt >> 1, rmw, 0)

    stage_start(0)

    def block(b, cnt_prev):
        buf = b & 1
        prv = 1 - buf
        with jax.named_scope("sc_stage_wait"):
            stage_wait(b)

            @pl.when(b + 1 < nb)
            def _():
                stage_start(b + 1)

        def filt(k, cnt_vec, lane_valid=None):
            dv = d_stage[buf, pl.ds(k * 16, 16)]
            dl = dv - lo
            mask = (dl >= 0) & (dl < rn)
            if lane_valid is not None:
                mask = mask & lane_valid
            csum = plsc.cumsum(jnp.where(mask, 1, 0))
            pos = cnt_vec + csum - 1
            sv = s_stage[buf, pl.ds(k * 16, 16)]
            plsc.store_scatter(cq_gi, [pos], sv + fc, mask=mask)
            plsc.store_scatter(cq_d.at[buf], [pos], dl, mask=mask)
            plsc.store_scatter(cq_w.at[buf], [pos],
                               w_stage[buf, pl.ds(k * 16, 16)], mask=mask)
            return cnt_vec + plsc.all_reduce_population_count(mask)

        def filtu(k0, cnt_vec):
            for u in range(UNROLL):
                cnt_vec = filt(k0 * UNROLL + u, cnt_vec)
            return cnt_vec

        with jax.named_scope("sc_filter"):
            nk = BLK // 16
            rem = BLK - nk * 16
            cnt_vec = lax.fori_loop(0, nk // UNROLL, filtu,
                                    jnp.zeros((16,), jnp.int32))
            for k in range((nk // UNROLL) * UNROLL, nk):
                cnt_vec = filt(k, cnt_vec)
            if rem:
                cnt_vec = filt(nk, cnt_vec, lane_valid=iota < rem)
            cnt = jnp.max(cnt_vec)

            padn = cnt & 1

            @pl.when(padn > 0)
            def _():
                pos = jnp.full((16,), cnt, jnp.int32) + iota
                pmask = iota < padn
                plsc.store_scatter(cq_d.at[buf], [pos],
                                   jnp.full((16,), rn, jnp.int32),
                                   mask=pmask)
                plsc.store_scatter(cq_w.at[buf], [pos],
                                   jnp.zeros((16,), jnp.float32),
                                   mask=pmask)
                plsc.store_scatter(cq_gi, [pos], zero16, mask=pmask)

            cnt = cnt + padn

        with jax.named_scope("sc_gather_start"):
            for c in range(NGC):
                @pl.when(c * GC < cnt)
                def _():
                    pltpu.async_copy(b8_hbm.at[cq_gi.at[pl.ds(c * GC, GC)]],
                                     rows.at[buf, pl.ds(c * GC, GC), :], sem)

        with jax.named_scope("sc_rmw"):
            rmw_block(prv, cnt_prev)

        with jax.named_scope("sc_gather_wait"):
            for c in range(NGC):
                @pl.when(c * GC < cnt)
                def _():
                    pltpu.make_async_copy(
                        b8_hbm.at[cq_gi.at[pl.ds(c * GC, GC)]],
                        rows.at[buf, pl.ds(c * GC, GC), :], sem).wait()

        return cnt

    cnt_last = lax.fori_loop(0, nb, block, jnp.int32(0))
    with jax.named_scope("sc_rmw_last"):
        rmw_block((nb - 1) & 1, cnt_last)

    def merge(i, carry):
        m_a[i, :] = jnp.maximum(m_a[i, :], m_b[i, :])
        return carry

    lax.fori_loop(0, rn, merge, 0)

    pltpu.sync_copy(m_a.at[pl.ds(0, rn), :],
                    m_hbm.at[pl.ds(lo, rn), pl.ds(fc * FS, FS)])


def _scatter_max_sc(n, e, dests, srcs, w_flat, b8, wcol):
    mesh = plsc.VectorSubcoreMesh(core_axis_name="c", subcore_axis_name="s")
    return pl.kernel(
        functools.partial(_sc_body, n, e),
        out_type=jax.ShapeDtypeStruct((n, NF * FS), jnp.float32),
        mesh=mesh,
        scratch_types=[
            pltpu.VMEM((2, BLKP), jnp.int32),
            pltpu.VMEM((2, BLKP), jnp.int32),
            pltpu.VMEM((2, BLKP), jnp.float32),
            pltpu.VMEM((CQ,), jnp.int32),
            pltpu.VMEM((2, CQ), jnp.int32),
            pltpu.VMEM((2, CQ), jnp.float32),
            pltpu.VMEM((2, CQ, FS), jnp.float32),
            pltpu.VMEM((n // NR + 1, FS), jnp.float32),
            pltpu.VMEM((n // NR + 1, FS), jnp.float32),
            pltpu.VMEM((NF * FS,), jnp.float32),
            pltpu.SemaphoreType.DMA,
            pltpu.SemaphoreType.DMA,
        ],
        compiler_params=pltpu.CompilerParams(needs_layout_passes=False,
                                             use_tc_tiling_on_sc=False),
    )(dests, srcs, w_flat, b8, wcol)


def kernel(sources, dests, weights, z, Wm, bm, Wu, bu):
    n, h = z.shape
    e = sources.shape[0]
    sources = sources.astype(jnp.int32)
    dests = dests.astype(jnp.int32)
    wcol = Wm[:, 2 * h]

    grid = n // N_BLK
    A, B = pl.pallas_call(
        _mm_pre_body,
        grid=(grid,),
        in_specs=[
            pl.BlockSpec((N_BLK, h), lambda i: (i, 0)),
            pl.BlockSpec((h, 2 * h), lambda i: (0, 0)),
        ],
        out_specs=[
            pl.BlockSpec((N_BLK, h), lambda i: (i, 0)),
            pl.BlockSpec((N_BLK, h), lambda i: (i, 0)),
        ],
        out_shape=[
            jax.ShapeDtypeStruct((n, h), jnp.float32),
            jax.ShapeDtypeStruct((n, h), jnp.float32),
        ],
    )(z, jnp.concatenate([Wm[:, :h].T, Wm[:, h:2 * h].T], axis=1))

    b8 = B.reshape(n * NF, FS)
    mmax = _scatter_max_sc(n, e, dests, sources * NF, weights.reshape(e),
                           b8, wcol)

    out = pl.pallas_call(
        _mm_post_body,
        grid=(grid,),
        in_specs=[
            pl.BlockSpec((N_BLK, h), lambda i: (i, 0)),
            pl.BlockSpec((N_BLK, h), lambda i: (i, 0)),
            pl.BlockSpec((N_BLK, h), lambda i: (i, 0)),
            pl.BlockSpec((2 * h, h), lambda i: (0, 0)),
            pl.BlockSpec((1, h), lambda i: (0, 0)),
            pl.BlockSpec((1, h), lambda i: (0, 0)),
        ],
        out_specs=pl.BlockSpec((N_BLK, h), lambda i: (i, 0)),
        out_shape=jax.ShapeDtypeStruct((n, h), jnp.float32),
    )(z, mmax, A, Wu.T, bu[None, :], bm[None, :])
    return out

# --- scband reference (transcript-rebuilt; emitter-appended) ---
"""Pipeline reference for scband-processor-76081050682082 (READ-ONLY COPY).

The authoritative reference and input builder live on the scoring server;
editing this copy changes nothing except your own understanding.
"""

import jax, jax.numpy as jnp
import numpy as np

N = 10000
E = 320000
H = 128

def setup_inputs(seed: int = 0) -> dict:
    key = jax.random.key(seed)
    ks = jax.random.split(key, 8)
    z = jax.random.normal(ks[0], (N, H), dtype=jnp.float32)
    sources = jax.random.randint(ks[1], (E,), 0, N, dtype=jnp.int64)
    dests = jax.random.randint(ks[2], (E,), 0, N, dtype=jnp.int64)
    weights = jax.random.normal(ks[3], (E, 1), dtype=jnp.float32)
    Wm = jax.random.normal(ks[4], (H, 2 * H + 1), dtype=jnp.float32) * 0.05
    bm = jnp.zeros((H,), dtype=jnp.float32)
    Wu = jax.random.normal(ks[5], (H, 2 * H), dtype=jnp.float32) * 0.05
    bu = jnp.zeros((H,), dtype=jnp.float32)
    return {"sources": sources, "dests": dests, "weights": weights, "z": z,
            "Wm": Wm, "bm": bm, "Wu": Wu, "bu": bu}

def reference(sources, dests, weights, z, Wm, bm, Wu, bu):
    n = z.shape[0]
    # message MLP input: [z[dests], z[sources], weights]
    inp = jnp.concatenate([jnp.take(z, dests, axis=0), jnp.take(z, sources, axis=0), weights], axis=1)
    messages = inp @ Wm.T + bm
    # scatter-reduce amax into per-node buffer initialized to -inf
    m = jnp.full((n, H), -jnp.inf, dtype=z.dtype)
    m = m.at[dests].max(messages)
    m = jnp.where(jnp.isneginf(m), jnp.zeros_like(m), m)
    h = jnp.concatenate([z, m], axis=1) @ Wu.T + bu
    return h

if __name__ == "__main__":
    import jax
    _d = setup_inputs()
    print(jax.jit(kernel)(*tuple(_d.values())))

</pallas_src>

<mosaic_0001>
#map = affine_map<(d0, d1) -> (0)>
#map1 = affine_map<(d0, d1) -> (0, 0)>
module attributes {stable_mosaic.version = 14 : i64} {
  func.func @_sc_body(%arg0: i32, %arg1: i32, %arg2: memref<320000xi32, #tpu.memory_space<hbm>>, %arg3: memref<320000xi32, #tpu.memory_space<hbm>>, %arg4: memref<320000xf32, #tpu.memory_space<hbm>>, %arg5: memref<80000x16xf32, #tpu.memory_space<hbm>>, %arg6: memref<128xf32, #tpu.memory_space<hbm>>, %arg7: memref<10000x128xf32, #tpu.memory_space<hbm>>, %arg8: memref<2x1008xi32, #tpu.memory_space<vmem>>, %arg9: memref<2x1008xi32, #tpu.memory_space<vmem>>, %arg10: memref<2x1008xf32, #tpu.memory_space<vmem>>, %arg11: memref<1024xi32, #tpu.memory_space<vmem>>, %arg12: memref<2x1024xi32, #tpu.memory_space<vmem>>, %arg13: memref<2x1024xf32, #tpu.memory_space<vmem>>, %arg14: memref<2x1024x16xf32, #tpu.memory_space<vmem>>, %arg15: memref<2501x16xf32, #tpu.memory_space<vmem>>, %arg16: memref<2501x16xf32, #tpu.memory_space<vmem>>, %arg17: memref<128xf32, #tpu.memory_space<vmem>>, %arg18: memref<!tpu.dma_semaphore, #tpu.memory_space<semaphore_mem>>, %arg19: memref<!tpu.dma_semaphore, #tpu.memory_space<semaphore_mem>>) attributes {dimension_semantics = [#tpu.dimension_semantics<core_parallel>, #tpu.dimension_semantics<subcore_parallel>], iteration_bounds = array<i64: 2, 16>, scalar_prefetch = 0 : i64, scratch_operands = 12 : i64, tpu.core_type = #tpu.core_type<sc_vector_subcore>, window_params = [{transform_indices = #map}, {transform_indices = #map}, {transform_indices = #map}, {transform_indices = #map1}, {transform_indices = #map}, {transform_indices = #map1}]} {
    %mul3A = arith.constant 2 : i32
    %mul3A_0 = arith.muli %arg1, %mul3A : i32
    %add3A = arith.addi %mul3A_0, %arg0 : i32
    %jit3A = arith.constant 4 : i32
    %eq3A = arith.constant 0 : i32
    %eq3A_1 = arith.cmpi eq, %jit3A, %eq3A : i32
    %jit3A_2 = arith.constant 1 : i32
    %select_n3A = arith.select %eq3A_1, %jit3A_2, %jit3A : i32
    %rem3A = arith.remsi %add3A, %select_n3A : i32
    %ne3A = arith.constant 0 : i32
    %ne3A_3 = arith.cmpi ne, %rem3A, %ne3A : i32
    %lt3A = arith.constant 0 : i32
    %lt3A_4 = arith.cmpi slt, %rem3A, %lt3A : i32
    %lt3A_5 = arith.constant 0 : i32
    %lt3A_6 = arith.cmpi slt, %select_n3A, %lt3A_5 : i32
    %ne3A_7 = arith.xori %lt3A_4, %lt3A_6 : i1
    %and3A = arith.andi %ne3A_7, %ne3A_3 : i1
    %add3A_8 = arith.addi %rem3A, %select_n3A : i32
    %select_n3A_9 = arith.select %and3A, %add3A_8, %rem3A : i32
    %jit3A_10 = arith.constant 4 : i32
    %div3A = arith.divsi %add3A, %jit3A_10 : i32
    %sign3A = arith.constant 0 : i32
    %sign3A_11 = arith.cmpi sgt, %add3A, %sign3A : i32
    %sign3A_12 = arith.extui %sign3A_11 : i1 to i32
    %sign3A_13 = arith.constant 0 : i32
    %sign3A_14 = arith.cmpi slt, %add3A, %sign3A_13 : i32
    %sign3A_15 = arith.extui %sign3A_14 : i1 to i32
    %sign3A_16 = arith.subi %sign3A_12, %sign3A_15 : i32
    %sign3A_17 = arith.constant 0 : i32
    %sign3A_18 = arith.cmpi sgt, %jit3A_10, %sign3A_17 : i32
    %sign3A_19 = arith.extui %sign3A_18 : i1 to i32
    %sign3A_20 = arith.constant 0 : i32
    %sign3A_21 = arith.cmpi slt, %jit3A_10, %sign3A_20 : i32
    %sign3A_22 = arith.extui %sign3A_21 : i1 to i32
    %sign3A_23 = arith.subi %sign3A_19, %sign3A_22 : i32
    %ne3A_24 = arith.cmpi ne, %sign3A_16, %sign3A_23 : i32
    %rem3A_25 = arith.remsi %add3A, %jit3A_10 : i32
    %ne3A_26 = arith.constant 0 : i32
    %ne3A_27 = arith.cmpi ne, %rem3A_25, %ne3A_26 : i32
    %and3A_28 = arith.andi %ne3A_24, %ne3A_27 : i1
    %sub3A = arith.constant 1 : i32
    %sub3A_29 = arith.subi %div3A, %sub3A : i32
    %select_n3A_30 = arith.select %and3A_28, %sub3A_29, %div3A : i32
    %mul3A_31 = arith.constant 2500 : i32
    %mul3A_32 = arith.muli %select_n3A_9, %mul3A_31 : i32
    "tpu.region"() ({
      %run_scoped3A = tpu.sem_alloc : memref<!tpu.dma_semaphore, #tpu.memory_space<semaphore_mem>>
      tpu.enqueue_dma source(%arg6 : memref<128xf32, #tpu.memory_space<hbm>>) target(%arg17 : memref<128xf32, #tpu.memory_space<vmem>>) target_semaphore(%run_scoped3A : memref<!tpu.dma_semaphore, #tpu.memory_space<semaphore_mem>>)
      tpu.wait_dma2 semaphore(%run_scoped3A : memref<!tpu.dma_semaphore, #tpu.memory_space<semaphore_mem>>) src(%arg6 : memref<128xf32, #tpu.memory_space<hbm>>) dst(%arg17 : memref<128xf32, #tpu.memory_space<vmem>>)
      tpu.yield
    }) : () -> ()
    %mul3A_33 = arith.constant 16 : i32
    %mul3A_34 = arith.muli %select_n3A_30, %mul3A_33 : i32
    %get3A = arith.index_cast %mul3A_34 : i32 to index
    %get3A_35 = tpu.vector_load %arg17[%get3A] {strides = array<i32>} : memref<128xf32, #tpu.memory_space<vmem>>, vector<16xf32>,
    %iota3A = tpu.iota {dimensions = array<i32: 0>} : vector<16xi32>
    %broadcast_in_dim3A = arith.constant 0xFF800000 : f32
    %broadcast_in_dim3A_36 = vector.broadcast %broadcast_in_dim3A : f32 to vector<16xf32>
    %broadcast_in_dim3A_37 = arith.constant 0 : i32
    %broadcast_in_dim3A_38 = vector.broadcast %broadcast_in_dim3A_37 : i32 to vector<16xi32>
    %scan3A = arith.constant 0 : i32
    %scan3A_39 = arith.constant 0 : i32
    %scan3A_40 = arith.constant 2501 : i32
    %scan3A_41 = arith.addi %scan3A_39, %scan3A_40 : i32
    %scan3A_42 = arith.constant 1 : i32
    scf.for %scan3A_107 = %scan3A_39 to %scan3A_41 step %scan3A_42  : i32 {
      %swap3A = arith.index_cast %scan3A_107 : i32 to index
      %swap3A_108 = arith.constant 0 : index
      %swap3A_109 = tpu.vector_load %arg15[%swap3A, %swap3A_108] {strides = array<i32>} : memref<2501x16xf32, #tpu.memory_space<vmem>>, vector<16xf32>,
      tpu.vector_store %arg15[%swap3A, %swap3A_108], %broadcast_in_dim3A_36 {strides = array<i32>} : memref<2501x16xf32, #tpu.memory_space<vmem>>, vector<16xf32>,
      %swap3A_110 = arith.index_cast %scan3A_107 : i32 to index
      %swap3A_111 = arith.constant 0 : index
      %swap3A_112 = tpu.vector_load %arg16[%swap3A_110, %swap3A_111] {strides = array<i32>} : memref<2501x16xf32, #tpu.memory_space<vmem>>, vector<16xf32>,
      tpu.vector_store %arg16[%swap3A_110, %swap3A_111], %broadcast_in_dim3A_36 {strides = array<i32>} : memref<2501x16xf32, #tpu.memory_space<vmem>>, vector<16xf32>,
    }
    %scan3A_43 = arith.constant 2501 : i32
    %scan3A_44 = arith.constant 0 : i32
    %scan3A_45 = arith.constant 0 : i32
    %scan3A_46 = arith.constant 64 : i32
    %scan3A_47 = arith.addi %scan3A_45, %scan3A_46 : i32
    %scan3A_48 = arith.constant 1 : i32
    scf.for %scan3A_107 = %scan3A_45 to %scan3A_47 step %scan3A_48  : i32 {
      %mul3A_108 = arith.constant 16 : i32
      %mul3A_109 = arith.muli %scan3A_107, %mul3A_108 : i32
      %swap3A = arith.index_cast %mul3A_109 : i32 to index
      %swap3A_110 = tpu.vector_load %arg11[%swap3A] {strides = array<i32>} : memref<1024xi32, #tpu.memory_space<vmem>>, vector<16xi32>,
      tpu.vector_store %arg11[%swap3A], %broadcast_in_dim3A_38 {strides = array<i32>} : memref<1024xi32, #tpu.memory_space<vmem>>, vector<16xi32>,
    }
    %scan3A_49 = arith.constant 64 : i32
    %dma_start3A = arith.constant 0 : i32
    %dma_start3A_50 = arith.constant 0 : i32
    %dma_start3A_51 = tpu.memref_slice %arg8[%dma_start3A, %dma_start3A_50] : memref<2x1008xi32, #tpu.memory_space<vmem>> -> memref<1x1000xi32, #tpu.memory_space<vmem>>
    %dma_start3A_52 = tpu.memref_squeeze %dma_start3A_51 : memref<1x1000xi32, #tpu.memory_space<vmem>> -> memref<1000xi32, #tpu.memory_space<vmem>>
    %dma_start3A_53 = arith.constant 0 : i32
    %dma_start3A_54 = tpu.memref_slice %arg2[%dma_start3A_53] : memref<320000xi32, #tpu.memory_space<hbm>> -> memref<1000xi32, #tpu.memory_space<hbm>>
    %dma_start3A_55 = arith.constant 0 : i32
    %dma_start3A_56 = tpu.memref_slice %arg8[%dma_start3A, %dma_start3A_55] : memref<2x1008xi32, #tpu.memory_space<vmem>> -> memref<1x1000xi32, #tpu.memory_space<vmem>>
    %dma_start3A_57 = tpu.memref_squeeze %dma_start3A_56 : memref<1x1000xi32, #tpu.memory_space<vmem>> -> memref<1000xi32, #tpu.memory_space<vmem>>
    %dma_start3A_58 = arith.constant 0 : i32
    %dma_start3A_59 = tpu.memref_slice %arg2[%dma_start3A_58] : memref<320000xi32, #tpu.memory_space<hbm>> -> memref<1000xi32, #tpu.memory_space<hbm>>
    tpu.enqueue_dma source(%dma_start3A_59 : memref<1000xi32, #tpu.memory_space<hbm>>) target(%dma_start3A_57 : memref<1000xi32, #tpu.memory_space<vmem>>) target_semaphore(%arg19 : memref<!tpu.dma_semaphore, #tpu.memory_space<semaphore_mem>>)
    %dma_start3A_60 = arith.constant 0 : i32
    %dma_start3A_61 = arith.constant 0 : i32
    %dma_start3A_62 = tpu.memref_slice %arg9[%dma_start3A_60, %dma_start3A_61] : memref<2x1008xi32, #tpu.memory_space<vmem>> -> memref<1x1000xi32, #tpu.memory_space<vmem>>
    %dma_start3A_63 = tpu.memref_squeeze %dma_start3A_62 : memref<1x1000xi32, #tpu.memory_space<vmem>> -> memref<1000xi32, #tpu.memory_space<vmem>>
    %dma_start3A_64 = arith.constant 0 : i32
    %dma_start3A_65 = tpu.memref_slice %arg3[%dma_start3A_64] : memref<320000xi32, #tpu.memory_space<hbm>> -> memref<1000xi32, #tpu.memory_space<hbm>>
    %dma_start3A_66 = arith.constant 0 : i32
    %dma_start3A_67 = tpu.memref_slice %arg9[%dma_start3A_60, %dma_start3A_66] : memref<2x1008xi32, #tpu.memory_space<vmem>> -> memref<1x1000xi32, #tpu.memory_space<vmem>>
    %dma_start3A_68 = tpu.memref_squeeze %dma_start3A_67 : memref<1x1000xi32, #tpu.memory_space<vmem>> -> memref<1000xi32, #tpu.memory_space<vmem>>
    %dma_start3A_69 = arith.constant 0 : i32
    %dma_start3A_70 = tpu.memref_slice %arg3[%dma_start3A_69] : memref<320000xi32, #tpu.memory_space<hbm>> -> memref<1000xi32, #tpu.memory_space<hbm>>
    tpu.enqueue_dma source(%dma_start3A_70 : memref<1000xi32, #tpu.memory_space<hbm>>) target(%dma_start3A_68 : memref<1000xi32, #tpu.memory_space<vmem>>) target_semaphore(%arg19 : memref<!tpu.dma_semaphore, #tpu.memory_space<semaphore_mem>>)
    %dma_start3A_71 = arith.constant 0 : i32
    %dma_start3A_72 = arith.constant 0 : i32
    %dma_start3A_73 = tpu.memref_slice %arg10[%dma_start3A_71, %dma_start3A_72] : memref<2x1008xf32, #tpu.memory_space<vmem>> -> memref<1x1000xf32, #tpu.memory_space<vmem>>
    %dma_start3A_74 = tpu.memref_squeeze %dma_start3A_73 : memref<1x1000xf32, #tpu.memory_space<vmem>> -> memref<1000xf32, #tpu.memory_space<vmem>>
    %dma_start3A_75 = arith.constant 0 : i32
    %dma_start3A_76 = tpu.memref_slice %arg4[%dma_start3A_75] : memref<320000xf32, #tpu.memory_space<hbm>> -> memref<1000xf32, #tpu.memory_space<hbm>>
    %dma_start3A_77 = arith.constant 0 : i32
    %dma_start3A_78 = tpu.memref_slice %arg10[%dma_start3A_71, %dma_start3A_77] : memref<2x1008xf32, #tpu.memory_space<vmem>> -> memref<1x1000xf32, #tpu.memory_space<vmem>>
    %dma_start3A_79 = tpu.memref_squeeze %dma_start3A_78 : memref<1x1000xf32, #tpu.memory_space<vmem>> -> memref<1000xf32, #tpu.memory_space<vmem>>
    %dma_start3A_80 = arith.constant 0 : i32
    %dma_start3A_81 = tpu.memref_slice %arg4[%dma_start3A_80] : memref<320000xf32, #tpu.memory_space<hbm>> -> memref<1000xf32, #tpu.memory_space<hbm>>
    tpu.enqueue_dma source(%dma_start3A_81 : memref<1000xf32, #tpu.memory_space<hbm>>) target(%dma_start3A_79 : memref<1000xf32, #tpu.memory_space<vmem>>) target_semaphore(%arg19 : memref<!tpu.dma_semaphore, #tpu.memory_space<semaphore_mem>>)
    %scan3A_82 = arith.constant 0 : i32
    %scan3A_83 = arith.constant 0 : i32
    %scan3A_84 = arith.constant 320 : i32
    %scan3A_85 = arith.addi %scan3A_83, %scan3A_84 : i32
    %scan3A_86 = arith.constant 1 : i32
    %scan3A_87 = scf.for %scan3A_107 = %scan3A_83 to %scan3A_85 step %scan3A_86 iter_args(%scan3A_108 = %scan3A_82) -> (i32)  : i32 {
      %and3A_109 = arith.constant 1 : i32
      %and3A_110 = arith.andi %scan3A_107, %and3A_109 : i32
      %sub3A_111 = arith.constant 1 : i32
      %sub3A_112 = arith.subi %sub3A_111, %and3A_110 : i32
      "tpu.trace_start"() <{level = 10 : i32, message = "sc_stage_wait"}> : () -> ()
      %and3A_113 = arith.constant 1 : i32
      %and3A_114 = arith.andi %scan3A_107, %and3A_113 : i32
      %mul3A_115 = arith.constant 1000 : i32
      %mul3A_116 = arith.muli %scan3A_107, %mul3A_115 : i32
      %dma_wait3A = arith.constant 0 : i32
      %dma_wait3A_117 = tpu.memref_slice %arg8[%and3A_114, %dma_wait3A] : memref<2x1008xi32, #tpu.memory_space<vmem>> -> memref<1x1000xi32, #tpu.memory_space<vmem>>
      %dma_wait3A_118 = tpu.memref_squeeze %dma_wait3A_117 : memref<1x1000xi32, #tpu.memory_space<vmem>> -> memref<1000xi32, #tpu.memory_space<vmem>>
      %dma_wait3A_119 = tpu.memref_slice %arg2[%mul3A_116] : memref<320000xi32, #tpu.memory_space<hbm>> -> memref<1000xi32, #tpu.memory_space<hbm>>
      %dma_wait3A_120 = arith.constant 0 : i32
      %dma_wait3A_121 = tpu.memref_slice %arg8[%and3A_114, %dma_wait3A_120] : memref<2x1008xi32, #tpu.memory_space<vmem>> -> memref<1x1000xi32, #tpu.memory_space<vmem>>
      %dma_wait3A_122 = tpu.memref_squeeze %dma_wait3A_121 : memref<1x1000xi32, #tpu.memory_space<vmem>> -> memref<1000xi32, #tpu.memory_space<vmem>>
      %dma_wait3A_123 = tpu.memref_slice %arg2[%mul3A_116] : memref<320000xi32, #tpu.memory_space<hbm>> -> memref<1000xi32, #tpu.memory_space<hbm>>
      tpu.wait_dma2 semaphore(%arg19 : memref<!tpu.dma_semaphore, #tpu.memory_space<semaphore_mem>>) src(%dma_wait3A_123 : memref<1000xi32, #tpu.memory_space<hbm>>) dst(%dma_wait3A_122 : memref<1000xi32, #tpu.memory_space<vmem>>)
      %dma_wait3A_124 = arith.constant 0 : i32
      %dma_wait3A_125 = tpu.memref_slice %arg9[%and3A_114, %dma_wait3A_124] : memref<2x1008xi32, #tpu.memory_space<vmem>> -> memref<1x1000xi32, #tpu.memory_space<vmem>>
      %dma_wait3A_126 = tpu.memref_squeeze %dma_wait3A_125 : memref<1x1000xi32, #tpu.memory_space<vmem>> -> memref<1000xi32, #tpu.memory_space<vmem>>
      %dma_wait3A_127 = tpu.memref_slice %arg3[%mul3A_116] : memref<320000xi32, #tpu.memory_space<hbm>> -> memref<1000xi32, #tpu.memory_space<hbm>>
      %dma_wait3A_128 = arith.constant 0 : i32
      %dma_wait3A_129 = tpu.memref_slice %arg9[%and3A_114, %dma_wait3A_128] : memref<2x1008xi32, #tpu.memory_space<vmem>> -> memref<1x1000xi32, #tpu.memory_space<vmem>>
      %dma_wait3A_130 = tpu.memref_squeeze %dma_wait3A_129 : memref<1x1000xi32, #tpu.memory_space<vmem>> -> memref<1000xi32, #tpu.memory_space<vmem>>
      %dma_wait3A_131 = tpu.memref_slice %arg3[%mul3A_116] : memref<320000xi32, #tpu.memory_space<hbm>> -> memref<1000xi32, #tpu.memory_space<hbm>>
      tpu.wait_dma2 semaphore(%arg19 : memref<!tpu.dma_semaphore, #tpu.memory_space<semaphore_mem>>) src(%dma_wait3A_131 : memref<1000xi32, #tpu.memory_space<hbm>>) dst(%dma_wait3A_130 : memref<1000xi32, #tpu.memory_space<vmem>>)
      %dma_wait3A_132 = arith.constant 0 : i32
      %dma_wait3A_133 = tpu.memref_slice %arg10[%and3A_114, %dma_wait3A_132] : memref<2x1008xf32, #tpu.memory_space<vmem>> -> memref<1x1000xf32, #tpu.memory_space<vmem>>
      %dma_wait3A_134 = tpu.memref_squeeze %dma_wait3A_133 : memref<1x1000xf32, #tpu.memory_space<vmem>> -> memref<1000xf32, #tpu.memory_space<vmem>>
      %dma_wait3A_135 = tpu.memref_slice %arg4[%mul3A_116] : memref<320000xf32, #tpu.memory_space<hbm>> -> memref<1000xf32, #tpu.memory_space<hbm>>
      %dma_wait3A_136 = arith.constant 0 : i32
      %dma_wait3A_137 = tpu.memref_slice %arg10[%and3A_114, %dma_wait3A_136] : memref<2x1008xf32, #tpu.memory_space<vmem>> -> memref<1x1000xf32, #tpu.memory_space<vmem>>
      %dma_wait3A_138 = tpu.memref_squeeze %dma_wait3A_137 : memref<1x1000xf32, #tpu.memory_space<vmem>> -> memref<1000xf32, #tpu.memory_space<vmem>>
      %dma_wait3A_139 = tpu.memref_slice %arg4[%mul3A_116] : memref<320000xf32, #tpu.memory_space<hbm>> -> memref<1000xf32, #tpu.memory_space<hbm>>
      tpu.wait_dma2 semaphore(%arg19 : memref<!tpu.dma_semaphore, #tpu.memory_space<semaphore_mem>>) src(%dma_wait3A_139 : memref<1000xf32, #tpu.memory_space<hbm>>) dst(%dma_wait3A_138 : memref<1000xf32, #tpu.memory_space<vmem>>)
      %add3A_140 = arith.constant 1 : i32
      %add3A_141 = arith.addi %scan3A_107, %add3A_140 : i32
      %lt3A_142 = arith.constant 320 : i32
      %lt3A_143 = arith.cmpi slt, %add3A_141, %lt3A_142 : i32
      %convert_element_type3A = arith.extui %lt3A_143 : i1 to i32
      %cond3A = arith.constant 0 : i32
      %cond3A_144 = arith.cmpi ne, %convert_element_type3A, %cond3A : i32
      scf.if %cond3A_144 {
        %add3A_459 = arith.constant 1 : i32
        %add3A_460 = arith.addi %scan3A_107, %add3A_459 : i32
        %and3A_461 = arith.constant 1 : i32
        %and3A_462 = arith.andi %add3A_460, %and3A_461 : i32
        %mul3A_463 = arith.constant 1000 : i32
        %mul3A_464 = arith.muli %add3A_460, %mul3A_463 : i32
        %dma_start3A_465 = arith.constant 0 : i32
        %dma_start3A_466 = tpu.memref_slice %arg8[%and3A_462, %dma_start3A_465] : memref<2x1008xi32, #tpu.memory_space<vmem>> -> memref<1x1000xi32, #tpu.memory_space<vmem>>
        %dma_start3A_467 = tpu.memref_squeeze %dma_start3A_466 : memref<1x1000xi32, #tpu.memory_space<vmem>> -> memref<1000xi32, #tpu.memory_space<vmem>>
        %dma_start3A_468 = tpu.memref_slice %arg2[%mul3A_464] : memref<320000xi32, #tpu.memory_space<hbm>> -> memref<1000xi32, #tpu.memory_space<hbm>>
        %dma_start3A_469 = arith.constant 0 : i32
        %dma_start3A_470 = tpu.memref_slice %arg8[%and3A_462, %dma_start3A_469] : memref<2x1008xi32, #tpu.memory_space<vmem>> -> memref<1x1000xi32, #tpu.memory_space<vmem>>
        %dma_start3A_471 = tpu.memref_squeeze %dma_start3A_470 : memref<1x1000xi32, #tpu.memory_space<vmem>> -> memref<1000xi32, #tpu.memory_space<vmem>>
        %dma_start3A_472 = tpu.memref_slice %arg2[%mul3A_464] : memref<320000xi32, #tpu.memory_space<hbm>> -> memref<1000xi32, #tpu.memory_space<hbm>>
        tpu.enqueue_dma source(%dma_start3A_472 : memref<1000xi32, #tpu.memory_space<hbm>>) target(%dma_start3A_471 : memref<1000xi32, #tpu.memory_space<vmem>>) target_semaphore(%arg19 : memref<!tpu.dma_semaphore, #tpu.memory_space<semaphore_mem>>)
        %dma_start3A_473 = arith.constant 0 : i32
        %dma_start3A_474 = tpu.memref_slice %arg9[%and3A_462, %dma_start3A_473] : memref<2x1008xi32, #tpu.memory_space<vmem>> -> memref<1x1000xi32, #tpu.memory_space<vmem>>
        %dma_start3A_475 = tpu.memref_squeeze %dma_start3A_474 : memref<1x1000xi32, #tpu.memory_space<vmem>> -> memref<1000xi32, #tpu.memory_space<vmem>>
        %dma_start3A_476 = tpu.memref_slice %arg3[%mul3A_464] : memref<320000xi32, #tpu.memory_space<hbm>> -> memref<1000xi32, #tpu.memory_space<hbm>>
        %dma_start3A_477 = arith.constant 0 : i32
        %dma_start3A_478 = tpu.memref_slice %arg9[%and3A_462, %dma_start3A_477] : memref<2x1008xi32, #tpu.memory_space<vmem>> -> memref<1x1000xi32, #tpu.memory_space<vmem>>
        %dma_start3A_479 = tpu.memref_squeeze %dma_start3A_478 : memref<1x1000xi32, #tpu.memory_space<vmem>> -> memref<1000xi32, #tpu.memory_space<vmem>>
        %dma_start3A_480 = tpu.memref_slice %arg3[%mul3A_464] : memref<320000xi32, #tpu.memory_space<hbm>> -> memref<1000xi32, #tpu.memory_space<hbm>>
        tpu.enqueue_dma source(%dma_start3A_480 : memref<1000xi32, #tpu.memory_space<hbm>>) target(%dma_start3A_479 : memref<1000xi32, #tpu.memory_space<vmem>>) target_semaphore(%arg19 : memref<!tpu.dma_semaphore, #tpu.memory_space<semaphore_mem>>)
        %dma_start3A_481 = arith.constant 0 : i32
        %dma_start3A_482 = tpu.memref_slice %arg10[%and3A_462, %dma_start3A_481] : memref<2x1008xf32, #tpu.memory_space<vmem>> -> memref<1x1000xf32, #tpu.memory_space<vmem>>
        %dma_start3A_483 = tpu.memref_squeeze %dma_start3A_482 : memref<1x1000xf32, #tpu.memory_space<vmem>> -> memref<1000xf32, #tpu.memory_space<vmem>>
        %dma_start3A_484 = tpu.memref_slice %arg4[%mul3A_464] : memref<320000xf32, #tpu.memory_space<hbm>> -> memref<1000xf32, #tpu.memory_space<hbm>>
        %dma_start3A_485 = arith.constant 0 : i32
        %dma_start3A_486 = tpu.memref_slice %arg10[%and3A_462, %dma_start3A_485] : memref<2x1008xf32, #tpu.memory_space<vmem>> -> memref<1x1000xf32, #tpu.memory_space<vmem>>
        %dma_start3A_487 = tpu.memref_squeeze %dma_start3A_486 : memref<1x1000xf32, #tpu.memory_space<vmem>> -> memref<1000xf32, #tpu.memory_space<vmem>>
        %dma_start3A_488 = tpu.memref_slice %arg4[%mul3A_464] : memref<320000xf32, #tpu.memory_space<hbm>> -> memref<1000xf32, #tpu.memory_space<hbm>>
        tpu.enqueue_dma source(%dma_start3A_488 : memref<1000xf32, #tpu.memory_space<hbm>>) target(%dma_start3A_487 : memref<1000xf32, #tpu.memory_space<vmem>>) target_semaphore(%arg19 : memref<!tpu.dma_semaphore, #tpu.memory_space<semaphore_mem>>)
      } else {
      }
      %broadcast_in_dim3A_145 = arith.constant 0 : i32
      "tpu.trace_stop"() : () -> ()
      "tpu.trace_start"() <{level = 10 : i32, message = "sc_filter"}> : () -> ()
      %broadcast_in_dim3A_146 = vector.broadcast %broadcast_in_dim3A_145 : i32 to vector<16xi32>
      %scan3A_147 = arith.constant 0 : i32
      %scan3A_148 = arith.constant 12 : i32
      %scan3A_149 = arith.addi %scan3A_147, %scan3A_148 : i32
      %scan3A_150 = arith.constant 1 : i32
      %scan3A_151 = scf.for %scan3A_459 = %scan3A_147 to %scan3A_149 step %scan3A_150 iter_args(%scan3A_460 = %broadcast_in_dim3A_146) -> (vector<16xi32>)  : i32 {
        %mul3A_461 = arith.constant 5 : i32
        %mul3A_462 = arith.muli %scan3A_459, %mul3A_461 : i32
        %add3A_463 = arith.constant 0 : i32
        %add3A_464 = arith.addi %mul3A_462, %add3A_463 : i32
        %mul3A_465 = arith.constant 16 : i32
        %mul3A_466 = arith.muli %add3A_464, %mul3A_465 : i32
        %get3A_467 = arith.index_cast %and3A_110 : i32 to index
        %get3A_468 = arith.index_cast %mul3A_466 : i32 to index
        %get3A_469 = tpu.vector_load %arg8[%get3A_467, %get3A_468] {strides = array<i32>} : memref<2x1008xi32, #tpu.memory_space<vmem>>, vector<16xi32>,
        %sub3A_470 = vector.broadcast %mul3A_32 : i32 to vector<16xi32>
        %sub3A_471 = arith.subi %get3A_469, %sub3A_470 : vector<16xi32>
        %ge3A_472 = arith.constant 0 : i32
        %ge3A_473 = vector.broadcast %ge3A_472 : i32 to vector<16xi32>
        %ge3A_474 = arith.cmpi sge, %sub3A_471, %ge3A_473 : vector<16xi32>
        %lt3A_475 = arith.constant 2500 : i32
        %lt3A_476 = vector.broadcast %lt3A_475 : i32 to vector<16xi32>
        %lt3A_477 = arith.cmpi slt, %sub3A_471, %lt3A_476 : vector<16xi32>
        %and3A_478 = arith.andi %ge3A_474, %lt3A_477 : vector<16xi1>
        %jit3A_479 = arith.constant 1 : i32
        %jit3A_480 = arith.constant 0 : i32
        %broadcast_in_dim3A_481 = vector.broadcast %jit3A_479 : i32 to vector<16xi32>
        %broadcast_in_dim3A_482 = vector.broadcast %jit3A_480 : i32 to vector<16xi32>
        %select_n3A_483 = arith.select %and3A_478, %broadcast_in_dim3A_481, %broadcast_in_dim3A_482 : vector<16xi1>, vector<16xi32>
        %broadcast_in_dim3A_484 = arith.constant true
        %broadcast_in_dim3A_485 = vector.broadcast %broadcast_in_dim3A_484 : i1 to vector<16xi1>
        %masked_cumsum3A_486 = tpu.scan <sum>, %select_n3A_483 masked %broadcast_in_dim3A_485 : vector<16xi32>, vector<16xi1> -> vector<16xi32>
        %add3A_487 = arith.addi %scan3A_460, %masked_cumsum3A_486 : vector<16xi32>
        %sub3A_488 = arith.constant 1 : i32
        %sub3A_489 = vector.broadcast %sub3A_488 : i32 to vector<16xi32>
        %sub3A_490 = arith.subi %add3A_487, %sub3A_489 : vector<16xi32>
        %mul3A_491 = arith.constant 16 : i32
        %mul3A_492 = arith.muli %add3A_464, %mul3A_491 : i32
        %get3A_493 = arith.index_cast %and3A_110 : i32 to index
        %get3A_494 = arith.index_cast %mul3A_492 : i32 to index
        %get3A_495 = tpu.vector_load %arg9[%get3A_493, %get3A_494] {strides = array<i32>} : memref<2x1008xi32, #tpu.memory_space<vmem>>, vector<16xi32>,
        %add3A_496 = vector.broadcast %select_n3A_30 : i32 to vector<16xi32>
        %add3A_497 = arith.addi %get3A_495, %add3A_496 : vector<16xi32>
        tpu.vector_store_idx %arg11[%sub3A_490], %add3A_497 masked %and3A_478 : memref<1024xi32, #tpu.memory_space<vmem>>[vector<16xi32>], vector<16xi32>, vector<16xi1>
        %scatter3A_498 = arith.constant 0 : i32
        %scatter3A_499 = tpu.memref_slice %arg12[%and3A_110, %scatter3A_498] : memref<2x1024xi32, #tpu.memory_space<vmem>> -> memref<1x1024xi32, #tpu.memory_space<vmem>>
        %scatter3A_500 = tpu.memref_squeeze %scatter3A_499 : memref<1x1024xi32, #tpu.memory_space<vmem>> -> memref<1024xi32, #tpu.memory_space<vmem>>
        tpu.vector_store_idx %scatter3A_500[%sub3A_490], %sub3A_471 masked %and3A_478 : memref<1024xi32, #tpu.memory_space<vmem>>[vector<16xi32>], vector<16xi32>, vector<16xi1>
        %mul3A_501 = arith.constant 16 : i32
        %mul3A_502 = arith.muli %add3A_464, %mul3A_501 : i32
        %get3A_503 = arith.index_cast %and3A_110 : i32 to index
        %get3A_504 = arith.index_cast %mul3A_502 : i32 to index
        %get3A_505 = tpu.vector_load %arg10[%get3A_503, %get3A_504] {strides = array<i32>} : memref<2x1008xf32, #tpu.memory_space<vmem>>, vector<16xf32>,
        %scatter3A_506 = arith.constant 0 : i32
        %scatter3A_507 = tpu.memref_slice %arg13[%and3A_110, %scatter3A_506] : memref<2x1024xf32, #tpu.memory_space<vmem>> -> memref<1x1024xf32, #tpu.memory_space<vmem>>
        %scatter3A_508 = tpu.memref_squeeze %scatter3A_507 : memref<1x1024xf32, #tpu.memory_space<vmem>> -> memref<1024xf32, #tpu.memory_space<vmem>>
        tpu.vector_store_idx %scatter3A_508[%sub3A_490], %get3A_505 masked %and3A_478 : memref<1024xf32, #tpu.memory_space<vmem>>[vector<16xi32>], vector<16xf32>, vector<16xi1>
        %all_reduce_population_count3A_509 = tpu.all_reduce %and3A_478 {dim = 0 : i64, kind = #tpu.reduction_kind<sum>} : vector<16xi1> -> vector<16xi32>
        %add3A_510 = arith.addi %scan3A_460, %all_reduce_population_count3A_509 : vector<16xi32>
        %mul3A_511 = arith.constant 5 : i32
        %mul3A_512 = arith.muli %scan3A_459, %mul3A_511 : i32
        %add3A_513 = arith.constant 1 : i32
        %add3A_514 = arith.addi %mul3A_512, %add3A_513 : i32
        %mul3A_515 = arith.constant 16 : i32
        %mul3A_516 = arith.muli %add3A_514, %mul3A_515 : i32
        %get3A_517 = arith.index_cast %and3A_110 : i32 to index
        %get3A_518 = arith.index_cast %mul3A_516 : i32 to index
        %get3A_519 = tpu.vector_load %arg8[%get3A_517, %get3A_518] {strides = array<i32>} : memref<2x1008xi32, #tpu.memory_space<vmem>>, vector<16xi32>,
        %sub3A_520 = vector.broadcast %mul3A_32 : i32 to vector<16xi32>
        %sub3A_521 = arith.subi %get3A_519, %sub3A_520 : vector<16xi32>
        %ge3A_522 = arith.constant 0 : i32
        %ge3A_523 = vector.broadcast %ge3A_522 : i32 to vector<16xi32>
        %ge3A_524 = arith.cmpi sge, %sub3A_521, %ge3A_523 : vector<16xi32>
        %lt3A_525 = arith.constant 2500 : i32
        %lt3A_526 = vector.broadcast %lt3A_525 : i32 to vector<16xi32>
        %lt3A_527 = arith.cmpi slt, %sub3A_521, %lt3A_526 : vector<16xi32>
        %and3A_528 = arith.andi %ge3A_524, %lt3A_527 : vector<16xi1>
        %jit3A_529 = arith.constant 1 : i32
        %jit3A_530 = arith.constant 0 : i32
        %broadcast_in_dim3A_531 = vector.broadcast %jit3A_529 : i32 to vector<16xi32>
        %broadcast_in_dim3A_532 = vector.broadcast %jit3A_530 : i32 to vector<16xi32>
        %select_n3A_533 = arith.select %and3A_528, %broadcast_in_dim3A_531, %broadcast_in_dim3A_532 : vector<16xi1>, vector<16xi32>
        %broadcast_in_dim3A_534 = arith.constant true
        %broadcast_in_dim3A_535 = vector.broadcast %broadcast_in_dim3A_534 : i1 to vector<16xi1>
        %masked_cumsum3A_536 = tpu.scan <sum>, %select_n3A_533 masked %broadcast_in_dim3A_535 : vector<16xi32>, vector<16xi1> -> vector<16xi32>
        %add3A_537 = arith.addi %add3A_510, %masked_cumsum3A_536 : vector<16xi32>
        %sub3A_538 = arith.constant 1 : i32
        %sub3A_539 = vector.broadcast %sub3A_538 : i32 to vector<16xi32>
        %sub3A_540 = arith.subi %add3A_537, %sub3A_539 : vector<16xi32>
        %mul3A_541 = arith.constant 16 : i32
        %mul3A_542 = arith.muli %add3A_514, %mul3A_541 : i32
        %get3A_543 = arith.index_cast %and3A_110 : i32 to index
        %get3A_544 = arith.index_cast %mul3A_542 : i32 to index
        %get3A_545 = tpu.vector_load %arg9[%get3A_543, %get3A_544] {strides = array<i32>} : memref<2x1008xi32, #tpu.memory_space<vmem>>, vector<16xi32>,
        %add3A_546 = vector.broadcast %select_n3A_30 : i32 to vector<16xi32>
        %add3A_547 = arith.addi %get3A_545, %add3A_546 : vector<16xi32>
        tpu.vector_store_idx %arg11[%sub3A_540], %add3A_547 masked %and3A_528 : memref<1024xi32, #tpu.memory_space<vmem>>[vector<16xi32>], vector<16xi32>, vector<16xi1>
        %scatter3A_548 = arith.constant 0 : i32
        %scatter3A_549 = tpu.memref_slice %arg12[%and3A_110, %scatter3A_548] : memref<2x1024xi32, #tpu.memory_space<vmem>> -> memref<1x1024xi32, #tpu.memory_space<vmem>>
        %scatter3A_550 = tpu.memref_squeeze %scatter3A_549 : memref<1x1024xi32, #tpu.memory_space<vmem>> -> memref<1024xi32, #tpu.memory_space<vmem>>
        tpu.vector_store_idx %scatter3A_550[%sub3A_540], %sub3A_521 masked %and3A_528 : memref<1024xi32, #tpu.memory_space<vmem>>[vector<16xi32>], vector<16xi32>, vector<16xi1>
        %mul3A_551 = arith.constant 16 : i32
        %mul3A_552 = arith.muli %add3A_514, %mul3A_551 : i32
        %get3A_553 = arith.index_cast %and3A_110 : i32 to index
        %get3A_554 = arith.index_cast %mul3A_552 : i32 to index
        %get3A_555 = tpu.vector_load %arg10[%get3A_553, %get3A_554] {strides = array<i32>} : memref<2x1008xf32, #tpu.memory_space<vmem>>, vector<16xf32>,
        %scatter3A_556 = arith.constant 0 : i32
        %scatter3A_557 = tpu.memref_slice %arg13[%and3A_110, %scatter3A_556] : memref<2x1024xf32, #tpu.memory_space<vmem>> -> memref<1x1024xf32, #tpu.memory_space<vmem>>
        %scatter3A_558 = tpu.memref_squeeze %scatter3A_557 : memref<1x1024xf32, #tpu.memory_space<vmem>> -> memref<1024xf32, #tpu.memory_space<vmem>>
        tpu.vector_store_idx %scatter3A_558[%sub3A_540], %get3A_555 masked %and3A_528 : memref<1024xf32, #tpu.memory_space<vmem>>[vector<16xi32>], vector<16xf32>, vector<16xi1>
        %all_reduce_population_count3A_559 = tpu.all_reduce %and3A_528 {dim = 0 : i64, kind = #tpu.reduction_kind<sum>} : vector<16xi1> -> vector<16xi32>
        %add3A_560 = arith.addi %add3A_510, %all_reduce_population_count3A_559 : vector<16xi32>
        %mul3A_561 = arith.constant 5 : i32
        %mul3A_562 = arith.muli %scan3A_459, %mul3A_561 : i32
        %add3A_563 = arith.constant 2 : i32
        %add3A_564 = arith.addi %mul3A_562, %add3A_563 : i32
        %mul3A_565 = arith.constant 16 : i32
        %mul3A_566 = arith.muli %add3A_564, %mul3A_565 : i32
        %get3A_567 = arith.index_cast %and3A_110 : i32 to index
        %get3A_568 = arith.index_cast %mul3A_566 : i32 to index
        %get3A_569 = tpu.vector_load %arg8[%get3A_567, %get3A_568] {strides = array<i32>} : memref<2x1008xi32, #tpu.memory_space<vmem>>, vector<16xi32>,
        %sub3A_570 = vector.broadcast %mul3A_32 : i32 to vector<16xi32>
        %sub3A_571 = arith.subi %get3A_569, %sub3A_570 : vector<16xi32>
        %ge3A_572 = arith.constant 0 : i32
        %ge3A_573 = vector.broadcast %ge3A_572 : i32 to vector<16xi32>
        %ge3A_574 = arith.cmpi sge, %sub3A_571, %ge3A_573 : vector<16xi32>
        %lt3A_575 = arith.constant 2500 : i32
        %lt3A_576 = vector.broadcast %lt3A_575 : i32 to vector<16xi32>
        %lt3A_577 = arith.cmpi slt, %sub3A_571, %lt3A_576 : vector<16xi32>
        %and3A_578 = arith.andi %ge3A_574, %lt3A_577 : vector<16xi1>
        %jit3A_579 = arith.constant 1 : i32
        %jit3A_580 = arith.constant 0 : i32
        %broadcast_in_dim3A_581 = vector.broadcast %jit3A_579 : i32 to vector<16xi32>
        %broadcast_in_dim3A_582 = vector.broadcast %jit3A_580 : i32 to vector<16xi32>
        %select_n3A_583 = arith.select %and3A_578, %broadcast_in_dim3A_581, %broadcast_in_dim3A_582 : vector<16xi1>, vector<16xi32>
        %broadcast_in_dim3A_584 = arith.constant true
        %broadcast_in_dim3A_585 = vector.broadcast %broadcast_in_dim3A_584 : i1 to vector<16xi1>
        %masked_cumsum3A_586 = tpu.scan <sum>, %select_n3A_583 masked %broadcast_in_dim3A_585 : vector<16xi32>, vector<16xi1> -> vector<16xi32>
        %add3A_587 = arith.addi %add3A_560, %masked_cumsum3A_586 : vector<16xi32>
        %sub3A_588 = arith.constant 1 : i32
        %sub3A_589 = vector.broadcast %sub3A_588 : i32 to vector<16xi32>
        %sub3A_590 = arith.subi %add3A_587, %sub3A_589 : vector<16xi32>
        %mul3A_591 = arith.constant 16 : i32
        %mul3A_592 = arith.muli %add3A_564, %mul3A_591 : i32
        %get3A_593 = arith.index_cast %and3A_110 : i32 to index
        %get3A_594 = arith.index_cast %mul3A_592 : i32 to index
        %get3A_595 = tpu.vector_load %arg9[%get3A_593, %get3A_594] {strides = array<i32>} : memref<2x1008xi32, #tpu.memory_space<vmem>>, vector<16xi32>,
        %add3A_596 = vector.broadcast %select_n3A_30 : i32 to vector<16xi32>
        %add3A_597 = arith.addi %get3A_595, %add3A_596 : vector<16xi32>
        tpu.vector_store_idx %arg11[%sub3A_590], %add3A_597 masked %and3A_578 : memref<1024xi32, #tpu.memory_space<vmem>>[vector<16xi32>], vector<16xi32>, vector<16xi1>
        %scatter3A_598 = arith.constant 0 : i32
        %scatter3A_599 = tpu.memref_slice %arg12[%and3A_110, %scatter3A_598] : memref<2x1024xi32, #tpu.memory_space<vmem>> -> memref<1x1024xi32, #tpu.memory_space<vmem>>
        %scatter3A_600 = tpu.memref_squeeze %scatter3A_599 : memref<1x1024xi32, #tpu.memory_space<vmem>> -> memref<1024xi32, #tpu.memory_space<vmem>>
        tpu.vector_store_idx %scatter3A_600[%sub3A_590], %sub3A_571 masked %and3A_578 : memref<1024xi32, #tpu.memory_space<vmem>>[vector<16xi32>], vector<16xi32>, vector<16xi1>
        %mul3A_601 = arith.constant 16 : i32
        %mul3A_602 = arith.muli %add3A_564, %mul3A_601 : i32
        %get3A_603 = arith.index_cast %and3A_110 : i32 to index
        %get3A_604 = arith.index_cast %mul3A_602 : i32 to index
        %get3A_605 = tpu.vector_load %arg10[%get3A_603, %get3A_604] {strides = array<i32>} : memref<2x1008xf32, #tpu.memory_space<vmem>>, vector<16xf32>,
        %scatter3A_606 = arith.constant 0 : i32
        %scatter3A_607 = tpu.memref_slice %arg13[%and3A_110, %scatter3A_606] : memref<2x1024xf32, #tpu.memory_space<vmem>> -> memref<1x1024xf32, #tpu.memory_space<vmem>>
        %scatter3A_608 = tpu.memref_squeeze %scatter3A_607 : memref<1x1024xf32, #tpu.memory_space<vmem>> -> memref<1024xf32, #tpu.memory_space<vmem>>
        tpu.vector_store_idx %scatter3A_608[%sub3A_590], %get3A_605 masked %and3A_578 : memref<1024xf32, #tpu.memory_space<vmem>>[vector<16xi32>], vector<16xf32>, vector<16xi1>
        %all_reduce_population_count3A_609 = tpu.all_reduce %and3A_578 {dim = 0 : i64, kind = #tpu.reduction_kind<sum>} : vector<16xi1> -> vector<16xi32>
        %add3A_610 = arith.addi %add3A_560, %all_reduce_population_count3A_609 : vector<16xi32>
        %mul3A_611 = arith.constant 5 : i32
        %mul3A_612 = arith.muli %scan3A_459, %mul3A_611 : i32
        %add3A_613 = arith.constant 3 : i32
        %add3A_614 = arith.addi %mul3A_612, %add3A_613 : i32
        %mul3A_615 = arith.constant 16 : i32
        %mul3A_616 = arith.muli %add3A_614, %mul3A_615 : i32
        %get3A_617 = arith.index_cast %and3A_110 : i32 to index
        %get3A_618 = arith.index_cast %mul3A_616 : i32 to index
        %get3A_619 = tpu.vector_load %arg8[%get3A_617, %get3A_618] {strides = array<i32>} : memref<2x1008xi32, #tpu.memory_space<vmem>>, vector<16xi32>,
        %sub3A_620 = vector.broadcast %mul3A_32 : i32 to vector<16xi32>
        %sub3A_621 = arith.subi %get3A_619, %sub3A_620 : vector<16xi32>
        %ge3A_622 = arith.constant 0 : i32
        %ge3A_623 = vector.broadcast %ge3A_622 : i32 to vector<16xi32>
        %ge3A_624 = arith.cmpi sge, %sub3A_621, %ge3A_623 : vector<16xi32>
        %lt3A_625 = arith.constant 2500 : i32
        %lt3A_626 = vector.broadcast %lt3A_625 : i32 to vector<16xi32>
        %lt3A_627 = arith.cmpi slt, %sub3A_621, %lt3A_626 : vector<16xi32>
        %and3A_628 = arith.andi %ge3A_624, %lt3A_627 : vector<16xi1>
        %jit3A_629 = arith.constant 1 : i32
        %jit3A_630 = arith.constant 0 : i32
        %broadcast_in_dim3A_631 = vector.broadcast %jit3A_629 : i32 to vector<16xi32>
        %broadcast_in_dim3A_632 = vector.broadcast %jit3A_630 : i32 to vector<16xi32>
        %select_n3A_633 = arith.select %and3A_628, %broadcast_in_dim3A_631, %broadcast_in_dim3A_632 : vector<16xi1>, vector<16xi32>
        %broadcast_in_dim3A_634 = arith.constant true
        %broadcast_in_dim3A_635 = vector.broadcast %broadcast_in_dim3A_634 : i1 to vector<16xi1>
        %masked_cumsum3A_636 = tpu.scan <sum>, %select_n3A_633 masked %broadcast_in_dim3A_635 : vector<16xi32>, vector<16xi1> -> vector<16xi32>
        %add3A_637 = arith.addi %add3A_610, %masked_cumsum3A_636 : vector<16xi32>
        %sub3A_638 = arith.constant 1 : i32
        %sub3A_639 = vector.broadcast %sub3A_638 : i32 to vector<16xi32>
        %sub3A_640 = arith.subi %add3A_637, %sub3A_639 : vector<16xi32>
        %mul3A_641 = arith.constant 16 : i32
        %mul3A_642 = arith.muli %add3A_614, %mul3A_641 : i32
        %get3A_643 = arith.index_cast %and3A_110 : i32 to index
        %get3A_644 = arith.index_cast %mul3A_642 : i32 to index
        %get3A_645 = tpu.vector_load %arg9[%get3A_643, %get3A_644] {strides = array<i32>} : memref<2x1008xi32, #tpu.memory_space<vmem>>, vector<16xi32>,
        %add3A_646 = vector.broadcast %select_n3A_30 : i32 to vector<16xi32>
        %add3A_647 = arith.addi %get3A_645, %add3A_646 : vector<16xi32>
        tpu.vector_store_idx %arg11[%sub3A_640], %add3A_647 masked %and3A_628 : memref<1024xi32, #tpu.memory_space<vmem>>[vector<16xi32>], vector<16xi32>, vector<16xi1>
        %scatter3A_648 = arith.constant 0 : i32
        %scatter3A_649 = tpu.memref_slice %arg12[%and3A_110, %scatter3A_648] : memref<2x1024xi32, #tpu.memory_space<vmem>> -> memref<1x1024xi32, #tpu.memory_space<vmem>>
        %scatter3A_650 = tpu.memref_squeeze %scatter3A_649 : memref<1x1024xi32, #tpu.memory_space<vmem>> -> memref<1024xi32, #tpu.memory_space<vmem>>
        tpu.vector_store_idx %scatter3A_650[%sub3A_640], %sub3A_621 masked %and3A_628 : memref<1024xi32, #tpu.memory_space<vmem>>[vector<16xi32>], vector<16xi32>, vector<16xi1>
        %mul3A_651 = arith.constant 16 : i32
        %mul3A_652 = arith.muli %add3A_614, %mul3A_651 : i32
        %get3A_653 = arith.index_cast %and3A_110 : i32 to index
        %get3A_654 = arith.index_cast %mul3A_652 : i32 to index
        %get3A_655 = tpu.vector_load %arg10[%get3A_653, %get3A_654] {strides = array<i32>} : memref<2x1008xf32, #tpu.memory_space<vmem>>, vector<16xf32>,
        %scatter3A_656 = arith.constant 0 : i32
        %scatter3A_657 = tpu.memref_slice %arg13[%and3A_110, %scatter3A_656] : memref<2x1024xf32, #tpu.memory_space<vmem>> -> memref<1x1024xf32, #tpu.memory_space<vmem>>
        %scatter3A_658 = tpu.memref_squeeze %scatter3A_657 : memref<1x1024xf32, #tpu.memory_space<vmem>> -> memref<1024xf32, #tpu.memory_space<vmem>>
        tpu.vector_store_idx %scatter3A_658[%sub3A_640], %get3A_655 masked %and3A_628 : memref<1024xf32, #tpu.memory_space<vmem>>[vector<16xi32>], vector<16xf32>, vector<16xi1>
        %all_reduce_population_count3A_659 = tpu.all_reduce %and3A_628 {dim = 0 : i64, kind = #tpu.reduction_kind<sum>} : vector<16xi1> -> vector<16xi32>
        %add3A_660 = arith.addi %add3A_610, %all_reduce_population_count3A_659 : vector<16xi32>
        %mul3A_661 = arith.constant 5 : i32
        %mul3A_662 = arith.muli %scan3A_459, %mul3A_661 : i32
        %add3A_663 = arith.constant 4 : i32
        %add3A_664 = arith.addi %mul3A_662, %add3A_663 : i32
        %mul3A_665 = arith.constant 16 : i32
        %mul3A_666 = arith.muli %add3A_664, %mul3A_665 : i32
        %get3A_667 = arith.index_cast %and3A_110 : i32 to index
        %get3A_668 = arith.index_cast %mul3A_666 : i32 to index
        %get3A_669 = tpu.vector_load %arg8[%get3A_667, %get3A_668] {strides = array<i32>} : memref<2x1008xi32, #tpu.memory_space<vmem>>, vector<16xi32>,
        %sub3A_670 = vector.broadcast %mul3A_32 : i32 to vector<16xi32>
        %sub3A_671 = arith.subi %get3A_669, %sub3A_670 : vector<16xi32>
        %ge3A_672 = arith.constant 0 : i32
        %ge3A_673 = vector.broadcast %ge3A_672 : i32 to vector<16xi32>
        %ge3A_674 = arith.cmpi sge, %sub3A_671, %ge3A_673 : vector<16xi32>
        %lt3A_675 = arith.constant 2500 : i32
        %lt3A_676 = vector.broadcast %lt3A_675 : i32 to vector<16xi32>
        %lt3A_677 = arith.cmpi slt, %sub3A_671, %lt3A_676 : vector<16xi32>
        %and3A_678 = arith.andi %ge3A_674, %lt3A_677 : vector<16xi1>
        %jit3A_679 = arith.constant 1 : i32
        %jit3A_680 = arith.constant 0 : i32
        %broadcast_in_dim3A_681 = vector.broadcast %jit3A_679 : i32 to vector<16xi32>
        %broadcast_in_dim3A_682 = vector.broadcast %jit3A_680 : i32 to vector<16xi32>
        %select_n3A_683 = arith.select %and3A_678, %broadcast_in_dim3A_681, %broadcast_in_dim3A_682 : vector<16xi1>, vector<16xi32>
        %broadcast_in_dim3A_684 = arith.constant true
        %broadcast_in_dim3A_685 = vector.broadcast %broadcast_in_dim3A_684 : i1 to vector<16xi1>
        %masked_cumsum3A_686 = tpu.scan <sum>, %select_n3A_683 masked %broadcast_in_dim3A_685 : vector<16xi32>, vector<16xi1> -> vector<16xi32>
        %add3A_687 = arith.addi %add3A_660, %masked_cumsum3A_686 : vector<16xi32>
        %sub3A_688 = arith.constant 1 : i32
        %sub3A_689 = vector.broadcast %sub3A_688 : i32 to vector<16xi32>
        %sub3A_690 = arith.subi %add3A_687, %sub3A_689 : vector<16xi32>
        %mul3A_691 = arith.constant 16 : i32
        %mul3A_692 = arith.muli %add3A_664, %mul3A_691 : i32
        %get3A_693 = arith.index_cast %and3A_110 : i32 to index
        %get3A_694 = arith.index_cast %mul3A_692 : i32 to index
        %get3A_695 = tpu.vector_load %arg9[%get3A_693, %get3A_694] {strides = array<i32>} : memref<2x1008xi32, #tpu.memory_space<vmem>>, vector<16xi32>,
        %add3A_696 = vector.broadcast %select_n3A_30 : i32 to vector<16xi32>
        %add3A_697 = arith.addi %get3A_695, %add3A_696 : vector<16xi32>
        tpu.vector_store_idx %arg11[%sub3A_690], %add3A_697 masked %and3A_678 : memref<1024xi32, #tpu.memory_space<vmem>>[vector<16xi32>], vector<16xi32>, vector<16xi1>
        %scatter3A_698 = arith.constant 0 : i32
        %scatter3A_699 = tpu.memref_slice %arg12[%and3A_110, %scatter3A_698] : memref<2x1024xi32, #tpu.memory_space<vmem>> -> memref<1x1024xi32, #tpu.memory_space<vmem>>
        %scatter3A_700 = tpu.memref_squeeze %scatter3A_699 : memref<1x1024xi32, #tpu.memory_space<vmem>> -> memref<1024xi32, #tpu.memory_space<vmem>>
        tpu.vector_store_idx %scatter3A_700[%sub3A_690], %sub3A_671 masked %and3A_678 : memref<1024xi32, #tpu.memory_space<vmem>>[vector<16xi32>], vector<16xi32>, vector<16xi1>
        %mul3A_701 = arith.constant 16 : i32
        %mul3A_702 = arith.muli %add3A_664, %mul3A_701 : i32
        %get3A_703 = arith.index_cast %and3A_110 : i32 to index
        %get3A_704 = arith.index_cast %mul3A_702 : i32 to index
        %get3A_705 = tpu.vector_load %arg10[%get3A_703, %get3A_704] {strides = array<i32>} : memref<2x1008xf32, #tpu.memory_space<vmem>>, vector<16xf32>,
        %scatter3A_706 = arith.constant 0 : i32
        %scatter3A_707 = tpu.memref_slice %arg13[%and3A_110, %scatter3A_706] : memref<2x1024xf32, #tpu.memory_space<vmem>> -> memref<1x1024xf32, #tpu.memory_space<vmem>>
        %scatter3A_708 = tpu.memref_squeeze %scatter3A_707 : memref<1x1024xf32, #tpu.memory_space<vmem>> -> memref<1024xf32, #tpu.memory_space<vmem>>
        tpu.vector_store_idx %scatter3A_708[%sub3A_690], %get3A_705 masked %and3A_678 : memref<1024xf32, #tpu.memory_space<vmem>>[vector<16xi32>], vector<16xf32>, vector<16xi1>
        %all_reduce_population_count3A_709 = tpu.all_reduce %and3A_678 {dim = 0 : i64, kind = #tpu.reduction_kind<sum>} : vector<16xi1> -> vector<16xi32>
        %add3A_710 = arith.addi %add3A_660, %all_reduce_population_count3A_709 : vector<16xi32>
        scf.yield %add3A_710 : vector<16xi32>
      }
      %scan3A_152 = arith.constant 12 : i32
      %get3A_153 = arith.index_cast %and3A_110 : i32 to index
      %get3A_154 = arith.constant 960 : index
      %get3A_155 = tpu.vector_load %arg8[%get3A_153, %get3A_154] {strides = array<i32>} : memref<2x1008xi32, #tpu.memory_space<vmem>>, vector<16xi32>,
      %sub3A_156 = vector.broadcast %mul3A_32 : i32 to vector<16xi32>
      %sub3A_157 = arith.subi %get3A_155, %sub3A_156 : vector<16xi32>
      %ge3A = arith.constant 0 : i32
      %ge3A_158 = vector.broadcast %ge3A : i32 to vector<16xi32>
      %ge3A_159 = arith.cmpi sge, %sub3A_157, %ge3A_158 : vector<16xi32>
      %lt3A_160 = arith.constant 2500 : i32
      %lt3A_161 = vector.broadcast %lt3A_160 : i32 to vector<16xi32>
      %lt3A_162 = arith.cmpi slt, %sub3A_157, %lt3A_161 : vector<16xi32>
      %and3A_163 = arith.andi %ge3A_159, %lt3A_162 : vector<16xi1>
      %jit3A_164 = arith.constant 1 : i32
      %jit3A_165 = arith.constant 0 : i32
      %broadcast_in_dim3A_166 = vector.broadcast %jit3A_164 : i32 to vector<16xi32>
      %broadcast_in_dim3A_167 = vector.broadcast %jit3A_165 : i32 to vector<16xi32>
      %select_n3A_168 = arith.select %and3A_163, %broadcast_in_dim3A_166, %broadcast_in_dim3A_167 : vector<16xi1>, vector<16xi32>
      %broadcast_in_dim3A_169 = arith.constant true
      %broadcast_in_dim3A_170 = vector.broadcast %broadcast_in_dim3A_169 : i1 to vector<16xi1>
      %masked_cumsum3A = tpu.scan <sum>, %select_n3A_168 masked %broadcast_in_dim3A_170 : vector<16xi32>, vector<16xi1> -> vector<16xi32>
      %add3A_171 = arith.addi %scan3A_151, %masked_cumsum3A : vector<16xi32>
      %sub3A_172 = arith.constant 1 : i32
      %sub3A_173 = vector.broadcast %sub3A_172 : i32 to vector<16xi32>
      %sub3A_174 = arith.subi %add3A_171, %sub3A_173 : vector<16xi32>
      %get3A_175 = arith.index_cast %and3A_110 : i32 to index
      %get3A_176 = arith.constant 960 : index
      %get3A_177 = tpu.vector_load %arg9[%get3A_175, %get3A_176] {strides = array<i32>} : memref<2x1008xi32, #tpu.memory_space<vmem>>, vector<16xi32>,
      %add3A_178 = vector.broadcast %select_n3A_30 : i32 to vector<16xi32>
      %add3A_179 = arith.addi %get3A_177, %add3A_178 : vector<16xi32>
      tpu.vector_store_idx %arg11[%sub3A_174], %add3A_179 masked %and3A_163 : memref<1024xi32, #tpu.memory_space<vmem>>[vector<16xi32>], vector<16xi32>, vector<16xi1>
      %scatter3A = arith.constant 0 : i32
      %scatter3A_180 = tpu.memref_slice %arg12[%and3A_110, %scatter3A] : memref<2x1024xi32, #tpu.memory_space<vmem>> -> memref<1x1024xi32, #tpu.memory_space<vmem>>
      %scatter3A_181 = tpu.memref_squeeze %scatter3A_180 : memref<1x1024xi32, #tpu.memory_space<vmem>> -> memref<1024xi32, #tpu.memory_space<vmem>>
      tpu.vector_store_idx %scatter3A_181[%sub3A_174], %sub3A_157 masked %and3A_163 : memref<1024xi32, #tpu.memory_space<vmem>>[vector<16xi32>], vector<16xi32>, vector<16xi1>
      %get3A_182 = arith.index_cast %and3A_110 : i32 to index
      %get3A_183 = arith.constant 960 : index
      %get3A_184 = tpu.vector_load %arg10[%get3A_182, %get3A_183] {strides = array<i32>} : memref<2x1008xf32, #tpu.memory_space<vmem>>, vector<16xf32>,
      %scatter3A_185 = arith.constant 0 : i32
      %scatter3A_186 = tpu.memref_slice %arg13[%and3A_110, %scatter3A_185] : memref<2x1024xf32, #tpu.memory_space<vmem>> -> memref<1x1024xf32, #tpu.memory_space<vmem>>
      %scatter3A_187 = tpu.memref_squeeze %scatter3A_186 : memref<1x1024xf32, #tpu.memory_space<vmem>> -> memref<1024xf32, #tpu.memory_space<vmem>>
      tpu.vector_store_idx %scatter3A_187[%sub3A_174], %get3A_184 masked %and3A_163 : memref<1024xf32, #tpu.memory_space<vmem>>[vector<16xi32>], vector<16xf32>, vector<16xi1>
      %all_reduce_population_count3A = tpu.all_reduce %and3A_163 {dim = 0 : i64, kind = #tpu.reduction_kind<sum>} : vector<16xi1> -> vector<16xi32>
      %add3A_188 = arith.addi %scan3A_151, %all_reduce_population_count3A : vector<16xi32>
      %get3A_189 = arith.index_cast %and3A_110 : i32 to index
      %get3A_190 = arith.constant 976 : index
      %get3A_191 = tpu.vector_load %arg8[%get3A_189, %get3A_190] {strides = array<i32>} : memref<2x1008xi32, #tpu.memory_space<vmem>>, vector<16xi32>,
      %sub3A_192 = vector.broadcast %mul3A_32 : i32 to vector<16xi32>
      %sub3A_193 = arith.subi %get3A_191, %sub3A_192 : vector<16xi32>
      %ge3A_194 = arith.constant 0 : i32
      %ge3A_195 = vector.broadcast %ge3A_194 : i32 to vector<16xi32>
      %ge3A_196 = arith.cmpi sge, %sub3A_193, %ge3A_195 : vector<16xi32>
      %lt3A_197 = arith.constant 2500 : i32
      %lt3A_198 = vector.broadcast %lt3A_197 : i32 to vector<16xi32>
      %lt3A_199 = arith.cmpi slt, %sub3A_193, %lt3A_198 : vector<16xi32>
      %and3A_200 = arith.andi %ge3A_196, %lt3A_199 : vector<16xi1>
      %jit3A_201 = arith.constant 1 : i32
      %jit3A_202 = arith.constant 0 : i32
      %broadcast_in_dim3A_203 = vector.broadcast %jit3A_201 : i32 to vector<16xi32>
      %broadcast_in_dim3A_204 = vector.broadcast %jit3A_202 : i32 to vector<16xi32>
      %select_n3A_205 = arith.select %and3A_200, %broadcast_in_dim3A_203, %broadcast_in_dim3A_204 : vector<16xi1>, vector<16xi32>
      %broadcast_in_dim3A_206 = arith.constant true
      %broadcast_in_dim3A_207 = vector.broadcast %broadcast_in_dim3A_206 : i1 to vector<16xi1>
      %masked_cumsum3A_208 = tpu.scan <sum>, %select_n3A_205 masked %broadcast_in_dim3A_207 : vector<16xi32>, vector<16xi1> -> vector<16xi32>
      %add3A_209 = arith.addi %add3A_188, %masked_cumsum3A_208 : vector<16xi32>
      %sub3A_210 = arith.constant 1 : i32
      %sub3A_211 = vector.broadcast %sub3A_210 : i32 to vector<16xi32>
      %sub3A_212 = arith.subi %add3A_209, %sub3A_211 : vector<16xi32>
      %get3A_213 = arith.index_cast %and3A_110 : i32 to index
      %get3A_214 = arith.constant 976 : index
      %get3A_215 = tpu.vector_load %arg9[%get3A_213, %get3A_214] {strides = array<i32>} : memref<2x1008xi32, #tpu.memory_space<vmem>>, vector<16xi32>,
      %add3A_216 = vector.broadcast %select_n3A_30 : i32 to vector<16xi32>
      %add3A_217 = arith.addi %get3A_215, %add3A_216 : vector<16xi32>
      tpu.vector_store_idx %arg11[%sub3A_212], %add3A_217 masked %and3A_200 : memref<1024xi32, #tpu.memory_space<vmem>>[vector<16xi32>], vector<16xi32>, vector<16xi1>
      %scatter3A_218 = arith.constant 0 : i32
      %scatter3A_219 = tpu.memref_slice %arg12[%and3A_110, %scatter3A_218] : memref<2x1024xi32, #tpu.memory_space<vmem>> -> memref<1x1024xi32, #tpu.memory_space<vmem>>
      %scatter3A_220 = tpu.memref_squeeze %scatter3A_219 : memref<1x1024xi32, #tpu.memory_space<vmem>> -> memref<1024xi32, #tpu.memory_space<vmem>>
      tpu.vector_store_idx %scatter3A_220[%sub3A_212], %sub3A_193 masked %and3A_200 : memref<1024xi32, #tpu.memory_space<vmem>>[vector<16xi32>], vector<16xi32>, vector<16xi1>
      %get3A_221 = arith.index_cast %and3A_110 : i32 to index
      %get3A_222 = arith.constant 976 : index
      %get3A_223 = tpu.vector_load %arg10[%get3A_221, %get3A_222] {strides = array<i32>} : memref<2x1008xf32, #tpu.memory_space<vmem>>, vector<16xf32>,
      %scatter3A_224 = arith.constant 0 : i32
      %scatter3A_225 = tpu.memref_slice %arg13[%and3A_110, %scatter3A_224] : memref<2x1024xf32, #tpu.memory_space<vmem>> -> memref<1x1024xf32, #tpu.memory_space<vmem>>
      %scatter3A_226 = tpu.memref_squeeze %scatter3A_225 : memref<1x1024xf32, #tpu.memory_space<vmem>> -> memref<1024xf32, #tpu.memory_space<vmem>>
      tpu.vector_store_idx %scatter3A_226[%sub3A_212], %get3A_223 masked %and3A_200 : memref<1024xf32, #tpu.memory_space<vmem>>[vector<16xi32>], vector<16xf32>, vector<16xi1>
      %all_reduce_population_count3A_227 = tpu.all_reduce %and3A_200 {dim = 0 : i64, kind = #tpu.reduction_kind<sum>} : vector<16xi1> -> vector<16xi32>
      %add3A_228 = arith.addi %add3A_188, %all_reduce_population_count3A_227 : vector<16xi32>
      %lt3A_229 = arith.constant 8 : i32
      %lt3A_230 = vector.broadcast %lt3A_229 : i32 to vector<16xi32>
      %lt3A_231 = arith.cmpi slt, %iota3A, %lt3A_230 : vector<16xi32>
      %get3A_232 = arith.index_cast %and3A_110 : i32 to index
      %get3A_233 = arith.constant 992 : index
      %get3A_234 = tpu.vector_load %arg8[%get3A_232, %get3A_233] {strides = array<i32>} : memref<2x1008xi32, #tpu.memory_space<vmem>>, vector<16xi32>,
      %sub3A_235 = vector.broadcast %mul3A_32 : i32 to vector<16xi32>
      %sub3A_236 = arith.subi %get3A_234, %sub3A_235 : vector<16xi32>
      %ge3A_237 = arith.constant 0 : i32
      %ge3A_238 = vector.broadcast %ge3A_237 : i32 to vector<16xi32>
      %ge3A_239 = arith.cmpi sge, %sub3A_236, %ge3A_238 : vector<16xi32>
      %lt3A_240 = arith.constant 2500 : i32
      %lt3A_241 = vector.broadcast %lt3A_240 : i32 to vector<16xi32>
      %lt3A_242 = arith.cmpi slt, %sub3A_236, %lt3A_241 : vector<16xi32>
      %and3A_243 = arith.andi %ge3A_239, %lt3A_242 : vector<16xi1>
      %and3A_244 = arith.andi %and3A_243, %lt3A_231 : vector<16xi1>
      %jit3A_245 = arith.constant 1 : i32
      %jit3A_246 = arith.constant 0 : i32
      %broadcast_in_dim3A_247 = vector.broadcast %jit3A_245 : i32 to vector<16xi32>
      %broadcast_in_dim3A_248 = vector.broadcast %jit3A_246 : i32 to vector<16xi32>
      %select_n3A_249 = arith.select %and3A_244, %broadcast_in_dim3A_247, %broadcast_in_dim3A_248 : vector<16xi1>, vector<16xi32>
      %broadcast_in_dim3A_250 = arith.constant true
      %broadcast_in_dim3A_251 = vector.broadcast %broadcast_in_dim3A_250 : i1 to vector<16xi1>
      %masked_cumsum3A_252 = tpu.scan <sum>, %select_n3A_249 masked %broadcast_in_dim3A_251 : vector<16xi32>, vector<16xi1> -> vector<16xi32>
      %add3A_253 = arith.addi %add3A_228, %masked_cumsum3A_252 : vector<16xi32>
      %sub3A_254 = arith.constant 1 : i32
      %sub3A_255 = vector.broadcast %sub3A_254 : i32 to vector<16xi32>
      %sub3A_256 = arith.subi %add3A_253, %sub3A_255 : vector<16xi32>
      %get3A_257 = arith.index_cast %and3A_110 : i32 to index
      %get3A_258 = arith.constant 992 : index
      %get3A_259 = tpu.vector_load %arg9[%get3A_257, %get3A_258] {strides = array<i32>} : memref<2x1008xi32, #tpu.memory_space<vmem>>, vector<16xi32>,
      %add3A_260 = vector.broadcast %select_n3A_30 : i32 to vector<16xi32>
      %add3A_261 = arith.addi %get3A_259, %add3A_260 : vector<16xi32>
      tpu.vector_store_idx %arg11[%sub3A_256], %add3A_261 masked %and3A_244 : memref<1024xi32, #tpu.memory_space<vmem>>[vector<16xi32>], vector<16xi32>, vector<16xi1>
      %scatter3A_262 = arith.constant 0 : i32
      %scatter3A_263 = tpu.memref_slice %arg12[%and3A_110, %scatter3A_262] : memref<2x1024xi32, #tpu.memory_space<vmem>> -> memref<1x1024xi32, #tpu.memory_space<vmem>>
      %scatter3A_264 = tpu.memref_squeeze %scatter3A_263 : memref<1x1024xi32, #tpu.memory_space<vmem>> -> memref<1024xi32, #tpu.memory_space<vmem>>
      tpu.vector_store_idx %scatter3A_264[%sub3A_256], %sub3A_236 masked %and3A_244 : memref<1024xi32, #tpu.memory_space<vmem>>[vector<16xi32>], vector<16xi32>, vector<16xi1>
      %get3A_265 = arith.index_cast %and3A_110 : i32 to index
      %get3A_266 = arith.constant 992 : index
      %get3A_267 = tpu.vector_load %arg10[%get3A_265, %get3A_266] {strides = array<i32>} : memref<2x1008xf32, #tpu.memory_space<vmem>>, vector<16xf32>,
      %scatter3A_268 = arith.constant 0 : i32
      %scatter3A_269 = tpu.memref_slice %arg13[%and3A_110, %scatter3A_268] : memref<2x1024xf32, #tpu.memory_space<vmem>> -> memref<1x1024xf32, #tpu.memory_space<vmem>>
      %scatter3A_270 = tpu.memref_squeeze %scatter3A_269 : memref<1x1024xf32, #tpu.memory_space<vmem>> -> memref<1024xf32, #tpu.memory_space<vmem>>
      tpu.vector_store_idx %scatter3A_270[%sub3A_256], %get3A_267 masked %and3A_244 : memref<1024xf32, #tpu.memory_space<vmem>>[vector<16xi32>], vector<16xf32>, vector<16xi1>
      %all_reduce_population_count3A_271 = tpu.all_reduce %and3A_244 {dim = 0 : i64, kind = #tpu.reduction_kind<sum>} : vector<16xi1> -> vector<16xi32>
      %add3A_272 = arith.addi %add3A_228, %all_reduce_population_count3A_271 : vector<16xi32>
      %reduce_max3A = arith.constant true
      %reduce_max3A_273 = vector.broadcast %reduce_max3A : i1 to vector<16xi1>
      %reduce_max3A_274 = arith.constant -2147483648 : i32
      %reduce_max3A_275 = vector.broadcast %reduce_max3A_274 : i32 to vector<16xi32>
      %reduce_max3A_276 = arith.xori %add3A_272, %reduce_max3A_275 : vector<16xi32>
      %reduce_max3A_277 = tpu.scan <max>, %reduce_max3A_276 masked %reduce_max3A_273 : vector<16xi32>, vector<16xi1> -> vector<16xi32>
      %reduce_max3A_278 = arith.xori %reduce_max3A_277, %reduce_max3A_275 : vector<16xi32>
      %reduce_max3A_279 = vector.extract %reduce_max3A_278[15] : i32 from vector<16xi32>
      %and3A_280 = arith.constant 1 : i32
      %and3A_281 = arith.andi %reduce_max3A_279, %and3A_280 : i32
      %gt3A = arith.constant 0 : i32
      %gt3A_282 = arith.cmpi sgt, %and3A_281, %gt3A : i32
      %convert_element_type3A_283 = arith.extui %gt3A_282 : i1 to i32
      %cond3A_284 = arith.constant 0 : i32
      %cond3A_285 = arith.cmpi ne, %convert_element_type3A_283, %cond3A_284 : i32
      scf.if %cond3A_285 {
        %broadcast_in_dim3A_459 = vector.broadcast %reduce_max3A_279 : i32 to vector<16xi32>
        %add3A_460 = arith.addi %broadcast_in_dim3A_459, %iota3A : vector<16xi32>
        %lt3A_461 = vector.broadcast %and3A_281 : i32 to vector<16xi32>
        %lt3A_462 = arith.cmpi slt, %iota3A, %lt3A_461 : vector<16xi32>
        %broadcast_in_dim3A_463 = arith.constant 2500 : i32
        %broadcast_in_dim3A_464 = vector.broadcast %broadcast_in_dim3A_463 : i32 to vector<16xi32>
        %scatter3A_465 = arith.constant 0 : i32
        %scatter3A_466 = tpu.memref_slice %arg12[%and3A_110, %scatter3A_465] : memref<2x1024xi32, #tpu.memory_space<vmem>> -> memref<1x1024xi32, #tpu.memory_space<vmem>>
        %scatter3A_467 = tpu.memref_squeeze %scatter3A_466 : memref<1x1024xi32, #tpu.memory_space<vmem>> -> memref<1024xi32, #tpu.memory_space<vmem>>
        tpu.vector_store_idx %scatter3A_467[%add3A_460], %broadcast_in_dim3A_464 masked %lt3A_462 : memref<1024xi32, #tpu.memory_space<vmem>>[vector<16xi32>], vector<16xi32>, vector<16xi1>
        %broadcast_in_dim3A_468 = arith.constant 0.000000e+00 : f32
        %broadcast_in_dim3A_469 = vector.broadcast %broadcast_in_dim3A_468 : f32 to vector<16xf32>
        %scatter3A_470 = arith.constant 0 : i32
        %scatter3A_471 = tpu.memref_slice %arg13[%and3A_110, %scatter3A_470] : memref<2x1024xf32, #tpu.memory_space<vmem>> -> memref<1x1024xf32, #tpu.memory_space<vmem>>
        %scatter3A_472 = tpu.memref_squeeze %scatter3A_471 : memref<1x1024xf32, #tpu.memory_space<vmem>> -> memref<1024xf32, #tpu.memory_space<vmem>>
        tpu.vector_store_idx %scatter3A_472[%add3A_460], %broadcast_in_dim3A_469 masked %lt3A_462 : memref<1024xf32, #tpu.memory_space<vmem>>[vector<16xi32>], vector<16xf32>, vector<16xi1>
        tpu.vector_store_idx %arg11[%add3A_460], %broadcast_in_dim3A_38 masked %lt3A_462 : memref<1024xi32, #tpu.memory_space<vmem>>[vector<16xi32>], vector<16xi32>, vector<16xi1>
      } else {
      }
      %add3A_286 = arith.addi %reduce_max3A_279, %and3A_281 : i32
      %gt3A_287 = arith.constant 0 : i32
      "tpu.trace_stop"() : () -> ()
      "tpu.trace_start"() <{level = 10 : i32, message = "sc_gather_start"}> : () -> ()
      %gt3A_288 = arith.cmpi sgt, %add3A_286, %gt3A_287 : i32
      %convert_element_type3A_289 = arith.extui %gt3A_288 : i1 to i32
      %cond3A_290 = arith.constant 0 : i32
      %cond3A_291 = arith.cmpi ne, %convert_element_type3A_289, %cond3A_290 : i32
      scf.if %cond3A_291 {
        %dma_start3A_459 = arith.constant 0 : i32
        %dma_start3A_460 = arith.constant 0 : i32
        %dma_start3A_461 = tpu.memref_slice %arg14[%and3A_110, %dma_start3A_459, %dma_start3A_460] : memref<2x1024x16xf32, #tpu.memory_space<vmem>> -> memref<1x64x16xf32, #tpu.memory_space<vmem>>
        %dma_start3A_462 = tpu.memref_squeeze %dma_start3A_461 : memref<1x64x16xf32, #tpu.memory_space<vmem>> -> memref<64x16xf32, #tpu.memory_space<vmem>>
        %dma_start3A_463 = arith.constant 0 : i32
        %dma_start3A_464 = tpu.memref_slice %arg11[%dma_start3A_463] : memref<1024xi32, #tpu.memory_space<vmem>> -> memref<64xi32, #tpu.memory_space<vmem>>
        %dma_start3A_465 = arith.constant 0 : i32
        %dma_start3A_466 = arith.constant 0 : i32
        %dma_start3A_467 = tpu.memref_slice %arg5[%dma_start3A_465, %dma_start3A_466] : memref<80000x16xf32, #tpu.memory_space<hbm>> -> memref<80000x16xf32, #tpu.memory_space<hbm>>
        tpu.enqueue_indirect_dma source(%dma_start3A_467 : memref<80000x16xf32, #tpu.memory_space<hbm>>) target(%dma_start3A_462 : memref<64x16xf32, #tpu.memory_space<vmem>>) offsets(%dma_start3A_464 : memref<64xi32, #tpu.memory_space<vmem>>) semaphore(%arg18 : memref<!tpu.dma_semaphore, #tpu.memory_space<semaphore_mem>>)
      } else {
      }
      %gt3A_292 = arith.constant 64 : i32
      %gt3A_293 = arith.cmpi sgt, %add3A_286, %gt3A_292 : i32
      %convert_element_type3A_294 = arith.extui %gt3A_293 : i1 to i32
      %cond3A_295 = arith.constant 0 : i32
      %cond3A_296 = arith.cmpi ne, %convert_element_type3A_294, %cond3A_295 : i32
      scf.if %cond3A_296 {
        %dma_start3A_459 = arith.constant 64 : i32
        %dma_start3A_460 = arith.constant 0 : i32
        %dma_start3A_461 = tpu.memref_slice %arg14[%and3A_110, %dma_start3A_459, %dma_start3A_460] : memref<2x1024x16xf32, #tpu.memory_space<vmem>> -> memref<1x64x16xf32, #tpu.memory_space<vmem>>
        %dma_start3A_462 = tpu.memref_squeeze %dma_start3A_461 : memref<1x64x16xf32, #tpu.memory_space<vmem>> -> memref<64x16xf32, #tpu.memory_space<vmem>>
        %dma_start3A_463 = arith.constant 64 : i32
        %dma_start3A_464 = tpu.memref_slice %arg11[%dma_start3A_463] : memref<1024xi32, #tpu.memory_space<vmem>> -> memref<64xi32, #tpu.memory_space<vmem>>
        %dma_start3A_465 = arith.constant 0 : i32
        %dma_start3A_466 = arith.constant 0 : i32
        %dma_start3A_467 = tpu.memref_slice %arg5[%dma_start3A_465, %dma_start3A_466] : memref<80000x16xf32, #tpu.memory_space<hbm>> -> memref<80000x16xf32, #tpu.memory_space<hbm>>
        tpu.enqueue_indirect_dma source(%dma_start3A_467 : memref<80000x16xf32, #tpu.memory_space<hbm>>) target(%dma_start3A_462 : memref<64x16xf32, #tpu.memory_space<vmem>>) offsets(%dma_start3A_464 : memref<64xi32, #tpu.memory_space<vmem>>) semaphore(%arg18 : memref<!tpu.dma_semaphore, #tpu.memory_space<semaphore_mem>>)
      } else {
      }
      %gt3A_297 = arith.constant 128 : i32
      %gt3A_298 = arith.cmpi sgt, %add3A_286, %gt3A_297 : i32
      %convert_element_type3A_299 = arith.extui %gt3A_298 : i1 to i32
      %cond3A_300 = arith.constant 0 : i32
      %cond3A_301 = arith.cmpi ne, %convert_element_type3A_299, %cond3A_300 : i32
      scf.if %cond3A_301 {
        %dma_start3A_459 = arith.constant 128 : i32
        %dma_start3A_460 = arith.constant 0 : i32
        %dma_start3A_461 = tpu.memref_slice %arg14[%and3A_110, %dma_start3A_459, %dma_start3A_460] : memref<2x1024x16xf32, #tpu.memory_space<vmem>> -> memref<1x64x16xf32, #tpu.memory_space<vmem>>
        %dma_start3A_462 = tpu.memref_squeeze %dma_start3A_461 : memref<1x64x16xf32, #tpu.memory_space<vmem>> -> memref<64x16xf32, #tpu.memory_space<vmem>>
        %dma_start3A_463 = arith.constant 128 : i32
        %dma_start3A_464 = tpu.memref_slice %arg11[%dma_start3A_463] : memref<1024xi32, #tpu.memory_space<vmem>> -> memref<64xi32, #tpu.memory_space<vmem>>
        %dma_start3A_465 = arith.constant 0 : i32
        %dma_start3A_466 = arith.constant 0 : i32
        %dma_start3A_467 = tpu.memref_slice %arg5[%dma_start3A_465, %dma_start3A_466] : memref<80000x16xf32, #tpu.memory_space<hbm>> -> memref<80000x16xf32, #tpu.memory_space<hbm>>
        tpu.enqueue_indirect_dma source(%dma_start3A_467 : memref<80000x16xf32, #tpu.memory_space<hbm>>) target(%dma_start3A_462 : memref<64x16xf32, #tpu.memory_space<vmem>>) offsets(%dma_start3A_464 : memref<64xi32, #tpu.memory_space<vmem>>) semaphore(%arg18 : memref<!tpu.dma_semaphore, #tpu.memory_space<semaphore_mem>>)
      } else {
      }
      %gt3A_302 = arith.constant 192 : i32
      %gt3A_303 = arith.cmpi sgt, %add3A_286, %gt3A_302 : i32
      %convert_element_type3A_304 = arith.extui %gt3A_303 : i1 to i32
      %cond3A_305 = arith.constant 0 : i32
      %cond3A_306 = arith.cmpi ne, %convert_element_type3A_304, %cond3A_305 : i32
      scf.if %cond3A_306 {
        %dma_start3A_459 = arith.constant 192 : i32
        %dma_start3A_460 = arith.constant 0 : i32
        %dma_start3A_461 = tpu.memref_slice %arg14[%and3A_110, %dma_start3A_459, %dma_start3A_460] : memref<2x1024x16xf32, #tpu.memory_space<vmem>> -> memref<1x64x16xf32, #tpu.memory_space<vmem>>
        %dma_start3A_462 = tpu.memref_squeeze %dma_start3A_461 : memref<1x64x16xf32, #tpu.memory_space<vmem>> -> memref<64x16xf32, #tpu.memory_space<vmem>>
        %dma_start3A_463 = arith.constant 192 : i32
        %dma_start3A_464 = tpu.memref_slice %arg11[%dma_start3A_463] : memref<1024xi32, #tpu.memory_space<vmem>> -> memref<64xi32, #tpu.memory_space<vmem>>
        %dma_start3A_465 = arith.constant 0 : i32
        %dma_start3A_466 = arith.constant 0 : i32
        %dma_start3A_467 = tpu.memref_slice %arg5[%dma_start3A_465, %dma_start3A_466] : memref<80000x16xf32, #tpu.memory_space<hbm>> -> memref<80000x16xf32, #tpu.memory_space<hbm>>
        tpu.enqueue_indirect_dma source(%dma_start3A_467 : memref<80000x16xf32, #tpu.memory_space<hbm>>) target(%dma_start3A_462 : memref<64x16xf32, #tpu.memory_space<vmem>>) offsets(%dma_start3A_464 : memref<64xi32, #tpu.memory_space<vmem>>) semaphore(%arg18 : memref<!tpu.dma_semaphore, #tpu.memory_space<semaphore_mem>>)
      } else {
      }
      %gt3A_307 = arith.constant 256 : i32
      %gt3A_308 = arith.cmpi sgt, %add3A_286, %gt3A_307 : i32
      %convert_element_type3A_309 = arith.extui %gt3A_308 : i1 to i32
      %cond3A_310 = arith.constant 0 : i32
      %cond3A_311 = arith.cmpi ne, %convert_element_type3A_309, %cond3A_310 : i32
      scf.if %cond3A_311 {
        %dma_start3A_459 = arith.constant 256 : i32
        %dma_start3A_460 = arith.constant 0 : i32
        %dma_start3A_461 = tpu.memref_slice %arg14[%and3A_110, %dma_start3A_459, %dma_start3A_460] : memref<2x1024x16xf32, #tpu.memory_space<vmem>> -> memref<1x64x16xf32, #tpu.memory_space<vmem>>
        %dma_start3A_462 = tpu.memref_squeeze %dma_start3A_461 : memref<1x64x16xf32, #tpu.memory_space<vmem>> -> memref<64x16xf32, #tpu.memory_space<vmem>>
        %dma_start3A_463 = arith.constant 256 : i32
        %dma_start3A_464 = tpu.memref_slice %arg11[%dma_start3A_463] : memref<1024xi32, #tpu.memory_space<vmem>> -> memref<64xi32, #tpu.memory_space<vmem>>
        %dma_start3A_465 = arith.constant 0 : i32
        %dma_start3A_466 = arith.constant 0 : i32
        %dma_start3A_467 = tpu.memref_slice %arg5[%dma_start3A_465, %dma_start3A_466] : memref<80000x16xf32, #tpu.memory_space<hbm>> -> memref<80000x16xf32, #tpu.memory_space<hbm>>
        tpu.enqueue_indirect_dma source(%dma_start3A_467 : memref<80000x16xf32, #tpu.memory_space<hbm>>) target(%dma_start3A_462 : memref<64x16xf32, #tpu.memory_space<vmem>>) offsets(%dma_start3A_464 : memref<64xi32, #tpu.memory_space<vmem>>) semaphore(%arg18 : memref<!tpu.dma_semaphore, #tpu.memory_space<semaphore_mem>>)
      } else {
      }
      %gt3A_312 = arith.constant 320 : i32
      %gt3A_313 = arith.cmpi sgt, %add3A_286, %gt3A_312 : i32
      %convert_element_type3A_314 = arith.extui %gt3A_313 : i1 to i32
      %cond3A_315 = arith.constant 0 : i32
      %cond3A_316 = arith.cmpi ne, %convert_element_type3A_314, %cond3A_315 : i32
      scf.if %cond3A_316 {
        %dma_start3A_459 = arith.constant 320 : i32
        %dma_start3A_460 = arith.constant 0 : i32
        %dma_start3A_461 = tpu.memref_slice %arg14[%and3A_110, %dma_start3A_459, %dma_start3A_460] : memref<2x1024x16xf32, #tpu.memory_space<vmem>> -> memref<1x64x16xf32, #tpu.memory_space<vmem>>
        %dma_start3A_462 = tpu.memref_squeeze %dma_start3A_461 : memref<1x64x16xf32, #tpu.memory_space<vmem>> -> memref<64x16xf32, #tpu.memory_space<vmem>>
        %dma_start3A_463 = arith.constant 320 : i32
        %dma_start3A_464 = tpu.memref_slice %arg11[%dma_start3A_463] : memref<1024xi32, #tpu.memory_space<vmem>> -> memref<64xi32, #tpu.memory_space<vmem>>
        %dma_start3A_465 = arith.constant 0 : i32
        %dma_start3A_466 = arith.constant 0 : i32
        %dma_start3A_467 = tpu.memref_slice %arg5[%dma_start3A_465, %dma_start3A_466] : memref<80000x16xf32, #tpu.memory_space<hbm>> -> memref<80000x16xf32, #tpu.memory_space<hbm>>
        tpu.enqueue_indirect_dma source(%dma_start3A_467 : memref<80000x16xf32, #tpu.memory_space<hbm>>) target(%dma_start3A_462 : memref<64x16xf32, #tpu.memory_space<vmem>>) offsets(%dma_start3A_464 : memref<64xi32, #tpu.memory_space<vmem>>) semaphore(%arg18 : memref<!tpu.dma_semaphore, #tpu.memory_space<semaphore_mem>>)
      } else {
      }
      %gt3A_317 = arith.constant 384 : i32
      %gt3A_318 = arith.cmpi sgt, %add3A_286, %gt3A_317 : i32
      %convert_element_type3A_319 = arith.extui %gt3A_318 : i1 to i32
      %cond3A_320 = arith.constant 0 : i32
      %cond3A_321 = arith.cmpi ne, %convert_element_type3A_319, %cond3A_320 : i32
      scf.if %cond3A_321 {
        %dma_start3A_459 = arith.constant 384 : i32
        %dma_start3A_460 = arith.constant 0 : i32
        %dma_start3A_461 = tpu.memref_slice %arg14[%and3A_110, %dma_start3A_459, %dma_start3A_460] : memref<2x1024x16xf32, #tpu.memory_space<vmem>> -> memref<1x64x16xf32, #tpu.memory_space<vmem>>
        %dma_start3A_462 = tpu.memref_squeeze %dma_start3A_461 : memref<1x64x16xf32, #tpu.memory_space<vmem>> -> memref<64x16xf32, #tpu.memory_space<vmem>>
        %dma_start3A_463 = arith.constant 384 : i32
        %dma_start3A_464 = tpu.memref_slice %arg11[%dma_start3A_463] : memref<1024xi32, #tpu.memory_space<vmem>> -> memref<64xi32, #tpu.memory_space<vmem>>
        %dma_start3A_465 = arith.constant 0 : i32
        %dma_start3A_466 = arith.constant 0 : i32
        %dma_start3A_467 = tpu.memref_slice %arg5[%dma_start3A_465, %dma_start3A_466] : memref<80000x16xf32, #tpu.memory_space<hbm>> -> memref<80000x16xf32, #tpu.memory_space<hbm>>
        tpu.enqueue_indirect_dma source(%dma_start3A_467 : memref<80000x16xf32, #tpu.memory_space<hbm>>) target(%dma_start3A_462 : memref<64x16xf32, #tpu.memory_space<vmem>>) offsets(%dma_start3A_464 : memref<64xi32, #tpu.memory_space<vmem>>) semaphore(%arg18 : memref<!tpu.dma_semaphore, #tpu.memory_space<semaphore_mem>>)
      } else {
      }
      %gt3A_322 = arith.constant 448 : i32
      %gt3A_323 = arith.cmpi sgt, %add3A_286, %gt3A_322 : i32
      %convert_element_type3A_324 = arith.extui %gt3A_323 : i1 to i32
      %cond3A_325 = arith.constant 0 : i32
      %cond3A_326 = arith.cmpi ne, %convert_element_type3A_324, %cond3A_325 : i32
      scf.if %cond3A_326 {
        %dma_start3A_459 = arith.constant 448 : i32
        %dma_start3A_460 = arith.constant 0 : i32
        %dma_start3A_461 = tpu.memref_slice %arg14[%and3A_110, %dma_start3A_459, %dma_start3A_460] : memref<2x1024x16xf32, #tpu.memory_space<vmem>> -> memref<1x64x16xf32, #tpu.memory_space<vmem>>
        %dma_start3A_462 = tpu.memref_squeeze %dma_start3A_461 : memref<1x64x16xf32, #tpu.memory_space<vmem>> -> memref<64x16xf32, #tpu.memory_space<vmem>>
        %dma_start3A_463 = arith.constant 448 : i32
        %dma_start3A_464 = tpu.memref_slice %arg11[%dma_start3A_463] : memref<1024xi32, #tpu.memory_space<vmem>> -> memref<64xi32, #tpu.memory_space<vmem>>
        %dma_start3A_465 = arith.constant 0 : i32
        %dma_start3A_466 = arith.constant 0 : i32
        %dma_start3A_467 = tpu.memref_slice %arg5[%dma_start3A_465, %dma_start3A_466] : memref<80000x16xf32, #tpu.memory_space<hbm>> -> memref<80000x16xf32, #tpu.memory_space<hbm>>
        tpu.enqueue_indirect_dma source(%dma_start3A_467 : memref<80000x16xf32, #tpu.memory_space<hbm>>) target(%dma_start3A_462 : memref<64x16xf32, #tpu.memory_space<vmem>>) offsets(%dma_start3A_464 : memref<64xi32, #tpu.memory_space<vmem>>) semaphore(%arg18 : memref<!tpu.dma_semaphore, #tpu.memory_space<semaphore_mem>>)
      } else {
      }
      %gt3A_327 = arith.constant 512 : i32
      %gt3A_328 = arith.cmpi sgt, %add3A_286, %gt3A_327 : i32
      %convert_element_type3A_329 = arith.extui %gt3A_328 : i1 to i32
      %cond3A_330 = arith.constant 0 : i32
      %cond3A_331 = arith.cmpi ne, %convert_element_type3A_329, %cond3A_330 : i32
      scf.if %cond3A_331 {
        %dma_start3A_459 = arith.constant 512 : i32
        %dma_start3A_460 = arith.constant 0 : i32
        %dma_start3A_461 = tpu.memref_slice %arg14[%and3A_110, %dma_start3A_459, %dma_start3A_460] : memref<2x1024x16xf32, #tpu.memory_space<vmem>> -> memref<1x64x16xf32, #tpu.memory_space<vmem>>
        %dma_start3A_462 = tpu.memref_squeeze %dma_start3A_461 : memref<1x64x16xf32, #tpu.memory_space<vmem>> -> memref<64x16xf32, #tpu.memory_space<vmem>>
        %dma_start3A_463 = arith.constant 512 : i32
        %dma_start3A_464 = tpu.memref_slice %arg11[%dma_start3A_463] : memref<1024xi32, #tpu.memory_space<vmem>> -> memref<64xi32, #tpu.memory_space<vmem>>
        %dma_start3A_465 = arith.constant 0 : i32
        %dma_start3A_466 = arith.constant 0 : i32
        %dma_start3A_467 = tpu.memref_slice %arg5[%dma_start3A_465, %dma_start3A_466] : memref<80000x16xf32, #tpu.memory_space<hbm>> -> memref<80000x16xf32, #tpu.memory_space<hbm>>
        tpu.enqueue_indirect_dma source(%dma_start3A_467 : memref<80000x16xf32, #tpu.memory_space<hbm>>) target(%dma_start3A_462 : memref<64x16xf32, #tpu.memory_space<vmem>>) offsets(%dma_start3A_464 : memref<64xi32, #tpu.memory_space<vmem>>) semaphore(%arg18 : memref<!tpu.dma_semaphore, #tpu.memory_space<semaphore_mem>>)
      } else {
      }
      %gt3A_332 = arith.constant 576 : i32
      %gt3A_333 = arith.cmpi sgt, %add3A_286, %gt3A_332 : i32
      %convert_element_type3A_334 = arith.extui %gt3A_333 : i1 to i32
      %cond3A_335 = arith.constant 0 : i32
      %cond3A_336 = arith.cmpi ne, %convert_element_type3A_334, %cond3A_335 : i32
      scf.if %cond3A_336 {
        %dma_start3A_459 = arith.constant 576 : i32
        %dma_start3A_460 = arith.constant 0 : i32
        %dma_start3A_461 = tpu.memref_slice %arg14[%and3A_110, %dma_start3A_459, %dma_start3A_460] : memref<2x1024x16xf32, #tpu.memory_space<vmem>> -> memref<1x64x16xf32, #tpu.memory_space<vmem>>
        %dma_start3A_462 = tpu.memref_squeeze %dma_start3A_461 : memref<1x64x16xf32, #tpu.memory_space<vmem>> -> memref<64x16xf32, #tpu.memory_space<vmem>>
        %dma_start3A_463 = arith.constant 576 : i32
        %dma_start3A_464 = tpu.memref_slice %arg11[%dma_start3A_463] : memref<1024xi32, #tpu.memory_space<vmem>> -> memref<64xi32, #tpu.memory_space<vmem>>
        %dma_start3A_465 = arith.constant 0 : i32
        %dma_start3A_466 = arith.constant 0 : i32
        %dma_start3A_467 = tpu.memref_slice %arg5[%dma_start3A_465, %dma_start3A_466] : memref<80000x16xf32, #tpu.memory_space<hbm>> -> memref<80000x16xf32, #tpu.memory_space<hbm>>
        tpu.enqueue_indirect_dma source(%dma_start3A_467 : memref<80000x16xf32, #tpu.memory_space<hbm>>) target(%dma_start3A_462 : memref<64x16xf32, #tpu.memory_space<vmem>>) offsets(%dma_start3A_464 : memref<64xi32, #tpu.memory_space<vmem>>) semaphore(%arg18 : memref<!tpu.dma_semaphore, #tpu.memory_space<semaphore_mem>>)
      } else {
      }
      %gt3A_337 = arith.constant 640 : i32
      %gt3A_338 = arith.cmpi sgt, %add3A_286, %gt3A_337 : i32
      %convert_element_type3A_339 = arith.extui %gt3A_338 : i1 to i32
      %cond3A_340 = arith.constant 0 : i32
      %cond3A_341 = arith.cmpi ne, %convert_element_type3A_339, %cond3A_340 : i32
      scf.if %cond3A_341 {
        %dma_start3A_459 = arith.constant 640 : i32
        %dma_start3A_460 = arith.constant 0 : i32
        %dma_start3A_461 = tpu.memref_slice %arg14[%and3A_110, %dma_start3A_459, %dma_start3A_460] : memref<2x1024x16xf32, #tpu.memory_space<vmem>> -> memref<1x64x16xf32, #tpu.memory_space<vmem>>
        %dma_start3A_462 = tpu.memref_squeeze %dma_start3A_461 : memref<1x64x16xf32, #tpu.memory_space<vmem>> -> memref<64x16xf32, #tpu.memory_space<vmem>>
        %dma_start3A_463 = arith.constant 640 : i32
        %dma_start3A_464 = tpu.memref_slice %arg11[%dma_start3A_463] : memref<1024xi32, #tpu.memory_space<vmem>> -> memref<64xi32, #tpu.memory_space<vmem>>
        %dma_start3A_465 = arith.constant 0 : i32
        %dma_start3A_466 = arith.constant 0 : i32
        %dma_start3A_467 = tpu.memref_slice %arg5[%dma_start3A_465, %dma_start3A_466] : memref<80000x16xf32, #tpu.memory_space<hbm>> -> memref<80000x16xf32, #tpu.memory_space<hbm>>
        tpu.enqueue_indirect_dma source(%dma_start3A_467 : memref<80000x16xf32, #tpu.memory_space<hbm>>) target(%dma_start3A_462 : memref<64x16xf32, #tpu.memory_space<vmem>>) offsets(%dma_start3A_464 : memref<64xi32, #tpu.memory_space<vmem>>) semaphore(%arg18 : memref<!tpu.dma_semaphore, #tpu.memory_space<semaphore_mem>>)
      } else {
      }
      %gt3A_342 = arith.constant 704 : i32
      %gt3A_343 = arith.cmpi sgt, %add3A_286, %gt3A_342 : i32
      %convert_element_type3A_344 = arith.extui %gt3A_343 : i1 to i32
      %cond3A_345 = arith.constant 0 : i32
      %cond3A_346 = arith.cmpi ne, %convert_element_type3A_344, %cond3A_345 : i32
      scf.if %cond3A_346 {
        %dma_start3A_459 = arith.constant 704 : i32
        %dma_start3A_460 = arith.constant 0 : i32
        %dma_start3A_461 = tpu.memref_slice %arg14[%and3A_110, %dma_start3A_459, %dma_start3A_460] : memref<2x1024x16xf32, #tpu.memory_space<vmem>> -> memref<1x64x16xf32, #tpu.memory_space<vmem>>
        %dma_start3A_462 = tpu.memref_squeeze %dma_start3A_461 : memref<1x64x16xf32, #tpu.memory_space<vmem>> -> memref<64x16xf32, #tpu.memory_space<vmem>>
        %dma_start3A_463 = arith.constant 704 : i32
        %dma_start3A_464 = tpu.memref_slice %arg11[%dma_start3A_463] : memref<1024xi32, #tpu.memory_space<vmem>> -> memref<64xi32, #tpu.memory_space<vmem>>
        %dma_start3A_465 = arith.constant 0 : i32
        %dma_start3A_466 = arith.constant 0 : i32
        %dma_start3A_467 = tpu.memref_slice %arg5[%dma_start3A_465, %dma_start3A_466] : memref<80000x16xf32, #tpu.memory_space<hbm>> -> memref<80000x16xf32, #tpu.memory_space<hbm>>
        tpu.enqueue_indirect_dma source(%dma_start3A_467 : memref<80000x16xf32, #tpu.memory_space<hbm>>) target(%dma_start3A_462 : memref<64x16xf32, #tpu.memory_space<vmem>>) offsets(%dma_start3A_464 : memref<64xi32, #tpu.memory_space<vmem>>) semaphore(%arg18 : memref<!tpu.dma_semaphore, #tpu.memory_space<semaphore_mem>>)
      } else {
      }
      %gt3A_347 = arith.constant 768 : i32
      %gt3A_348 = arith.cmpi sgt, %add3A_286, %gt3A_347 : i32
      %convert_element_type3A_349 = arith.extui %gt3A_348 : i1 to i32
      %cond3A_350 = arith.constant 0 : i32
      %cond3A_351 = arith.cmpi ne, %convert_element_type3A_349, %cond3A_350 : i32
      scf.if %cond3A_351 {
        %dma_start3A_459 = arith.constant 768 : i32
        %dma_start3A_460 = arith.constant 0 : i32
        %dma_start3A_461 = tpu.memref_slice %arg14[%and3A_110, %dma_start3A_459, %dma_start3A_460] : memref<2x1024x16xf32, #tpu.memory_space<vmem>> -> memref<1x64x16xf32, #tpu.memory_space<vmem>>
        %dma_start3A_462 = tpu.memref_squeeze %dma_start3A_461 : memref<1x64x16xf32, #tpu.memory_space<vmem>> -> memref<64x16xf32, #tpu.memory_space<vmem>>
        %dma_start3A_463 = arith.constant 768 : i32
        %dma_start3A_464 = tpu.memref_slice %arg11[%dma_start3A_463] : memref<1024xi32, #tpu.memory_space<vmem>> -> memref<64xi32, #tpu.memory_space<vmem>>
        %dma_start3A_465 = arith.constant 0 : i32
        %dma_start3A_466 = arith.constant 0 : i32
        %dma_start3A_467 = tpu.memref_slice %arg5[%dma_start3A_465, %dma_start3A_466] : memref<80000x16xf32, #tpu.memory_space<hbm>> -> memref<80000x16xf32, #tpu.memory_space<hbm>>
        tpu.enqueue_indirect_dma source(%dma_start3A_467 : memref<80000x16xf32, #tpu.memory_space<hbm>>) target(%dma_start3A_462 : memref<64x16xf32, #tpu.memory_space<vmem>>) offsets(%dma_start3A_464 : memref<64xi32, #tpu.memory_space<vmem>>) semaphore(%arg18 : memref<!tpu.dma_semaphore, #tpu.memory_space<semaphore_mem>>)
      } else {
      }
      %gt3A_352 = arith.constant 832 : i32
      %gt3A_353 = arith.cmpi sgt, %add3A_286, %gt3A_352 : i32
      %convert_element_type3A_354 = arith.extui %gt3A_353 : i1 to i32
      %cond3A_355 = arith.constant 0 : i32
      %cond3A_356 = arith.cmpi ne, %convert_element_type3A_354, %cond3A_355 : i32
      scf.if %cond3A_356 {
        %dma_start3A_459 = arith.constant 832 : i32
        %dma_start3A_460 = arith.constant 0 : i32
        %dma_start3A_461 = tpu.memref_slice %arg14[%and3A_110, %dma_start3A_459, %dma_start3A_460] : memref<2x1024x16xf32, #tpu.memory_space<vmem>> -> memref<1x64x16xf32, #tpu.memory_space<vmem>>
        %dma_start3A_462 = tpu.memref_squeeze %dma_start3A_461 : memref<1x64x16xf32, #tpu.memory_space<vmem>> -> memref<64x16xf32, #tpu.memory_space<vmem>>
        %dma_start3A_463 = arith.constant 832 : i32
        %dma_start3A_464 = tpu.memref_slice %arg11[%dma_start3A_463] : memref<1024xi32, #tpu.memory_space<vmem>> -> memref<64xi32, #tpu.memory_space<vmem>>
        %dma_start3A_465 = arith.constant 0 : i32
        %dma_start3A_466 = arith.constant 0 : i32
        %dma_start3A_467 = tpu.memref_slice %arg5[%dma_start3A_465, %dma_start3A_466] : memref<80000x16xf32, #tpu.memory_space<hbm>> -> memref<80000x16xf32, #tpu.memory_space<hbm>>
        tpu.enqueue_indirect_dma source(%dma_start3A_467 : memref<80000x16xf32, #tpu.memory_space<hbm>>) target(%dma_start3A_462 : memref<64x16xf32, #tpu.memory_space<vmem>>) offsets(%dma_start3A_464 : memref<64xi32, #tpu.memory_space<vmem>>) semaphore(%arg18 : memref<!tpu.dma_semaphore, #tpu.memory_space<semaphore_mem>>)
      } else {
      }
      %gt3A_357 = arith.constant 896 : i32
      %gt3A_358 = arith.cmpi sgt, %add3A_286, %gt3A_357 : i32
      %convert_element_type3A_359 = arith.extui %gt3A_358 : i1 to i32
      %cond3A_360 = arith.constant 0 : i32
      %cond3A_361 = arith.cmpi ne, %convert_element_type3A_359, %cond3A_360 : i32
      scf.if %cond3A_361 {
        %dma_start3A_459 = arith.constant 896 : i32
        %dma_start3A_460 = arith.constant 0 : i32
        %dma_start3A_461 = tpu.memref_slice %arg14[%and3A_110, %dma_start3A_459, %dma_start3A_460] : memref<2x1024x16xf32, #tpu.memory_space<vmem>> -> memref<1x64x16xf32, #tpu.memory_space<vmem>>
        %dma_start3A_462 = tpu.memref_squeeze %dma_start3A_461 : memref<1x64x16xf32, #tpu.memory_space<vmem>> -> memref<64x16xf32, #tpu.memory_space<vmem>>
        %dma_start3A_463 = arith.constant 896 : i32
        %dma_start3A_464 = tpu.memref_slice %arg11[%dma_start3A_463] : memref<1024xi32, #tpu.memory_space<vmem>> -> memref<64xi32, #tpu.memory_space<vmem>>
        %dma_start3A_465 = arith.constant 0 : i32
        %dma_start3A_466 = arith.constant 0 : i32
        %dma_start3A_467 = tpu.memref_slice %arg5[%dma_start3A_465, %dma_start3A_466] : memref<80000x16xf32, #tpu.memory_space<hbm>> -> memref<80000x16xf32, #tpu.memory_space<hbm>>
        tpu.enqueue_indirect_dma source(%dma_start3A_467 : memref<80000x16xf32, #tpu.memory_space<hbm>>) target(%dma_start3A_462 : memref<64x16xf32, #tpu.memory_space<vmem>>) offsets(%dma_start3A_464 : memref<64xi32, #tpu.memory_space<vmem>>) semaphore(%arg18 : memref<!tpu.dma_semaphore, #tpu.memory_space<semaphore_mem>>)
      } else {
      }
      %gt3A_362 = arith.constant 960 : i32
      %gt3A_363 = arith.cmpi sgt, %add3A_286, %gt3A_362 : i32
      %convert_element_type3A_364 = arith.extui %gt3A_363 : i1 to i32
      %cond3A_365 = arith.constant 0 : i32
      %cond3A_366 = arith.cmpi ne, %convert_element_type3A_364, %cond3A_365 : i32
      scf.if %cond3A_366 {
        %dma_start3A_459 = arith.constant 960 : i32
        %dma_start3A_460 = arith.constant 0 : i32
        %dma_start3A_461 = tpu.memref_slice %arg14[%and3A_110, %dma_start3A_459, %dma_start3A_460] : memref<2x1024x16xf32, #tpu.memory_space<vmem>> -> memref<1x64x16xf32, #tpu.memory_space<vmem>>
        %dma_start3A_462 = tpu.memref_squeeze %dma_start3A_461 : memref<1x64x16xf32, #tpu.memory_space<vmem>> -> memref<64x16xf32, #tpu.memory_space<vmem>>
        %dma_start3A_463 = arith.constant 960 : i32
        %dma_start3A_464 = tpu.memref_slice %arg11[%dma_start3A_463] : memref<1024xi32, #tpu.memory_space<vmem>> -> memref<64xi32, #tpu.memory_space<vmem>>
        %dma_start3A_465 = arith.constant 0 : i32
        %dma_start3A_466 = arith.constant 0 : i32
        %dma_start3A_467 = tpu.memref_slice %arg5[%dma_start3A_465, %dma_start3A_466] : memref<80000x16xf32, #tpu.memory_space<hbm>> -> memref<80000x16xf32, #tpu.memory_space<hbm>>
        tpu.enqueue_indirect_dma source(%dma_start3A_467 : memref<80000x16xf32, #tpu.memory_space<hbm>>) target(%dma_start3A_462 : memref<64x16xf32, #tpu.memory_space<vmem>>) offsets(%dma_start3A_464 : memref<64xi32, #tpu.memory_space<vmem>>) semaphore(%arg18 : memref<!tpu.dma_semaphore, #tpu.memory_space<semaphore_mem>>)
      } else {
      }
      "tpu.trace_stop"() : () -> ()
      "tpu.trace_start"() <{level = 10 : i32, message = "sc_rmw"}> : () -> ()
      %shift_right_arithmetic3A_367 = arith.constant 1 : i32
      %shift_right_arithmetic3A_368 = arith.shrsi %scan3A_108, %shift_right_arithmetic3A_367 : i32
      %while3A_369 = arith.constant 0 : i32
      %while3A_370 = arith.constant 0 : i32
      %while3A_371 = arith.subi %shift_right_arithmetic3A_368, %while3A_370 : i32
      %while3A_372 = arith.addi %while3A_370, %while3A_371 : i32
      %while3A_373 = arith.constant 1 : i32
      %while3A_374 = arith.divsi %while3A_371, %while3A_373 : i32
      %while3A_375 = arith.muli %while3A_374, %while3A_373 : i32
      %while3A_376 = arith.addi %while3A_370, %while3A_375 : i32
      %while3A_377 = arith.constant 1 : i32
      scf.for %while3A_459 = %while3A_370 to %while3A_376 step %while3A_377  : i32 {
        %mul3A_460 = arith.constant 2 : i32
        %mul3A_461 = arith.muli %mul3A_460, %while3A_459 : i32
        %mul3A_462 = arith.constant 2 : i32
        %mul3A_463 = arith.muli %mul3A_462, %while3A_459 : i32
        %add3A_464 = arith.constant 1 : i32
        %add3A_465 = arith.addi %mul3A_463, %add3A_464 : i32
        %broadcast_in_dim3A_466 = vector.broadcast %mul3A_461 : i32 to vector<16xi32>
        %broadcast_in_dim3A_467 = vector.broadcast %add3A_465 : i32 to vector<16xi32>
        %gather3A = arith.constant 0 : i32
        %gather3A_468 = tpu.memref_slice %arg12[%sub3A_112, %gather3A] : memref<2x1024xi32, #tpu.memory_space<vmem>> -> memref<1x1024xi32, #tpu.memory_space<vmem>>
        %gather3A_469 = tpu.memref_squeeze %gather3A_468 : memref<1x1024xi32, #tpu.memory_space<vmem>> -> memref<1024xi32, #tpu.memory_space<vmem>>
        %gather3A_470 = tpu.vector_load_idx %gather3A_469[%broadcast_in_dim3A_466] : memref<1024xi32, #tpu.memory_space<vmem>>[vector<16xi32>], vector<16xi32>,
        %gather3A_471 = arith.constant 0 : i32
        %gather3A_472 = tpu.memref_slice %arg12[%sub3A_112, %gather3A_471] : memref<2x1024xi32, #tpu.memory_space<vmem>> -> memref<1x1024xi32, #tpu.memory_space<vmem>>
        %gather3A_473 = tpu.memref_squeeze %gather3A_472 : memref<1x1024xi32, #tpu.memory_space<vmem>> -> memref<1024xi32, #tpu.memory_space<vmem>>
        %gather3A_474 = tpu.vector_load_idx %gather3A_473[%broadcast_in_dim3A_467] : memref<1024xi32, #tpu.memory_space<vmem>>[vector<16xi32>], vector<16xi32>,
        %gather3A_475 = arith.constant 0 : i32
        %gather3A_476 = tpu.memref_slice %arg13[%sub3A_112, %gather3A_475] : memref<2x1024xf32, #tpu.memory_space<vmem>> -> memref<1x1024xf32, #tpu.memory_space<vmem>>
        %gather3A_477 = tpu.memref_squeeze %gather3A_476 : memref<1x1024xf32, #tpu.memory_space<vmem>> -> memref<1024xf32, #tpu.memory_space<vmem>>
        %gather3A_478 = tpu.vector_load_idx %gather3A_477[%broadcast_in_dim3A_466] : memref<1024xf32, #tpu.memory_space<vmem>>[vector<16xi32>], vector<16xf32>,
        %gather3A_479 = arith.constant 0 : i32
        %gather3A_480 = tpu.memref_slice %arg13[%sub3A_112, %gather3A_479] : memref<2x1024xf32, #tpu.memory_space<vmem>> -> memref<1x1024xf32, #tpu.memory_space<vmem>>
        %gather3A_481 = tpu.memref_squeeze %gather3A_480 : memref<1x1024xf32, #tpu.memory_space<vmem>> -> memref<1024xf32, #tpu.memory_space<vmem>>
        %gather3A_482 = tpu.vector_load_idx %gather3A_481[%broadcast_in_dim3A_467] : memref<1024xf32, #tpu.memory_space<vmem>>[vector<16xi32>], vector<16xf32>,
        %get3A_483 = arith.index_cast %sub3A_112 : i32 to index
        %get3A_484 = arith.index_cast %mul3A_461 : i32 to index
        %get3A_485 = arith.constant 0 : index
        %get3A_486 = tpu.vector_load %arg14[%get3A_483, %get3A_484, %get3A_485] {strides = array<i32>} : memref<2x1024x16xf32, #tpu.memory_space<vmem>>, vector<16xf32>,
        %mul3A_487 = arith.mulf %gather3A_478, %get3A_35 : vector<16xf32>
        %add3A_488 = arith.addf %get3A_486, %mul3A_487 : vector<16xf32>
        %get3A_489 = arith.index_cast %sub3A_112 : i32 to index
        %get3A_490 = arith.index_cast %add3A_465 : i32 to index
        %get3A_491 = arith.constant 0 : index
        %get3A_492 = tpu.vector_load %arg14[%get3A_489, %get3A_490, %get3A_491] {strides = array<i32>} : memref<2x1024x16xf32, #tpu.memory_space<vmem>>, vector<16xf32>,
        %mul3A_493 = arith.mulf %gather3A_482, %get3A_35 : vector<16xf32>
        %add3A_494 = arith.addf %get3A_492, %mul3A_493 : vector<16xf32>
        %gather3A_495 = tpu.vector_load_idx %arg15[%gather3A_470, %iota3A] : memref<2501x16xf32, #tpu.memory_space<vmem>>[vector<16xi32>, vector<16xi32>], vector<16xf32>,
        %gather3A_496 = tpu.vector_load_idx %arg16[%gather3A_474, %iota3A] : memref<2501x16xf32, #tpu.memory_space<vmem>>[vector<16xi32>, vector<16xi32>], vector<16xf32>,
        %max3A = arith.maximumf %gather3A_495, %add3A_488 : vector<16xf32>
        tpu.vector_store_idx %arg15[%gather3A_470, %iota3A], %max3A : memref<2501x16xf32, #tpu.memory_space<vmem>>[vector<16xi32>, vector<16xi32>], vector<16xf32>,
        %max3A_497 = arith.maximumf %gather3A_496, %add3A_494 : vector<16xf32>
        tpu.vector_store_idx %arg16[%gather3A_474, %iota3A], %max3A_497 : memref<2501x16xf32, #tpu.memory_space<vmem>>[vector<16xi32>, vector<16xi32>], vector<16xf32>,
      }
      %while3A_378 = arith.constant 1 : i32
      scf.for %while3A_459 = %while3A_376 to %while3A_372 step %while3A_378  : i32 {
        %mul3A_460 = arith.constant 2 : i32
        %mul3A_461 = arith.muli %mul3A_460, %while3A_459 : i32
        %mul3A_462 = arith.constant 2 : i32
        %mul3A_463 = arith.muli %mul3A_462, %while3A_459 : i32
        %add3A_464 = arith.constant 1 : i32
        %add3A_465 = arith.addi %mul3A_463, %add3A_464 : i32
        %broadcast_in_dim3A_466 = vector.broadcast %mul3A_461 : i32 to vector<16xi32>
        %broadcast_in_dim3A_467 = vector.broadcast %add3A_465 : i32 to vector<16xi32>
        %gather3A = arith.constant 0 : i32
        %gather3A_468 = tpu.memref_slice %arg12[%sub3A_112, %gather3A] : memref<2x1024xi32, #tpu.memory_space<vmem>> -> memref<1x1024xi32, #tpu.memory_space<vmem>>
        %gather3A_469 = tpu.memref_squeeze %gather3A_468 : memref<1x1024xi32, #tpu.memory_space<vmem>> -> memref<1024xi32, #tpu.memory_space<vmem>>
        %gather3A_470 = tpu.vector_load_idx %gather3A_469[%broadcast_in_dim3A_466] : memref<1024xi32, #tpu.memory_space<vmem>>[vector<16xi32>], vector<16xi32>,
        %gather3A_471 = arith.constant 0 : i32
        %gather3A_472 = tpu.memref_slice %arg12[%sub3A_112, %gather3A_471] : memref<2x1024xi32, #tpu.memory_space<vmem>> -> memref<1x1024xi32, #tpu.memory_space<vmem>>
        %gather3A_473 = tpu.memref_squeeze %gather3A_472 : memref<1x1024xi32, #tpu.memory_space<vmem>> -> memref<1024xi32, #tpu.memory_space<vmem>>
        %gather3A_474 = tpu.vector_load_idx %gather3A_473[%broadcast_in_dim3A_467] : memref<1024xi32, #tpu.memory_space<vmem>>[vector<16xi32>], vector<16xi32>,
        %gather3A_475 = arith.constant 0 : i32
        %gather3A_476 = tpu.memref_slice %arg13[%sub3A_112, %gather3A_475] : memref<2x1024xf32, #tpu.memory_space<vmem>> -> memref<1x1024xf32, #tpu.memory_space<vmem>>
        %gather3A_477 = tpu.memref_squeeze %gather3A_476 : memref<1x1024xf32, #tpu.memory_space<vmem>> -> memref<1024xf32, #tpu.memory_space<vmem>>
        %gather3A_478 = tpu.vector_load_idx %gather3A_477[%broadcast_in_dim3A_466] : memref<1024xf32, #tpu.memory_space<vmem>>[vector<16xi32>], vector<16xf32>,
        %gather3A_479 = arith.constant 0 : i32
        %gather3A_480 = tpu.memref_slice %arg13[%sub3A_112, %gather3A_479] : memref<2x1024xf32, #tpu.memory_space<vmem>> -> memref<1x1024xf32, #tpu.memory_space<vmem>>
        %gather3A_481 = tpu.memref_squeeze %gather3A_480 : memref<1x1024xf32, #tpu.memory_space<vmem>> -> memref<1024xf32, #tpu.memory_space<vmem>>
        %gather3A_482 = tpu.vector_load_idx %gather3A_481[%broadcast_in_dim3A_467] : memref<1024xf32, #tpu.memory_space<vmem>>[vector<16xi32>], vector<16xf32>,
        %get3A_483 = arith.index_cast %sub3A_112 : i32 to index
        %get3A_484 = arith.index_cast %mul3A_461 : i32 to index
        %get3A_485 = arith.constant 0 : index
        %get3A_486 = tpu.vector_load %arg14[%get3A_483, %get3A_484, %get3A_485] {strides = array<i32>} : memref<2x1024x16xf32, #tpu.memory_space<vmem>>, vector<16xf32>,
        %mul3A_487 = arith.mulf %gather3A_478, %get3A_35 : vector<16xf32>
        %add3A_488 = arith.addf %get3A_486, %mul3A_487 : vector<16xf32>
        %get3A_489 = arith.index_cast %sub3A_112 : i32 to index
        %get3A_490 = arith.index_cast %add3A_465 : i32 to index
        %get3A_491 = arith.constant 0 : index
        %get3A_492 = tpu.vector_load %arg14[%get3A_489, %get3A_490, %get3A_491] {strides = array<i32>} : memref<2x1024x16xf32, #tpu.memory_space<vmem>>, vector<16xf32>,
        %mul3A_493 = arith.mulf %gather3A_482, %get3A_35 : vector<16xf32>
        %add3A_494 = arith.addf %get3A_492, %mul3A_493 : vector<16xf32>
        %gather3A_495 = tpu.vector_load_idx %arg15[%gather3A_470, %iota3A] : memref<2501x16xf32, #tpu.memory_space<vmem>>[vector<16xi32>, vector<16xi32>], vector<16xf32>,
        %gather3A_496 = tpu.vector_load_idx %arg16[%gather3A_474, %iota3A] : memref<2501x16xf32, #tpu.memory_space<vmem>>[vector<16xi32>, vector<16xi32>], vector<16xf32>,
        %max3A = arith.maximumf %gather3A_495, %add3A_488 : vector<16xf32>
        tpu.vector_store_idx %arg15[%gather3A_470, %iota3A], %max3A : memref<2501x16xf32, #tpu.memory_space<vmem>>[vector<16xi32>, vector<16xi32>], vector<16xf32>,
        %max3A_497 = arith.maximumf %gather3A_496, %add3A_494 : vector<16xf32>
        tpu.vector_store_idx %arg16[%gather3A_474, %iota3A], %max3A_497 : memref<2501x16xf32, #tpu.memory_space<vmem>>[vector<16xi32>, vector<16xi32>], vector<16xf32>,
      }
      %gt3A_379 = arith.constant 0 : i32
      "tpu.trace_stop"() : () -> ()
      "tpu.trace_start"() <{level = 10 : i32, message = "sc_gather_wait"}> : () -> ()
      %gt3A_380 = arith.cmpi sgt, %add3A_286, %gt3A_379 : i32
      %convert_element_type3A_381 = arith.extui %gt3A_380 : i1 to i32
      %cond3A_382 = arith.constant 0 : i32
      %cond3A_383 = arith.cmpi ne, %convert_element_type3A_381, %cond3A_382 : i32
      scf.if %cond3A_383 {
        %dma_wait3A_459 = arith.constant 0 : i32
        %dma_wait3A_460 = arith.constant 0 : i32
        %dma_wait3A_461 = tpu.memref_slice %arg14[%and3A_110, %dma_wait3A_459, %dma_wait3A_460] : memref<2x1024x16xf32, #tpu.memory_space<vmem>> -> memref<1x64x16xf32, #tpu.memory_space<vmem>>
        %dma_wait3A_462 = tpu.memref_squeeze %dma_wait3A_461 : memref<1x64x16xf32, #tpu.memory_space<vmem>> -> memref<64x16xf32, #tpu.memory_space<vmem>>
        %dma_wait3A_463 = arith.constant 0 : i32
        %dma_wait3A_464 = tpu.memref_slice %arg11[%dma_wait3A_463] : memref<1024xi32, #tpu.memory_space<vmem>> -> memref<64xi32, #tpu.memory_space<vmem>>
        %dma_wait3A_465 = arith.constant 0 : i32
        %dma_wait3A_466 = arith.constant 0 : i32
        %dma_wait3A_467 = tpu.memref_slice %arg5[%dma_wait3A_465, %dma_wait3A_466] : memref<80000x16xf32, #tpu.memory_space<hbm>> -> memref<80000x16xf32, #tpu.memory_space<hbm>>
        tpu.wait_indirect_dma semaphore(%arg18 : memref<!tpu.dma_semaphore, #tpu.memory_space<semaphore_mem>>) src(%dma_wait3A_467 : memref<80000x16xf32, #tpu.memory_space<hbm>>) dst(%dma_wait3A_462 : memref<64x16xf32, #tpu.memory_space<vmem>>)
      } else {
      }
      %gt3A_384 = arith.constant 64 : i32
      %gt3A_385 = arith.cmpi sgt, %add3A_286, %gt3A_384 : i32
      %convert_element_type3A_386 = arith.extui %gt3A_385 : i1 to i32
      %cond3A_387 = arith.constant 0 : i32
      %cond3A_388 = arith.cmpi ne, %convert_element_type3A_386, %cond3A_387 : i32
      scf.if %cond3A_388 {
        %dma_wait3A_459 = arith.constant 64 : i32
        %dma_wait3A_460 = arith.constant 0 : i32
        %dma_wait3A_461 = tpu.memref_slice %arg14[%and3A_110, %dma_wait3A_459, %dma_wait3A_460] : memref<2x1024x16xf32, #tpu.memory_space<vmem>> -> memref<1x64x16xf32, #tpu.memory_space<vmem>>
        %dma_wait3A_462 = tpu.memref_squeeze %dma_wait3A_461 : memref<1x64x16xf32, #tpu.memory_space<vmem>> -> memref<64x16xf32, #tpu.memory_space<vmem>>
        %dma_wait3A_463 = arith.constant 64 : i32
        %dma_wait3A_464 = tpu.memref_slice %arg11[%dma_wait3A_463] : memref<1024xi32, #tpu.memory_space<vmem>> -> memref<64xi32, #tpu.memory_space<vmem>>
        %dma_wait3A_465 = arith.constant 0 : i32
        %dma_wait3A_466 = arith.constant 0 : i32
        %dma_wait3A_467 = tpu.memref_slice %arg5[%dma_wait3A_465, %dma_wait3A_466] : memref<80000x16xf32, #tpu.memory_space<hbm>> -> memref<80000x16xf32, #tpu.memory_space<hbm>>
        tpu.wait_indirect_dma semaphore(%arg18 : memref<!tpu.dma_semaphore, #tpu.memory_space<semaphore_mem>>) src(%dma_wait3A_467 : memref<80000x16xf32, #tpu.memory_space<hbm>>) dst(%dma_wait3A_462 : memref<64x16xf32, #tpu.memory_space<vmem>>)
      } else {
      }
      %gt3A_389 = arith.constant 128 : i32
      %gt3A_390 = arith.cmpi sgt, %add3A_286, %gt3A_389 : i32
      %convert_element_type3A_391 = arith.extui %gt3A_390 : i1 to i32
      %cond3A_392 = arith.constant 0 : i32
      %cond3A_393 = arith.cmpi ne, %convert_element_type3A_391, %cond3A_392 : i32
      scf.if %cond3A_393 {
        %dma_wait3A_459 = arith.constant 128 : i32
        %dma_wait3A_460 = arith.constant 0 : i32
        %dma_wait3A_461 = tpu.memref_slice %arg14[%and3A_110, %dma_wait3A_459, %dma_wait3A_460] : memref<2x1024x16xf32, #tpu.memory_space<vmem>> -> memref<1x64x16xf32, #tpu.memory_space<vmem>>
        %dma_wait3A_462 = tpu.memref_squeeze %dma_wait3A_461 : memref<1x64x16xf32, #tpu.memory_space<vmem>> -> memref<64x16xf32, #tpu.memory_space<vmem>>
        %dma_wait3A_463 = arith.constant 128 : i32
        %dma_wait3A_464 = tpu.memref_slice %arg11[%dma_wait3A_463] : memref<1024xi32, #tpu.memory_space<vmem>> -> memref<64xi32, #tpu.memory_space<vmem>>
        %dma_wait3A_465 = arith.constant 0 : i32
        %dma_wait3A_466 = arith.constant 0 : i32
        %dma_wait3A_467 = tpu.memref_slice %arg5[%dma_wait3A_465, %dma_wait3A_466] : memref<80000x16xf32, #tpu.memory_space<hbm>> -> memref<80000x16xf32, #tpu.memory_space<hbm>>
        tpu.wait_indirect_dma semaphore(%arg18 : memref<!tpu.dma_semaphore, #tpu.memory_space<semaphore_mem>>) src(%dma_wait3A_467 : memref<80000x16xf32, #tpu.memory_space<hbm>>) dst(%dma_wait3A_462 : memref<64x16xf32, #tpu.memory_space<vmem>>)
      } else {
      }
      %gt3A_394 = arith.constant 192 : i32
      %gt3A_395 = arith.cmpi sgt, %add3A_286, %gt3A_394 : i32
      %convert_element_type3A_396 = arith.extui %gt3A_395 : i1 to i32
      %cond3A_397 = arith.constant 0 : i32
      %cond3A_398 = arith.cmpi ne, %convert_element_type3A_396, %cond3A_397 : i32
      scf.if %cond3A_398 {
        %dma_wait3A_459 = arith.constant 192 : i32
        %dma_wait3A_460 = arith.constant 0 : i32
        %dma_wait3A_461 = tpu.memref_slice %arg14[%and3A_110, %dma_wait3A_459, %dma_wait3A_460] : memref<2x1024x16xf32, #tpu.memory_space<vmem>> -> memref<1x64x16xf32, #tpu.memory_space<vmem>>
        %dma_wait3A_462 = tpu.memref_squeeze %dma_wait3A_461 : memref<1x64x16xf32, #tpu.memory_space<vmem>> -> memref<64x16xf32, #tpu.memory_space<vmem>>
        %dma_wait3A_463 = arith.constant 192 : i32
        %dma_wait3A_464 = tpu.memref_slice %arg11[%dma_wait3A_463] : memref<1024xi32, #tpu.memory_space<vmem>> -> memref<64xi32, #tpu.memory_space<vmem>>
        %dma_wait3A_465 = arith.constant 0 : i32
        %dma_wait3A_466 = arith.constant 0 : i32
        %dma_wait3A_467 = tpu.memref_slice %arg5[%dma_wait3A_465, %dma_wait3A_466] : memref<80000x16xf32, #tpu.memory_space<hbm>> -> memref<80000x16xf32, #tpu.memory_space<hbm>>
        tpu.wait_indirect_dma semaphore(%arg18 : memref<!tpu.dma_semaphore, #tpu.memory_space<semaphore_mem>>) src(%dma_wait3A_467 : memref<80000x16xf32, #tpu.memory_space<hbm>>) dst(%dma_wait3A_462 : memref<64x16xf32, #tpu.memory_space<vmem>>)
      } else {
      }
      %gt3A_399 = arith.constant 256 : i32
      %gt3A_400 = arith.cmpi sgt, %add3A_286, %gt3A_399 : i32
      %convert_element_type3A_401 = arith.extui %gt3A_400 : i1 to i32
      %cond3A_402 = arith.constant 0 : i32
      %cond3A_403 = arith.cmpi ne, %convert_element_type3A_401, %cond3A_402 : i32
      scf.if %cond3A_403 {
        %dma_wait3A_459 = arith.constant 256 : i32
        %dma_wait3A_460 = arith.constant 0 : i32
        %dma_wait3A_461 = tpu.memref_slice %arg14[%and3A_110, %dma_wait3A_459, %dma_wait3A_460] : memref<2x1024x16xf32, #tpu.memory_space<vmem>> -> memref<1x64x16xf32, #tpu.memory_space<vmem>>
        %dma_wait3A_462 = tpu.memref_squeeze %dma_wait3A_461 : memref<1x64x16xf32, #tpu.memory_space<vmem>> -> memref<64x16xf32, #tpu.memory_space<vmem>>
        %dma_wait3A_463 = arith.constant 256 : i32
        %dma_wait3A_464 = tpu.memref_slice %arg11[%dma_wait3A_463] : memref<1024xi32, #tpu.memory_space<vmem>> -> memref<64xi32, #tpu.memory_space<vmem>>
        %dma_wait3A_465 = arith.constant 0 : i32
        %dma_wait3A_466 = arith.constant 0 : i32
        %dma_wait3A_467 = tpu.memref_slice %arg5[%dma_wait3A_465, %dma_wait3A_466] : memref<80000x16xf32, #tpu.memory_space<hbm>> -> memref<80000x16xf32, #tpu.memory_space<hbm>>
        tpu.wait_indirect_dma semaphore(%arg18 : memref<!tpu.dma_semaphore, #tpu.memory_space<semaphore_mem>>) src(%dma_wait3A_467 : memref<80000x16xf32, #tpu.memory_space<hbm>>) dst(%dma_wait3A_462 : memref<64x16xf32, #tpu.memory_space<vmem>>)
      } else {
      }
      %gt3A_404 = arith.constant 320 : i32
      %gt3A_405 = arith.cmpi sgt, %add3A_286, %gt3A_404 : i32
      %convert_element_type3A_406 = arith.extui %gt3A_405 : i1 to i32
      %cond3A_407 = arith.constant 0 : i32
      %cond3A_408 = arith.cmpi ne, %convert_element_type3A_406, %cond3A_407 : i32
      scf.if %cond3A_408 {
        %dma_wait3A_459 = arith.constant 320 : i32
        %dma_wait3A_460 = arith.constant 0 : i32
        %dma_wait3A_461 = tpu.memref_slice %arg14[%and3A_110, %dma_wait3A_459, %dma_wait3A_460] : memref<2x1024x16xf32, #tpu.memory_space<vmem>> -> memref<1x64x16xf32, #tpu.memory_space<vmem>>
        %dma_wait3A_462 = tpu.memref_squeeze %dma_wait3A_461 : memref<1x64x16xf32, #tpu.memory_space<vmem>> -> memref<64x16xf32, #tpu.memory_space<vmem>>
        %dma_wait3A_463 = arith.constant 320 : i32
        %dma_wait3A_464 = tpu.memref_slice %arg11[%dma_wait3A_463] : memref<1024xi32, #tpu.memory_space<vmem>> -> memref<64xi32, #tpu.memory_space<vmem>>
        %dma_wait3A_465 = arith.constant 0 : i32
        %dma_wait3A_466 = arith.constant 0 : i32
        %dma_wait3A_467 = tpu.memref_slice %arg5[%dma_wait3A_465, %dma_wait3A_466] : memref<80000x16xf32, #tpu.memory_space<hbm>> -> memref<80000x16xf32, #tpu.memory_space<hbm>>
        tpu.wait_indirect_dma semaphore(%arg18 : memref<!tpu.dma_semaphore, #tpu.memory_space<semaphore_mem>>) src(%dma_wait3A_467 : memref<80000x16xf32, #tpu.memory_space<hbm>>) dst(%dma_wait3A_462 : memref<64x16xf32, #tpu.memory_space<vmem>>)
      } else {
      }
      %gt3A_409 = arith.constant 384 : i32
      %gt3A_410 = arith.cmpi sgt, %add3A_286, %gt3A_409 : i32
      %convert_element_type3A_411 = arith.extui %gt3A_410 : i1 to i32
      %cond3A_412 = arith.constant 0 : i32
      %cond3A_413 = arith.cmpi ne, %convert_element_type3A_411, %cond3A_412 : i32
      scf.if %cond3A_413 {
        %dma_wait3A_459 = arith.constant 384 : i32
        %dma_wait3A_460 = arith.constant 0 : i32
        %dma_wait3A_461 = tpu.memref_slice %arg14[%and3A_110, %dma_wait3A_459, %dma_wait3A_460] : memref<2x1024x16xf32, #tpu.memory_space<vmem>> -> memref<1x64x16xf32, #tpu.memory_space<vmem>>
        %dma_wait3A_462 = tpu.memref_squeeze %dma_wait3A_461 : memref<1x64x16xf32, #tpu.memory_space<vmem>> -> memref<64x16xf32, #tpu.memory_space<vmem>>
        %dma_wait3A_463 = arith.constant 384 : i32
        %dma_wait3A_464 = tpu.memref_slice %arg11[%dma_wait3A_463] : memref<1024xi32, #tpu.memory_space<vmem>> -> memref<64xi32, #tpu.memory_space<vmem>>
        %dma_wait3A_465 = arith.constant 0 : i32
        %dma_wait3A_466 = arith.constant 0 : i32
        %dma_wait3A_467 = tpu.memref_slice %arg5[%dma_wait3A_465, %dma_wait3A_466] : memref<80000x16xf32, #tpu.memory_space<hbm>> -> memref<80000x16xf32, #tpu.memory_space<hbm>>
        tpu.wait_indirect_dma semaphore(%arg18 : memref<!tpu.dma_semaphore, #tpu.memory_space<semaphore_mem>>) src(%dma_wait3A_467 : memref<80000x16xf32, #tpu.memory_space<hbm>>) dst(%dma_wait3A_462 : memref<64x16xf32, #tpu.memory_space<vmem>>)
      } else {
      }
      %gt3A_414 = arith.constant 448 : i32
      %gt3A_415 = arith.cmpi sgt, %add3A_286, %gt3A_414 : i32
      %convert_element_type3A_416 = arith.extui %gt3A_415 : i1 to i32
      %cond3A_417 = arith.constant 0 : i32
      %cond3A_418 = arith.cmpi ne, %convert_element_type3A_416, %cond3A_417 : i32
      scf.if %cond3A_418 {
        %dma_wait3A_459 = arith.constant 448 : i32
        %dma_wait3A_460 = arith.constant 0 : i32
        %dma_wait3A_461 = tpu.memref_slice %arg14[%and3A_110, %dma_wait3A_459, %dma_wait3A_460] : memref<2x1024x16xf32, #tpu.memory_space<vmem>> -> memref<1x64x16xf32, #tpu.memory_space<vmem>>
        %dma_wait3A_462 = tpu.memref_squeeze %dma_wait3A_461 : memref<1x64x16xf32, #tpu.memory_space<vmem>> -> memref<64x16xf32, #tpu.memory_space<vmem>>
        %dma_wait3A_463 = arith.constant 448 : i32
        %dma_wait3A_464 = tpu.memref_slice %arg11[%dma_wait3A_463] : memref<1024xi32, #tpu.memory_space<vmem>> -> memref<64xi32, #tpu.memory_space<vmem>>
        %dma_wait3A_465 = arith.constant 0 : i32
        %dma_wait3A_466 = arith.constant 0 : i32
        %dma_wait3A_467 = tpu.memref_slice %arg5[%dma_wait3A_465, %dma_wait3A_466] : memref<80000x16xf32, #tpu.memory_space<hbm>> -> memref<80000x16xf32, #tpu.memory_space<hbm>>
        tpu.wait_indirect_dma semaphore(%arg18 : memref<!tpu.dma_semaphore, #tpu.memory_space<semaphore_mem>>) src(%dma_wait3A_467 : memref<80000x16xf32, #tpu.memory_space<hbm>>) dst(%dma_wait3A_462 : memref<64x16xf32, #tpu.memory_space<vmem>>)
      } else {
      }
      %gt3A_419 = arith.constant 512 : i32
      %gt3A_420 = arith.cmpi sgt, %add3A_286, %gt3A_419 : i32
      %convert_element_type3A_421 = arith.extui %gt3A_420 : i1 to i32
      %cond3A_422 = arith.constant 0 : i32
      %cond3A_423 = arith.cmpi ne, %convert_element_type3A_421, %cond3A_422 : i32
      scf.if %cond3A_423 {
        %dma_wait3A_459 = arith.constant 512 : i32
        %dma_wait3A_460 = arith.constant 0 : i32
        %dma_wait3A_461 = tpu.memref_slice %arg14[%and3A_110, %dma_wait3A_459, %dma_wait3A_460] : memref<2x1024x16xf32, #tpu.memory_space<vmem>> -> memref<1x64x16xf32, #tpu.memory_space<vmem>>
        %dma_wait3A_462 = tpu.memref_squeeze %dma_wait3A_461 : memref<1x64x16xf32, #tpu.memory_space<vmem>> -> memref<64x16xf32, #tpu.memory_space<vmem>>
        %dma_wait3A_463 = arith.constant 512 : i32
        %dma_wait3A_464 = tpu.memref_slice %arg11[%dma_wait3A_463] : memref<1024xi32, #tpu.memory_space<vmem>> -> memref<64xi32, #tpu.memory_space<vmem>>
        %dma_wait3A_465 = arith.constant 0 : i32
        %dma_wait3A_466 = arith.constant 0 : i32
        %dma_wait3A_467 = tpu.memref_slice %arg5[%dma_wait3A_465, %dma_wait3A_466] : memref<80000x16xf32, #tpu.memory_space<hbm>> -> memref<80000x16xf32, #tpu.memory_space<hbm>>
        tpu.wait_indirect_dma semaphore(%arg18 : memref<!tpu.dma_semaphore, #tpu.memory_space<semaphore_mem>>) src(%dma_wait3A_467 : memref<80000x16xf32, #tpu.memory_space<hbm>>) dst(%dma_wait3A_462 : memref<64x16xf32, #tpu.memory_space<vmem>>)
      } else {
      }
      %gt3A_424 = arith.constant 576 : i32
      %gt3A_425 = arith.cmpi sgt, %add3A_286, %gt3A_424 : i32
      %convert_element_type3A_426 = arith.extui %gt3A_425 : i1 to i32
      %cond3A_427 = arith.constant 0 : i32
      %cond3A_428 = arith.cmpi ne, %convert_element_type3A_426, %cond3A_427 : i32
      scf.if %cond3A_428 {
        %dma_wait3A_459 = arith.constant 576 : i32
        %dma_wait3A_460 = arith.constant 0 : i32
        %dma_wait3A_461 = tpu.memref_slice %arg14[%and3A_110, %dma_wait3A_459, %dma_wait3A_460] : memref<2x1024x16xf32, #tpu.memory_space<vmem>> -> memref<1x64x16xf32, #tpu.memory_space<vmem>>
        %dma_wait3A_462 = tpu.memref_squeeze %dma_wait3A_461 : memref<1x64x16xf32, #tpu.memory_space<vmem>> -> memref<64x16xf32, #tpu.memory_space<vmem>>
        %dma_wait3A_463 = arith.constant 576 : i32
        %dma_wait3A_464 = tpu.memref_slice %arg11[%dma_wait3A_463] : memref<1024xi32, #tpu.memory_space<vmem>> -> memref<64xi32, #tpu.memory_space<vmem>>
        %dma_wait3A_465 = arith.constant 0 : i32
        %dma_wait3A_466 = arith.constant 0 : i32
        %dma_wait3A_467 = tpu.memref_slice %arg5[%dma_wait3A_465, %dma_wait3A_466] : memref<80000x16xf32, #tpu.memory_space<hbm>> -> memref<80000x16xf32, #tpu.memory_space<hbm>>
        tpu.wait_indirect_dma semaphore(%arg18 : memref<!tpu.dma_semaphore, #tpu.memory_space<semaphore_mem>>) src(%dma_wait3A_467 : memref<80000x16xf32, #tpu.memory_space<hbm>>) dst(%dma_wait3A_462 : memref<64x16xf32, #tpu.memory_space<vmem>>)
      } else {
      }
      %gt3A_429 = arith.constant 640 : i32
      %gt3A_430 = arith.cmpi sgt, %add3A_286, %gt3A_429 : i32
      %convert_element_type3A_431 = arith.extui %gt3A_430 : i1 to i32
      %cond3A_432 = arith.constant 0 : i32
      %cond3A_433 = arith.cmpi ne, %convert_element_type3A_431, %cond3A_432 : i32
      scf.if %cond3A_433 {
        %dma_wait3A_459 = arith.constant 640 : i32
        %dma_wait3A_460 = arith.constant 0 : i32
        %dma_wait3A_461 = tpu.memref_slice %arg14[%and3A_110, %dma_wait3A_459, %dma_wait3A_460] : memref<2x1024x16xf32, #tpu.memory_space<vmem>> -> memref<1x64x16xf32, #tpu.memory_space<vmem>>
        %dma_wait3A_462 = tpu.memref_squeeze %dma_wait3A_461 : memref<1x64x16xf32, #tpu.memory_space<vmem>> -> memref<64x16xf32, #tpu.memory_space<vmem>>
        %dma_wait3A_463 = arith.constant 640 : i32
        %dma_wait3A_464 = tpu.memref_slice %arg11[%dma_wait3A_463] : memref<1024xi32, #tpu.memory_space<vmem>> -> memref<64xi32, #tpu.memory_space<vmem>>
        %dma_wait3A_465 = arith.constant 0 : i32
        %dma_wait3A_466 = arith.constant 0 : i32
        %dma_wait3A_467 = tpu.memref_slice %arg5[%dma_wait3A_465, %dma_wait3A_466] : memref<80000x16xf32, #tpu.memory_space<hbm>> -> memref<80000x16xf32, #tpu.memory_space<hbm>>
        tpu.wait_indirect_dma semaphore(%arg18 : memref<!tpu.dma_semaphore, #tpu.memory_space<semaphore_mem>>) src(%dma_wait3A_467 : memref<80000x16xf32, #tpu.memory_space<hbm>>) dst(%dma_wait3A_462 : memref<64x16xf32, #tpu.memory_space<vmem>>)
      } else {
      }
      %gt3A_434 = arith.constant 704 : i32
      %gt3A_435 = arith.cmpi sgt, %add3A_286, %gt3A_434 : i32
      %convert_element_type3A_436 = arith.extui %gt3A_435 : i1 to i32
      %cond3A_437 = arith.constant 0 : i32
      %cond3A_438 = arith.cmpi ne, %convert_element_type3A_436, %cond3A_437 : i32
      scf.if %cond3A_438 {
        %dma_wait3A_459 = arith.constant 704 : i32
        %dma_wait3A_460 = arith.constant 0 : i32
        %dma_wait3A_461 = tpu.memref_slice %arg14[%and3A_110, %dma_wait3A_459, %dma_wait3A_460] : memref<2x1024x16xf32, #tpu.memory_space<vmem>> -> memref<1x64x16xf32, #tpu.memory_space<vmem>>
        %dma_wait3A_462 = tpu.memref_squeeze %dma_wait3A_461 : memref<1x64x16xf32, #tpu.memory_space<vmem>> -> memref<64x16xf32, #tpu.memory_space<vmem>>
        %dma_wait3A_463 = arith.constant 704 : i32
        %dma_wait3A_464 = tpu.memref_slice %arg11[%dma_wait3A_463] : memref<1024xi32, #tpu.memory_space<vmem>> -> memref<64xi32, #tpu.memory_space<vmem>>
        %dma_wait3A_465 = arith.constant 0 : i32
        %dma_wait3A_466 = arith.constant 0 : i32
        %dma_wait3A_467 = tpu.memref_slice %arg5[%dma_wait3A_465, %dma_wait3A_466] : memref<80000x16xf32, #tpu.memory_space<hbm>> -> memref<80000x16xf32, #tpu.memory_space<hbm>>
        tpu.wait_indirect_dma semaphore(%arg18 : memref<!tpu.dma_semaphore, #tpu.memory_space<semaphore_mem>>) src(%dma_wait3A_467 : memref<80000x16xf32, #tpu.memory_space<hbm>>) dst(%dma_wait3A_462 : memref<64x16xf32, #tpu.memory_space<vmem>>)
      } else {
      }
      %gt3A_439 = arith.constant 768 : i32
      %gt3A_440 = arith.cmpi sgt, %add3A_286, %gt3A_439 : i32
      %convert_element_type3A_441 = arith.extui %gt3A_440 : i1 to i32
      %cond3A_442 = arith.constant 0 : i32
      %cond3A_443 = arith.cmpi ne, %convert_element_type3A_441, %cond3A_442 : i32
      scf.if %cond3A_443 {
        %dma_wait3A_459 = arith.constant 768 : i32
        %dma_wait3A_460 = arith.constant 0 : i32
        %dma_wait3A_461 = tpu.memref_slice %arg14[%and3A_110, %dma_wait3A_459, %dma_wait3A_460] : memref<2x1024x16xf32, #tpu.memory_space<vmem>> -> memref<1x64x16xf32, #tpu.memory_space<vmem>>
        %dma_wait3A_462 = tpu.memref_squeeze %dma_wait3A_461 : memref<1x64x16xf32, #tpu.memory_space<vmem>> -> memref<64x16xf32, #tpu.memory_space<vmem>>
        %dma_wait3A_463 = arith.constant 768 : i32
        %dma_wait3A_464 = tpu.memref_slice %arg11[%dma_wait3A_463] : memref<1024xi32, #tpu.memory_space<vmem>> -> memref<64xi32, #tpu.memory_space<vmem>>
        %dma_wait3A_465 = arith.constant 0 : i32
        %dma_wait3A_466 = arith.constant 0 : i32
        %dma_wait3A_467 = tpu.memref_slice %arg5[%dma_wait3A_465, %dma_wait3A_466] : memref<80000x16xf32, #tpu.memory_space<hbm>> -> memref<80000x16xf32, #tpu.memory_space<hbm>>
        tpu.wait_indirect_dma semaphore(%arg18 : memref<!tpu.dma_semaphore, #tpu.memory_space<semaphore_mem>>) src(%dma_wait3A_467 : memref<80000x16xf32, #tpu.memory_space<hbm>>) dst(%dma_wait3A_462 : memref<64x16xf32, #tpu.memory_space<vmem>>)
      } else {
      }
      %gt3A_444 = arith.constant 832 : i32
      %gt3A_445 = arith.cmpi sgt, %add3A_286, %gt3A_444 : i32
      %convert_element_type3A_446 = arith.extui %gt3A_445 : i1 to i32
      %cond3A_447 = arith.constant 0 : i32
      %cond3A_448 = arith.cmpi ne, %convert_element_type3A_446, %cond3A_447 : i32
      scf.if %cond3A_448 {
        %dma_wait3A_459 = arith.constant 832 : i32
        %dma_wait3A_460 = arith.constant 0 : i32
        %dma_wait3A_461 = tpu.memref_slice %arg14[%and3A_110, %dma_wait3A_459, %dma_wait3A_460] : memref<2x1024x16xf32, #tpu.memory_space<vmem>> -> memref<1x64x16xf32, #tpu.memory_space<vmem>>
        %dma_wait3A_462 = tpu.memref_squeeze %dma_wait3A_461 : memref<1x64x16xf32, #tpu.memory_space<vmem>> -> memref<64x16xf32, #tpu.memory_space<vmem>>
        %dma_wait3A_463 = arith.constant 832 : i32
        %dma_wait3A_464 = tpu.memref_slice %arg11[%dma_wait3A_463] : memref<1024xi32, #tpu.memory_space<vmem>> -> memref<64xi32, #tpu.memory_space<vmem>>
        %dma_wait3A_465 = arith.constant 0 : i32
        %dma_wait3A_466 = arith.constant 0 : i32
        %dma_wait3A_467 = tpu.memref_slice %arg5[%dma_wait3A_465, %dma_wait3A_466] : memref<80000x16xf32, #tpu.memory_space<hbm>> -> memref<80000x16xf32, #tpu.memory_space<hbm>>
        tpu.wait_indirect_dma semaphore(%arg18 : memref<!tpu.dma_semaphore, #tpu.memory_space<semaphore_mem>>) src(%dma_wait3A_467 : memref<80000x16xf32, #tpu.memory_space<hbm>>) dst(%dma_wait3A_462 : memref<64x16xf32, #tpu.memory_space<vmem>>)
      } else {
      }
      %gt3A_449 = arith.constant 896 : i32
      %gt3A_450 = arith.cmpi sgt, %add3A_286, %gt3A_449 : i32
      %convert_element_type3A_451 = arith.extui %gt3A_450 : i1 to i32
      %cond3A_452 = arith.constant 0 : i32
      %cond3A_453 = arith.cmpi ne, %convert_element_type3A_451, %cond3A_452 : i32
      scf.if %cond3A_453 {
        %dma_wait3A_459 = arith.constant 896 : i32
        %dma_wait3A_460 = arith.constant 0 : i32
        %dma_wait3A_461 = tpu.memref_slice %arg14[%and3A_110, %dma_wait3A_459, %dma_wait3A_460] : memref<2x1024x16xf32, #tpu.memory_space<vmem>> -> memref<1x64x16xf32, #tpu.memory_space<vmem>>
        %dma_wait3A_462 = tpu.memref_squeeze %dma_wait3A_461 : memref<1x64x16xf32, #tpu.memory_space<vmem>> -> memref<64x16xf32, #tpu.memory_space<vmem>>
        %dma_wait3A_463 = arith.constant 896 : i32
        %dma_wait3A_464 = tpu.memref_slice %arg11[%dma_wait3A_463] : memref<1024xi32, #tpu.memory_space<vmem>> -> memref<64xi32, #tpu.memory_space<vmem>>
        %dma_wait3A_465 = arith.constant 0 : i32
        %dma_wait3A_466 = arith.constant 0 : i32
        %dma_wait3A_467 = tpu.memref_slice %arg5[%dma_wait3A_465, %dma_wait3A_466] : memref<80000x16xf32, #tpu.memory_space<hbm>> -> memref<80000x16xf32, #tpu.memory_space<hbm>>
        tpu.wait_indirect_dma semaphore(%arg18 : memref<!tpu.dma_semaphore, #tpu.memory_space<semaphore_mem>>) src(%dma_wait3A_467 : memref<80000x16xf32, #tpu.memory_space<hbm>>) dst(%dma_wait3A_462 : memref<64x16xf32, #tpu.memory_space<vmem>>)
      } else {
      }
      %gt3A_454 = arith.constant 960 : i32
      %gt3A_455 = arith.cmpi sgt, %add3A_286, %gt3A_454 : i32
      %convert_element_type3A_456 = arith.extui %gt3A_455 : i1 to i32
      %cond3A_457 = arith.constant 0 : i32
      %cond3A_458 = arith.cmpi ne, %convert_element_type3A_456, %cond3A_457 : i32
      scf.if %cond3A_458 {
        %dma_wait3A_459 = arith.constant 960 : i32
        %dma_wait3A_460 = arith.constant 0 : i32
        %dma_wait3A_461 = tpu.memref_slice %arg14[%and3A_110, %dma_wait3A_459, %dma_wait3A_460] : memref<2x1024x16xf32, #tpu.memory_space<vmem>> -> memref<1x64x16xf32, #tpu.memory_space<vmem>>
        %dma_wait3A_462 = tpu.memref_squeeze %dma_wait3A_461 : memref<1x64x16xf32, #tpu.memory_space<vmem>> -> memref<64x16xf32, #tpu.memory_space<vmem>>
        %dma_wait3A_463 = arith.constant 960 : i32
        %dma_wait3A_464 = tpu.memref_slice %arg11[%dma_wait3A_463] : memref<1024xi32, #tpu.memory_space<vmem>> -> memref<64xi32, #tpu.memory_space<vmem>>
        %dma_wait3A_465 = arith.constant 0 : i32
        %dma_wait3A_466 = arith.constant 0 : i32
        %dma_wait3A_467 = tpu.memref_slice %arg5[%dma_wait3A_465, %dma_wait3A_466] : memref<80000x16xf32, #tpu.memory_space<hbm>> -> memref<80000x16xf32, #tpu.memory_space<hbm>>
        tpu.wait_indirect_dma semaphore(%arg18 : memref<!tpu.dma_semaphore, #tpu.memory_space<semaphore_mem>>) src(%dma_wait3A_467 : memref<80000x16xf32, #tpu.memory_space<hbm>>) dst(%dma_wait3A_462 : memref<64x16xf32, #tpu.memory_space<vmem>>)
      } else {
      }
      "tpu.trace_stop"() : () -> ()
      scf.yield %add3A_286 : i32
    }
    %scan3A_88 = arith.constant 320 : i32
    "tpu.trace_start"() <{level = 10 : i32, message = "sc_rmw_last"}> : () -> ()
    %shift_right_arithmetic3A = arith.constant 1 : i32
    %shift_right_arithmetic3A_89 = arith.shrsi %scan3A_87, %shift_right_arithmetic3A : i32
    %while3A = arith.constant 0 : i32
    %while3A_90 = arith.constant 0 : i32
    %while3A_91 = arith.subi %shift_right_arithmetic3A_89, %while3A_90 : i32
    %while3A_92 = arith.addi %while3A_90, %while3A_91 : i32
    %while3A_93 = arith.constant 1 : i32
    %while3A_94 = arith.divsi %while3A_91, %while3A_93 : i32
    %while3A_95 = arith.muli %while3A_94, %while3A_93 : i32
    %while3A_96 = arith.addi %while3A_90, %while3A_95 : i32
    %while3A_97 = arith.constant 1 : i32
    scf.for %while3A_107 = %while3A_90 to %while3A_96 step %while3A_97  : i32 {
      %mul3A_108 = arith.constant 2 : i32
      %mul3A_109 = arith.muli %mul3A_108, %while3A_107 : i32
      %mul3A_110 = arith.constant 2 : i32
      %mul3A_111 = arith.muli %mul3A_110, %while3A_107 : i32
      %add3A_112 = arith.constant 1 : i32
      %add3A_113 = arith.addi %mul3A_111, %add3A_112 : i32
      %broadcast_in_dim3A_114 = vector.broadcast %mul3A_109 : i32 to vector<16xi32>
      %broadcast_in_dim3A_115 = vector.broadcast %add3A_113 : i32 to vector<16xi32>
      %gather3A = arith.constant 1 : i32
      %gather3A_116 = arith.constant 0 : i32
      %gather3A_117 = tpu.memref_slice %arg12[%gather3A, %gather3A_116] : memref<2x1024xi32, #tpu.memory_space<vmem>> -> memref<1x1024xi32, #tpu.memory_space<vmem>>
      %gather3A_118 = tpu.memref_squeeze %gather3A_117 : memref<1x1024xi32, #tpu.memory_space<vmem>> -> memref<1024xi32, #tpu.memory_space<vmem>>
      %gather3A_119 = tpu.vector_load_idx %gather3A_118[%broadcast_in_dim3A_114] : memref<1024xi32, #tpu.memory_space<vmem>>[vector<16xi32>], vector<16xi32>,
      %gather3A_120 = arith.constant 1 : i32
      %gather3A_121 = arith.constant 0 : i32
      %gather3A_122 = tpu.memref_slice %arg12[%gather3A_120, %gather3A_121] : memref<2x1024xi32, #tpu.memory_space<vmem>> -> memref<1x1024xi32, #tpu.memory_space<vmem>>
      %gather3A_123 = tpu.memref_squeeze %gather3A_122 : memref<1x1024xi32, #tpu.memory_space<vmem>> -> memref<1024xi32, #tpu.memory_space<vmem>>
      %gather3A_124 = tpu.vector_load_idx %gather3A_123[%broadcast_in_dim3A_115] : memref<1024xi32, #tpu.memory_space<vmem>>[vector<16xi32>], vector<16xi32>,
      %gather3A_125 = arith.constant 1 : i32
      %gather3A_126 = arith.constant 0 : i32
      %gather3A_127 = tpu.memref_slice %arg13[%gather3A_125, %gather3A_126] : memref<2x1024xf32, #tpu.memory_space<vmem>> -> memref<1x1024xf32, #tpu.memory_space<vmem>>
      %gather3A_128 = tpu.memref_squeeze %gather3A_127 : memref<1x1024xf32, #tpu.memory_space<vmem>> -> memref<1024xf32, #tpu.memory_space<vmem>>
      %gather3A_129 = tpu.vector_load_idx %gather3A_128[%broadcast_in_dim3A_114] : memref<1024xf32, #tpu.memory_space<vmem>>[vector<16xi32>], vector<16xf32>,
      %gather3A_130 = arith.constant 1 : i32
      %gather3A_131 = arith.constant 0 : i32
      %gather3A_132 = tpu.memref_slice %arg13[%gather3A_130, %gather3A_131] : memref<2x1024xf32, #tpu.memory_space<vmem>> -> memref<1x1024xf32, #tpu.memory_space<vmem>>
      %gather3A_133 = tpu.memref_squeeze %gather3A_132 : memref<1x1024xf32, #tpu.memory_space<vmem>> -> memref<1024xf32, #tpu.memory_space<vmem>>
      %gather3A_134 = tpu.vector_load_idx %gather3A_133[%broadcast_in_dim3A_115] : memref<1024xf32, #tpu.memory_space<vmem>>[vector<16xi32>], vector<16xf32>,
      %get3A_135 = arith.constant 1 : i32
      %get3A_136 = arith.index_cast %get3A_135 : i32 to index
      %get3A_137 = arith.index_cast %mul3A_109 : i32 to index
      %get3A_138 = arith.constant 0 : index
      %get3A_139 = tpu.vector_load %arg14[%get3A_136, %get3A_137, %get3A_138] {strides = array<i32>} : memref<2x1024x16xf32, #tpu.memory_space<vmem>>, vector<16xf32>,
      %mul3A_140 = arith.mulf %gather3A_129, %get3A_35 : vector<16xf32>
      %add3A_141 = arith.addf %get3A_139, %mul3A_140 : vector<16xf32>
      %get3A_142 = arith.constant 1 : i32
      %get3A_143 = arith.index_cast %get3A_142 : i32 to index
      %get3A_144 = arith.index_cast %add3A_113 : i32 to index
      %get3A_145 = arith.constant 0 : index
      %get3A_146 = tpu.vector_load %arg14[%get3A_143, %get3A_144, %get3A_145] {strides = array<i32>} : memref<2x1024x16xf32, #tpu.memory_space<vmem>>, vector<16xf32>,
      %mul3A_147 = arith.mulf %gather3A_134, %get3A_35 : vector<16xf32>
      %add3A_148 = arith.addf %get3A_146, %mul3A_147 : vector<16xf32>
      %gather3A_149 = tpu.vector_load_idx %arg15[%gather3A_119, %iota3A] : memref<2501x16xf32, #tpu.memory_space<vmem>>[vector<16xi32>, vector<16xi32>], vector<16xf32>,
      %gather3A_150 = tpu.vector_load_idx %arg16[%gather3A_124, %iota3A] : memref<2501x16xf32, #tpu.memory_space<vmem>>[vector<16xi32>, vector<16xi32>], vector<16xf32>,
      %max3A = arith.maximumf %gather3A_149, %add3A_141 : vector<16xf32>
      tpu.vector_store_idx %arg15[%gather3A_119, %iota3A], %max3A : memref<2501x16xf32, #tpu.memory_space<vmem>>[vector<16xi32>, vector<16xi32>], vector<16xf32>,
      %max3A_151 = arith.maximumf %gather3A_150, %add3A_148 : vector<16xf32>
      tpu.vector_store_idx %arg16[%gather3A_124, %iota3A], %max3A_151 : memref<2501x16xf32, #tpu.memory_space<vmem>>[vector<16xi32>, vector<16xi32>], vector<16xf32>,
    }
    %while3A_98 = arith.constant 1 : i32
    scf.for %while3A_107 = %while3A_96 to %while3A_92 step %while3A_98  : i32 {
      %mul3A_108 = arith.constant 2 : i32
      %mul3A_109 = arith.muli %mul3A_108, %while3A_107 : i32
      %mul3A_110 = arith.constant 2 : i32
      %mul3A_111 = arith.muli %mul3A_110, %while3A_107 : i32
      %add3A_112 = arith.constant 1 : i32
      %add3A_113 = arith.addi %mul3A_111, %add3A_112 : i32
      %broadcast_in_dim3A_114 = vector.broadcast %mul3A_109 : i32 to vector<16xi32>
      %broadcast_in_dim3A_115 = vector.broadcast %add3A_113 : i32 to vector<16xi32>
      %gather3A = arith.constant 1 : i32
      %gather3A_116 = arith.constant 0 : i32
      %gather3A_117 = tpu.memref_slice %arg12[%gather3A, %gather3A_116] : memref<2x1024xi32, #tpu.memory_space<vmem>> -> memref<1x1024xi32, #tpu.memory_space<vmem>>
      %gather3A_118 = tpu.memref_squeeze %gather3A_117 : memref<1x1024xi32, #tpu.memory_space<vmem>> -> memref<1024xi32, #tpu.memory_space<vmem>>
      %gather3A_119 = tpu.vector_load_idx %gather3A_118[%broadcast_in_dim3A_114] : memref<1024xi32, #tpu.memory_space<vmem>>[vector<16xi32>], vector<16xi32>,
      %gather3A_120 = arith.constant 1 : i32
      %gather3A_121 = arith.constant 0 : i32
      %gather3A_122 = tpu.memref_slice %arg12[%gather3A_120, %gather3A_121] : memref<2x1024xi32, #tpu.memory_space<vmem>> -> memref<1x1024xi32, #tpu.memory_space<vmem>>
      %gather3A_123 = tpu.memref_squeeze %gather3A_122 : memref<1x1024xi32, #tpu.memory_space<vmem>> -> memref<1024xi32, #tpu.memory_space<vmem>>
      %gather3A_124 = tpu.vector_load_idx %gather3A_123[%broadcast_in_dim3A_115] : memref<1024xi32, #tpu.memory_space<vmem>>[vector<16xi32>], vector<16xi32>,
      %gather3A_125 = arith.constant 1 : i32
      %gather3A_126 = arith.constant 0 : i32
      %gather3A_127 = tpu.memref_slice %arg13[%gather3A_125, %gather3A_126] : memref<2x1024xf32, #tpu.memory_space<vmem>> -> memref<1x1024xf32, #tpu.memory_space<vmem>>
      %gather3A_128 = tpu.memref_squeeze %gather3A_127 : memref<1x1024xf32, #tpu.memory_space<vmem>> -> memref<1024xf32, #tpu.memory_space<vmem>>
      %gather3A_129 = tpu.vector_load_idx %gather3A_128[%broadcast_in_dim3A_114] : memref<1024xf32, #tpu.memory_space<vmem>>[vector<16xi32>], vector<16xf32>,
      %gather3A_130 = arith.constant 1 : i32
      %gather3A_131 = arith.constant 0 : i32
      %gather3A_132 = tpu.memref_slice %arg13[%gather3A_130, %gather3A_131] : memref<2x1024xf32, #tpu.memory_space<vmem>> -> memref<1x1024xf32, #tpu.memory_space<vmem>>
      %gather3A_133 = tpu.memref_squeeze %gather3A_132 : memref<1x1024xf32, #tpu.memory_space<vmem>> -> memref<1024xf32, #tpu.memory_space<vmem>>
      %gather3A_134 = tpu.vector_load_idx %gather3A_133[%broadcast_in_dim3A_115] : memref<1024xf32, #tpu.memory_space<vmem>>[vector<16xi32>], vector<16xf32>,
      %get3A_135 = arith.constant 1 : i32
      %get3A_136 = arith.index_cast %get3A_135 : i32 to index
      %get3A_137 = arith.index_cast %mul3A_109 : i32 to index
      %get3A_138 = arith.constant 0 : index
      %get3A_139 = tpu.vector_load %arg14[%get3A_136, %get3A_137, %get3A_138] {strides = array<i32>} : memref<2x1024x16xf32, #tpu.memory_space<vmem>>, vector<16xf32>,
      %mul3A_140 = arith.mulf %gather3A_129, %get3A_35 : vector<16xf32>
      %add3A_141 = arith.addf %get3A_139, %mul3A_140 : vector<16xf32>
      %get3A_142 = arith.constant 1 : i32
      %get3A_143 = arith.index_cast %get3A_142 : i32 to index
      %get3A_144 = arith.index_cast %add3A_113 : i32 to index
      %get3A_145 = arith.constant 0 : index
      %get3A_146 = tpu.vector_load %arg14[%get3A_143, %get3A_144, %get3A_145] {strides = array<i32>} : memref<2x1024x16xf32, #tpu.memory_space<vmem>>, vector<16xf32>,
      %mul3A_147 = arith.mulf %gather3A_134, %get3A_35 : vector<16xf32>
      %add3A_148 = arith.addf %get3A_146, %mul3A_147 : vector<16xf32>
      %gather3A_149 = tpu.vector_load_idx %arg15[%gather3A_119, %iota3A] : memref<2501x16xf32, #tpu.memory_space<vmem>>[vector<16xi32>, vector<16xi32>], vector<16xf32>,
      %gather3A_150 = tpu.vector_load_idx %arg16[%gather3A_124, %iota3A] : memref<2501x16xf32, #tpu.memory_space<vmem>>[vector<16xi32>, vector<16xi32>], vector<16xf32>,
      %max3A = arith.maximumf %gather3A_149, %add3A_141 : vector<16xf32>
      tpu.vector_store_idx %arg15[%gather3A_119, %iota3A], %max3A : memref<2501x16xf32, #tpu.memory_space<vmem>>[vector<16xi32>, vector<16xi32>], vector<16xf32>,
      %max3A_151 = arith.maximumf %gather3A_150, %add3A_148 : vector<16xf32>
      tpu.vector_store_idx %arg16[%gather3A_124, %iota3A], %max3A_151 : memref<2501x16xf32, #tpu.memory_space<vmem>>[vector<16xi32>, vector<16xi32>], vector<16xf32>,
    }
    "tpu.trace_stop"() : () -> ()
    %scan3A_99 = arith.constant 0 : i32
    %scan3A_100 = arith.constant 0 : i32
    %scan3A_101 = arith.constant 2500 : i32
    %scan3A_102 = arith.addi %scan3A_100, %scan3A_101 : i32
    %scan3A_103 = arith.constant 1 : i32
    scf.for %scan3A_107 = %scan3A_100 to %scan3A_102 step %scan3A_103  : i32 {
      %get3A_108 = arith.index_cast %scan3A_107 : i32 to index
      %get3A_109 = arith.constant 0 : index
      %get3A_110 = tpu.vector_load %arg15[%get3A_108, %get3A_109] {strides = array<i32>} : memref<2501x16xf32, #tpu.memory_space<vmem>>, vector<16xf32>,
      %get3A_111 = arith.index_cast %scan3A_107 : i32 to index
      %get3A_112 = arith.constant 0 : index
      %get3A_113 = tpu.vector_load %arg16[%get3A_111, %get3A_112] {strides = array<i32>} : memref<2501x16xf32, #tpu.memory_space<vmem>>, vector<16xf32>,
      %max3A = arith.maximumf %get3A_110, %get3A_113 : vector<16xf32>
      %swap3A = arith.index_cast %scan3A_107 : i32 to index
      %swap3A_114 = arith.constant 0 : index
      %swap3A_115 = tpu.vector_load %arg15[%swap3A, %swap3A_114] {strides = array<i32>} : memref<2501x16xf32, #tpu.memory_space<vmem>>, vector<16xf32>,
      tpu.vector_store %arg15[%swap3A, %swap3A_114], %max3A {strides = array<i32>} : memref<2501x16xf32, #tpu.memory_space<vmem>>, vector<16xf32>,
    }
    %scan3A_104 = arith.constant 2500 : i32
    %mul3A_105 = arith.constant 16 : i32
    %mul3A_106 = arith.muli %select_n3A_30, %mul3A_105 : i32
    "tpu.region"() ({
      %run_scoped3A = tpu.sem_alloc : memref<!tpu.dma_semaphore, #tpu.memory_space<semaphore_mem>>
      %dma_start3A_107 = arith.constant 0 : i32
      %dma_start3A_108 = arith.constant 0 : i32
      %dma_start3A_109 = tpu.memref_slice %arg15[%dma_start3A_107, %dma_start3A_108] : memref<2501x16xf32, #tpu.memory_space<vmem>> -> memref<2500x16xf32, #tpu.memory_space<vmem>>
      %dma_start3A_110 = tpu.memref_slice %arg7[%mul3A_32, %mul3A_106] : memref<10000x128xf32, #tpu.memory_space<hbm>> -> memref<2500x16xf32, #tpu.memory_space<hbm>>
      %dma_start3A_111 = tpu.memref_slice %arg7[%mul3A_32, %mul3A_106] : memref<10000x128xf32, #tpu.memory_space<hbm>> -> memref<2500x16xf32, #tpu.memory_space<hbm>>
      %dma_start3A_112 = arith.constant 0 : i32
      %dma_start3A_113 = arith.constant 0 : i32
      %dma_start3A_114 = tpu.memref_slice %arg15[%dma_start3A_112, %dma_start3A_113] : memref<2501x16xf32, #tpu.memory_space<vmem>> -> memref<2500x16xf32, #tpu.memory_space<vmem>>
      tpu.enqueue_dma source(%dma_start3A_114 : memref<2500x16xf32, #tpu.memory_space<vmem>>) target(%dma_start3A_111 : memref<2500x16xf32, #tpu.memory_space<hbm>>) target_semaphore(%run_scoped3A : memref<!tpu.dma_semaphore, #tpu.memory_space<semaphore_mem>>)
      %dma_wait3A = arith.constant 0 : i32
      %dma_wait3A_115 = arith.constant 0 : i32
      %dma_wait3A_116 = tpu.memref_slice %arg15[%dma_wait3A, %dma_wait3A_115] : memref<2501x16xf32, #tpu.memory_space<vmem>> -> memref<2500x16xf32, #tpu.memory_space<vmem>>
      %dma_wait3A_117 = tpu.memref_slice %arg7[%mul3A_32, %mul3A_106] : memref<10000x128xf32, #tpu.memory_space<hbm>> -> memref<2500x16xf32, #tpu.memory_space<hbm>>
      %dma_wait3A_118 = tpu.memref_slice %arg7[%mul3A_32, %mul3A_106] : memref<10000x128xf32, #tpu.memory_space<hbm>> -> memref<2500x16xf32, #tpu.memory_space<hbm>>
      %dma_wait3A_119 = arith.constant 0 : i32
      %dma_wait3A_120 = arith.constant 0 : i32
      %dma_wait3A_121 = tpu.memref_slice %arg15[%dma_wait3A_119, %dma_wait3A_120] : memref<2501x16xf32, #tpu.memory_space<vmem>> -> memref<2500x16xf32, #tpu.memory_space<vmem>>
      tpu.wait_dma2 semaphore(%run_scoped3A : memref<!tpu.dma_semaphore, #tpu.memory_space<semaphore_mem>>) src(%dma_wait3A_121 : memref<2500x16xf32, #tpu.memory_space<vmem>>) dst(%dma_wait3A_118 : memref<2500x16xf32, #tpu.memory_space<hbm>>)
      tpu.yield
    }) : () -> ()
    return
  }
}

module attributes {stable_mosaic.version = 14 : i64} {
  func.func @_mm_pre_body(%arg0: i32, %arg1: memref<1000x128xf32, #tpu.memory_space<vmem>>, %arg2: memref<128x256xf32, #tpu.memory_space<vmem>>, %arg3: memref<1000x128xf32, #tpu.memory_space<vmem>>, %arg4: memref<1000x128xf32, #tpu.memory_space<vmem>>) attributes {dimension_semantics = [#tpu.dimension_semantics<arbitrary>], iteration_bounds = array<i64: 10>, scalar_prefetch = 0 : i64, scratch_operands = 0 : i64, tpu.core_type = #tpu.core_type<tc>, window_params = [{transform_indices = @transform_0, window_bounds = array<i64: 1000, 128>}, {pipeline_mode = #tpu.pipeline_mode<synchronous>, transform_indices = @transform_1, window_bounds = array<i64: 128, 256>}, {transform_indices = @transform_2, window_bounds = array<i64: 1000, 128>}, {transform_indices = @transform_3, window_bounds = array<i64: 1000, 128>}]} {
    %get3A = arith.constant 0 : index
    %get3A_0 = arith.constant 0 : index
    %get3A_1 = vector.load %arg1[%get3A, %get3A_0] : memref<1000x128xf32, #tpu.memory_space<vmem>>, vector<1000x128xf32>
    %get3A_2 = arith.constant 0 : index
    %get3A_3 = arith.constant 0 : index
    %get3A_4 = vector.load %arg2[%get3A_2, %get3A_3] : memref<128x256xf32, #tpu.memory_space<vmem>>, vector<128x256xf32>
    %dot_general3A = arith.constant dense<0.000000e+00> : vector<1000x256xf32>
    %dot_general3A_5 = tpu.matmul %get3A_1, %get3A_4, %dot_general3A {dimension_numbers = #tpu.dot_dimension_numbers<[1], [0], [0], [1], [0, 0, 1, 1], [], []>, transpose_lhs_hint = false} : vector<1000x128xf32>, vector<128x256xf32>, vector<1000x256xf32> -> vector<1000x256xf32>
    %slice3A = vector.extract_strided_slice %dot_general3A_5 {offsets = [0, 0], sizes = [1000, 128], strides = [1, 1]} : vector<1000x256xf32> to vector<1000x128xf32>
    %swap3A = arith.constant 0 : index
    %swap3A_6 = arith.constant 0 : index
    %swap3A_7 = vector.load %arg3[%swap3A, %swap3A_6] : memref<1000x128xf32, #tpu.memory_space<vmem>>, vector<1000x128xf32>
    tpu.vector_store %arg3[%swap3A, %swap3A_6], %slice3A {strides = array<i32>} : memref<1000x128xf32, #tpu.memory_space<vmem>>, vector<1000x128xf32>,
    %slice3A_8 = vector.extract_strided_slice %dot_general3A_5 {offsets = [0, 128], sizes = [1000, 128], strides = [1, 1]} : vector<1000x256xf32> to vector<1000x128xf32>
    %swap3A_9 = arith.constant 0 : index
    %swap3A_10 = arith.constant 0 : index
    %swap3A_11 = vector.load %arg4[%swap3A_9, %swap3A_10] : memref<1000x128xf32, #tpu.memory_space<vmem>>, vector<1000x128xf32>
    tpu.vector_store %arg4[%swap3A_9, %swap3A_10], %slice3A_8 {strides = array<i32>} : memref<1000x128xf32, #tpu.memory_space<vmem>>, vector<1000x128xf32>,
    return
  }
  func.func @transform_0(%arg0: i32) -> (i32, i32) {
    %c0_i32 = arith.constant 0 : i32
    %c0_i32_0 = arith.constant 0 : i32
    return %arg0, %c0_i32 : i32, i32
  }
  func.func @transform_1(%arg0: i32) -> (i32, i32) {
    %c0_i32 = arith.constant 0 : i32
    %c0_i32_0 = arith.constant 0 : i32
    %c0_i32_1 = arith.constant 0 : i32
    return %c0_i32, %c0_i32_0 : i32, i32
  }
  func.func @transform_2(%arg0: i32) -> (i32, i32) {
    %c0_i32 = arith.constant 0 : i32
    %c0_i32_0 = arith.constant 0 : i32
    return %arg0, %c0_i32 : i32, i32
  }
  func.func @transform_3(%arg0: i32) -> (i32, i32) {
    %c0_i32 = arith.constant 0 : i32
    %c0_i32_0 = arith.constant 0 : i32
    return %arg0, %c0_i32 : i32, i32
  }
}

module attributes {stable_mosaic.version = 14 : i64} {
  func.func @_mm_post_body(%arg0: i32, %arg1: memref<1000x128xf32, #tpu.memory_space<vmem>>, %arg2: memref<1000x128xf32, #tpu.memory_space<vmem>>, %arg3: memref<1000x128xf32, #tpu.memory_space<vmem>>, %arg4: memref<256x128xf32, #tpu.memory_space<vmem>>, %arg5: memref<1x128xf32, #tpu.memory_space<vmem>>, %arg6: memref<1x128xf32, #tpu.memory_space<vmem>>, %arg7: memref<1000x128xf32, #tpu.memory_space<vmem>>) attributes {dimension_semantics = [#tpu.dimension_semantics<arbitrary>], iteration_bounds = array<i64: 10>, scalar_prefetch = 0 : i64, scratch_operands = 0 : i64, tpu.core_type = #tpu.core_type<tc>, window_params = [{transform_indices = @transform_0, window_bounds = array<i64: 1000, 128>}, {transform_indices = @transform_1, window_bounds = array<i64: 1000, 128>}, {transform_indices = @transform_2, window_bounds = array<i64: 1000, 128>}, {pipeline_mode = #tpu.pipeline_mode<synchronous>, transform_indices = @transform_3, window_bounds = array<i64: 256, 128>}, {pipeline_mode = #tpu.pipeline_mode<synchronous>, transform_indices = @transform_4, window_bounds = array<i64: 1, 128>}, {pipeline_mode = #tpu.pipeline_mode<synchronous>, transform_indices = @transform_5, window_bounds = array<i64: 1, 128>}, {transform_indices = @transform_6, window_bounds = array<i64: 1000, 128>}]} {
    %get3A = arith.constant 0 : index
    %get3A_0 = arith.constant 0 : index
    %get3A_1 = vector.load %arg2[%get3A, %get3A_0] : memref<1000x128xf32, #tpu.memory_space<vmem>>, vector<1000x128xf32>
    %eq3A = arith.constant 0xFF800000 : f32
    %eq3A_2 = vector.broadcast %eq3A : f32 to vector<1000x128xf32>
    %eq3A_3 = arith.cmpf oeq, %get3A_1, %eq3A_2 : vector<1000x128xf32>
    %get3A_4 = arith.constant 0 : index
    %get3A_5 = arith.constant 0 : index
    %get3A_6 = vector.load %arg3[%get3A_4, %get3A_5] : memref<1000x128xf32, #tpu.memory_space<vmem>>, vector<1000x128xf32>
    %add3A = arith.addf %get3A_1, %get3A_6 : vector<1000x128xf32>
    %get3A_7 = arith.constant 0 : index
    %get3A_8 = arith.constant 0 : index
    %get3A_9 = vector.load %arg6[%get3A_7, %get3A_8] : memref<1x128xf32, #tpu.memory_space<vmem>>, vector<1x128xf32>
    %add3A_10 = vector.broadcast %get3A_9 : vector<1x128xf32> to vector<1000x128xf32>
    %add3A_11 = arith.addf %add3A, %add3A_10 : vector<1000x128xf32>
    %jit3A = arith.constant 0.000000e+00 : f32
    %broadcast_in_dim3A = vector.broadcast %jit3A : f32 to vector<1000x128xf32>
    %select_n3A = arith.select %eq3A_3, %broadcast_in_dim3A, %add3A_11 : vector<1000x128xi1>, vector<1000x128xf32>
    %get3A_12 = arith.constant 0 : index
    %get3A_13 = arith.constant 0 : index
    %get3A_14 = vector.load %arg1[%get3A_12, %get3A_13] : memref<1000x128xf32, #tpu.memory_space<vmem>>, vector<1000x128xf32>
    %concatenate3A = tpu.concatenate %get3A_14, %select_n3A in 1 : vector<1000x128xf32>, vector<1000x128xf32> -> vector<1000x256xf32>
    %get3A_15 = arith.constant 0 : index
    %get3A_16 = arith.constant 0 : index
    %get3A_17 = vector.load %arg4[%get3A_15, %get3A_16] : memref<256x128xf32, #tpu.memory_space<vmem>>, vector<256x128xf32>
    %dot_general3A = arith.constant dense<0.000000e+00> : vector<1000x128xf32>
    %dot_general3A_18 = tpu.matmul %concatenate3A, %get3A_17, %dot_general3A {dimension_numbers = #tpu.dot_dimension_numbers<[1], [0], [0], [1], [0, 0, 1, 1], [], []>, transpose_lhs_hint = false} : vector<1000x256xf32>, vector<256x128xf32>, vector<1000x128xf32> -> vector<1000x128xf32>
    %get3A_19 = arith.constant 0 : index
    %get3A_20 = arith.constant 0 : index
    %get3A_21 = vector.load %arg5[%get3A_19, %get3A_20] : memref<1x128xf32, #tpu.memory_space<vmem>>, vector<1x128xf32>
    %add3A_22 = vector.broadcast %get3A_21 : vector<1x128xf32> to vector<1000x128xf32>
    %add3A_23 = arith.addf %dot_general3A_18, %add3A_22 : vector<1000x128xf32>
    %swap3A = arith.constant 0 : index
    %swap3A_24 = arith.constant 0 : index
    %swap3A_25 = vector.load %arg7[%swap3A, %swap3A_24] : memref<1000x128xf32, #tpu.memory_space<vmem>>, vector<1000x128xf32>
    tpu.vector_store %arg7[%swap3A, %swap3A_24], %add3A_23 {strides = array<i32>} : memref<1000x128xf32, #tpu.memory_space<vmem>>, vector<1000x128xf32>,
    return
  }
  func.func @transform_0(%arg0: i32) -> (i32, i32) {
    %c0_i32 = arith.constant 0 : i32
    %c0_i32_0 = arith.constant 0 : i32
    return %arg0, %c0_i32 : i32, i32
  }
  func.func @transform_1(%arg0: i32) -> (i32, i32) {
    %c0_i32 = arith.constant 0 : i32
    %c0_i32_0 = arith.constant 0 : i32
    return %arg0, %c0_i32 : i32, i32
  }
  func.func @transform_2(%arg0: i32) -> (i32, i32) {
    %c0_i32 = arith.constant 0 : i32
    %c0_i32_0 = arith.constant 0 : i32
    return %arg0, %c0_i32 : i32, i32
  }
  func.func @transform_3(%arg0: i32) -> (i32, i32) {
    %c0_i32 = arith.constant 0 : i32
    %c0_i32_0 = arith.constant 0 : i32
    %c0_i32_1 = arith.constant 0 : i32
    return %c0_i32, %c0_i32_0 : i32, i32
  }
  func.func @transform_4(%arg0: i32) -> (i32, i32) {
    %c0_i32 = arith.constant 0 : i32
    %c0_i32_0 = arith.constant 0 : i32
    %c0_i32_1 = arith.constant 0 : i32
    return %c0_i32, %c0_i32_0 : i32, i32
  }
  func.func @transform_5(%arg0: i32) -> (i32, i32) {
    %c0_i32 = arith.constant 0 : i32
    %c0_i32_0 = arith.constant 0 : i32
    %c0_i32_1 = arith.constant 0 : i32
    return %c0_i32, %c0_i32_0 : i32, i32
  }
  func.func @transform_6(%arg0: i32) -> (i32, i32) {
    %c0_i32 = arith.constant 0 : i32
    %c0_i32_0 = arith.constant 0 : i32
    return %arg0, %c0_i32 : i32, i32
  }
}

</mosaic_0001>

<sc_bundles>
// kernel: kernel.5.cloned.1.call-start
scs
__scs_entry_jumppad:
0x0: {  	(pc) =	sbr.rel $0x88, $3  }
0x1: {  	(tag) =	ssettag $0x0;
	lr =	simm.s32 $0x1  }
0x2: {  	[smem:$0x3F99] =	sst lr;
	_ =	strace $0xD0000000  }
0x3: {  	_ = 	snop  }
0x4: {  	_ = 	snop  }
0x5: {  	_ = 	snop  }
0x6: {  	_ = 	snop  }
0x7: {  	_ = 	snop  }
__scs_overlays_trampoline_lowered:
0x8: {  	[smem:$0x3FA8] =	sst s0  }
0x9: {  	[smem:$0x3FA9] =	sst s1  }
0xa: {  	[smem:$0x3FAA] =	sst s2  }
0xb: {  	[smem:$0x3FAB] =	sst s3  }
0xc: {  	[smem:$0x3FAC] =	sst s4  }
0xd: {  	[smem:$0x3FAD] =	sst s5  }
0xe: {  	[smem:$0x3FAE] =	sst s6  }
0xf: {  	[smem:$0x3FAF] =	sst s7  }
0x10: {  	[smem:$0x3FB0] =	sst s8  }
0x11: {  	[smem:$0x3FB1] =	sst s9;
	s0 =	simm.s32 @!p0 $0x0  }
0x12: {  	s1 =	sld [smem:$0x3F97];
	s0 =	simm.s32 @p0 $0x1  }
0x13: {  	[smem:$0x3FB2] =	sst s0;
	s0 =	simm.s32 @!p1 $0x0  }
0x14: {  	s2 =	sld [smem:$0x3F96];
	s0 =	simm.s32 @p1 $0x1  }
0x15: {  	[smem:$0x3FB3] =	sst s0;
	s0 =	simm.s32 @!p2 $0x0  }
0x16: {  	s3 =	sld [smem:$0x3FDB];
	s0 =	simm.s32 @p2 $0x1  }
0x17: {  	s4 =	simm.s32 $0x1BF5;
	[smem:$0x3FB5] =	sst s0  }
0x18: {  	s0 =	sld [smem:$0x3F98];
	_ =	swait.ge [sflag:s4], $0x0  }
0x19: {  	s7 =	sld [smem:$0x3F99]  }
0x1a: {  	s8 =	sadd.s32 $0xFFFFE003, lr  }
0x1b: {  	s9 =	sadd.s32 $0xFFFFFEF7, lr;
	s5 =	simm.s32 $0xFFFFFFFF;
	p2 =	slt.u32 s8, $0xFFFFF086  }
0x1c: {  	p1 =	slt.u32 s9, $0xF7A;
	s5 =	simm.s32 @!p2 $0x0  }
0x1d: {  	s5 =	simm.s32 @p1 $0x1;
	p0 =	seq.s32 s7, s2  }
0x1e: {  	s7 =	smul.u32 @!p0 $0xF7A, s2;
	p2 =	seq.s32 @!p0 s5, $0x0  }
0x1f: {  	s9 =	smul.u32 $0xF7A, s1;
	s8 =	simm.s32 @!p0 $0x1BF5;
	p2 =	por !p2, p0  }
0x20: {  	[sflag:s8] =	ssyncset.s32 @!p0 $0xFFFFF086;
	s6 =	sadd.s32 @!p0 s3, s7;
	s7 =	simm.s32 @!p0 $0x108  }
0x21: {  	s3 =	sadd.s32 s3, s9;
	s6 =	sadd.s32 @!p0 $0x88, s6;
	s7 =	simm.s32 @p2 $0x1082  }
0x22: {  	[simem:s7], [sflag:s8] =	dma.local @!p0 [hbm:s6], $0xF7A  }
0x23: {  	s9 =	sor.u32 $0xD0000000, s2;
	s6 =	simm.s32 $0x108;
	_ =	swait.ge @!p0 [sflag:s8], $0x0  }
0x24: {  	s3 =	sadd.s32 $0x88, s3;
	s6 =	simm.s32 @!p1 $0x1082;
	[sflag:s4] =	ssyncset.s32 $0xFFFFF086  }
0x25: {  	[simem:s6], [sflag:s4] =	dma.local [hbm:s3], $0xF7A  }
0x26: {  	[smem:$0x3F99] =	sst s1;
	(tag) =	ssettag s2;
	_ =	strace s9  }
0x27: {  	s1 =	sld [smem:$0x3FA9]  }
0x28: {  	s2 =	sld [smem:$0x3FAA]  }
0x29: {  	s4 =	sld [smem:$0x3FAC]  }
0x2a: {  	p0 =	seq.s32 s5, $0x0;
	s5 =	sld [smem:$0x3FAD]  }
0x2b: {  	s6 =	sld [smem:$0x3FAE]  }
0x2c: {  	s7 =	sld [smem:$0x3FAF]  }
0x2d: {  	s3 =	simm.s32 $0x108;
	s8 =	sld [smem:$0x3FB0]  }
0x2e: {  	s3 =	simm.s32 @!p0 $0x1082;
	s9 =	sld [smem:$0x3FB1]  }
0x2f: {  	lr =	sadd.s32 s0, s3;
	s0 =	sld [smem:$0x3FA8]  }
0x30: {  	s3 =	sld [smem:$0x3FAB]  }
0x31: {  	[smem:$0x3FB4] =	sst s10  }
0x32: {  	s10 =	sld [smem:$0x3FB2];
	_ =	sdelay $0x3  }
0x33: {  	p0 =	seq.s32 s10, $0x1;
	s10 =	sld [smem:$0x3FB4];
	_ =	sdelay $0x3  }
0x34: {  	[smem:$0x3FB4] =	sst s10  }
0x35: {  	s10 =	sld [smem:$0x3FB3];
	_ =	sdelay $0x3  }
0x36: {  	p1 =	seq.s32 s10, $0x1;
	s10 =	sld [smem:$0x3FB4];
	_ =	sdelay $0x3  }
0x37: {  	[smem:$0x3FB4] =	sst s10  }
0x38: {  	s10 =	sld [smem:$0x3FB5]  }
0x39: {  	_ = 	snop;
	(pc) =	sbr.ind lr, $3  }
0x3a: {  	_ = 	snop  }
0x3b: {  	_ = 	snop  }
0x3c: {  	p2 =	seq.s32 s10, $0x1;
	s10 =	sld [smem:$0x3FB4]  }
0x3d: {  	_ =	shalt  }
0x3e: {  	_ =	shalt  }
0x3f: {  	_ =	shalt  }
0x40: {  	_ =	shalt  }
0x41: {  	_ =	shalt  }
0x42: {  	_ =	shalt  }
0x43: {  	_ =	shalt  }
0x44: {  	_ =	shalt  }
0x45: {  	_ =	shalt  }
0x46: {  	_ =	shalt  }
0x47: {  	_ =	shalt  }
0x48: {  	_ =	shalt  }
0x49: {  	_ =	shalt  }
0x4a: {  	_ =	shalt  }
0x4b: {  	_ =	shalt  }
0x4c: {  	_ =	shalt  }
0x4d: {  	_ =	shalt  }
0x4e: {  	_ =	shalt  }
0x4f: {  	_ =	shalt  }
0x50: {  	_ =	shalt  }
0x51: {  	_ =	shalt  }
0x52: {  	_ =	shalt  }
0x53: {  	_ =	shalt  }
0x54: {  	_ =	shalt  }
0x55: {  	_ =	shalt  }
0x56: {  	_ =	shalt  }
0x57: {  	_ =	shalt  }
0x58: {  	_ =	shalt  }
0x59: {  	_ =	shalt  }
0x5a: {  	_ =	shalt  }
0x5b: {  	_ =	shalt  }
0x5c: {  	_ =	shalt  }
0x5d: {  	_ =	shalt  }
0x5e: {  	_ =	shalt  }
0x5f: {  	_ =	shalt  }
0x60: {  	_ =	shalt  }
0x61: {  	_ =	shalt  }
0x62: {  	_ =	shalt  }
0x63: {  	_ =	shalt  }
0x64: {  	_ =	shalt  }
0x65: {  	_ =	shalt  }
0x66: {  	_ =	shalt  }
0x67: {  	_ =	shalt  }
0x68: {  	_ =	shalt  }
0x69: {  	_ =	shalt  }
0x6a: {  	_ =	shalt  }
0x6b: {  	_ =	shalt  }
0x6c: {  	_ =	shalt  }
0x6d: {  	_ =	shalt  }
0x6e: {  	_ =	shalt  }
0x6f: {  	_ =	shalt  }
0x70: {  	_ =	shalt  }
0x71: {  	_ =	shalt  }
0x72: {  	_ =	shalt  }
0x73: {  	_ =	shalt  }
0x74: {  	_ =	shalt  }
0x75: {  	_ =	shalt  }
0x76: {  	_ =	shalt  }
0x77: {  	_ =	shalt  }
0x78: {  	_ =	shalt  }
0x79: {  	_ =	shalt  }
0x7a: {  	_ =	shalt  }
0x7b: {  	_ =	shalt  }
0x7c: {  	_ =	shalt  }
0x7d: {  	_ =	shalt  }
0x7e: {  	_ =	shalt  }
0x7f: {  	_ =	shalt  }
0x80: {  	_ =	shalt  }
0x81: {  	_ =	shalt  }
0x82: {  	_ =	shalt  }
0x83: {  	_ =	shalt  }
0x84: {  	_ =	shalt  }
0x85: {  	_ =	shalt  }
0x86: {  	_ =	shalt  }
0x87: {  	_ =	shalt  }
.Lfunc_end0:
.L_simem_size_0:
called_computation_lowered:
.L_overlay_start_0:
0x88: {  	s2 =	sld [smem:$0x3FD9]  }
0x89: {  	s3 =	sld [smem:$0x3FFE];
	_ =	sdelay $0x1  }
0x8a: {  	s1 =	srdreg.scid  }
0x8b: {  	s0 =	sand.u32 $0x1, s1  }
0x8c: {  	s17 =	sshll.u32 s0, $0xA;
	s2 =	sadd.s32 s3, s2  }
0x8d: {  	s2 =	sadd.s32 s2, s17  }
0x8e: {  	[smem:$0x3FC0] =	sst s2  }
0x8f: {  	_ = 	snop  }
0x90: {  	s2 =	sld [smem:$0x3FC8]  }
0x91: {  	s18 =	sld [smem:$0x3FD0];
	(tm) =	ssettm $0x1  }
0x92: {  	s4 =	sld [smem:$0x3FFB];
	_ =	sdelay $0x3  }
0x93: {  	_ =	strace s4  }
0x94: {  	s4 =	sld [smem:$0x3FFC];
	_ =	sdelay $0x3  }
0x95: {  	_ =	strace s4  }
0x96: {  	s4 =	sld [smem:$0x3FFD];
	_ =	sdelay $0x3  }
0x97: {  	_ =	strace s4  }
0x98: {  	_ =	strace $0x8FFFFFFF  }
0x99: {  	s19 =	sld [smem:$0x3FDB];
	_ =	sdelay $0x1  }
0x9a: {  	s5 =	simm.s32 $_scs_section_size  }
0x9b: {  	s6 =	simm.s32 $_size__tile_overlayer_lowered;
	s7 =	simm.s32 $_tile_overlayer_lowered  }
0x9c: {  	s22 =	simm.s32 $0x1BFF;
	s21 =	sshll.u32 s7, $0x1;
	s4 =	sadd.s32 s5, s19  }
0x9d: {  	s8 =	simm.s32 $0x0;
	s20 =	sshll.u32 s6, $0x1;
	s6 =	sadd.s32 s21, s4  }
0x9e: {  	[timem:s8], [sflag:s22] =	dma.local [hbm:s6], s20  }
0x9f: {  	_ =	swait.ge [sflag:s22], s20  }
0xa0: {  	s5 =	ssub.s32 $0x0, s20;
	[sflag:s22] =	ssyncset.done $0x0  }
0xa1: {  	[sflag:s22] =	ssyncadd.s32 s5;
	_ =	sdelay $0x1  }
0xa2: {  	s23 =	simm.s32 $0x1B8B  }
0xa3: {  	_ =	swait.ge [sflag:s23], $0x1  }
0xa4: {  	[sflag:s23] =	ssyncset.done $0x0  }
0xa5: {  	s25 =	simm.s32 $0x1B8E;
	s24 =	sld [smem:$0x3FFE];
	[sflag:s23] =	ssyncadd.s32 $0xFFFFFFFF  }
0xa6: {  	s26 =	simm.s32 $execute0_lowered;
	[smem:$0x3FD2] =	sst s25  }
0xa7: {  	s6 =	sshll.u32 s26, $0x1;
	_ =	strace $0x80000046;
	[dreg:$0x1] =	wrdreg $0xFFFFFFFF  }
0xa8: {  	s28 =	simm.s32 $_size_execute0_lowered;
	s4 =	sadd.s32 s4, s6;
	[dreg:$0x0] =	wrdreg $0x0  }
0xa9: {  	s6 =	sshll.u32 s28, $0x1;
	[dreg:$0x2] =	wrdreg s4  }
0xaa: {  	[dreg:$0x3] =	wrdreg s6  }
0xab: {  	[dreg:$0x4] =	wrdreg $0xC0  }
0xac: {  	_ =	task [dreg:s8], $0x5FFFF  }
0xad: {  	[dreg:$0x1] =	wrdreg $0xFFFFFFFF  }
0xae: {  	[dreg:$0x0] =	wrdreg $0x60  }
0xaf: {  	[dreg:$0x2] =	wrdreg s2  }
0xb0: {  	[dreg:$0x3] =	wrdreg s24  }
0xb1: {  	[dreg:$0x4] =	wrdreg s18  }
0xb2: {  	[dreg:$0x5] =	wrdreg $0x9  }
0xb3: {  	_ =	task.clear_ibuf [dreg:s8], $0x6FFFF;
	_ =	strace $0x90000046  }
0xb4: {  	s29 =	simm.s32 $0x9;
	_ =	strace $0x8000004E  }
0xb5: {  	_ =	swait.ge [sflag:s29], $0x1  }
0xb6: {  	[sflag:s29] =	ssyncadd.s32 $0xFFFFFFFF  }
0xb7: {  	_ =	strace $0x9000004E  }
0xb8: {  	_ =	sfence  }
0xb9: {  	s30 =	sld [smem:$0x0];
	_ =	sdelay $0x2  }
0xba: {  	s31 =	sshll.u32 s1, $0xD;
	s1 =	sshrl.u32 s1, $0x2  }
0xbb: {  	s3 =	sand.u32 $0x4000, s31;
	s1 =	sadd.s32 s1, s30  }
0xbc: {  	s0 =	sor.u32 s3, s0;
	s1 =	sshll.u32 s1, $0x11  }
0xbd: {  	s0 =	sor.u32 s1, s0  }
0xbe: {  	s0 =	sadd.s32 $0x8F2B, s0  }
0xbf: {  	[sflag:s0] =	ssyncadd.remote.s32 $0x1  }
0xc0: {  	_ =	sfence.sel $0xFFFF  }
0xc1: {  	[dreg:$0x0] =	wrdreg $0xFFFFFFFF;
	(pc) =	sbr.abs _section_cstart, $3  }
0xc2: {  	[dreg:$0x1] =	wrdreg $0xFFFFFFFF  }
0xc3: {  	_ =	task.clear_ibuf [dreg:s8], $0x2FFFF;
	_ =	strace $0x9FFFFFFF  }
0xc4: {  	(tm) =	ssettm $0x7FFFFFFF  }
0xc5: {  	_ =	shalt  }
tec
execute0_lowered:
.L_overlay_start_1:
0x0: {  	(tag) =	ssettag $0x1  }
0x1: {  	s1 =	rddreg [dreg:$0x0]  }
0x2: {  	s6 =	stileid.u32;
	s0 =	rddreg [dreg:$0x1]  }
0x3: {  	s2 =	srdreg.scid;
	s3 =	rddreg [dreg:$0x2]  }
0x4: {  	s31 =	simm.s32 $0x0;
	s15 =	simm.s32 $0x2;
	s16 =	simm.s32 $0x17A0  }
0x5: {  	s17 =	simm.s32 $0x40;
	s18 =	simm.s32 $0x1AE0;
	s19 =	simm.s32 $0xABA0  }
0x6: {  	s20 =	simm.s32 $0x147F0;
	s21 =	simm.s32 $0x1FA0;
	s4 =	sshll.u32 s6, $0x1  }
0x7: {  	s22 =	simm.s32 $0x27A0;
	s2 =	sand.u32 $0x1, s2;
	s5 =	sand.u32 $0x2, s4  }
0x8: {  	s24 =	simm.s32 $0x80;
	s25 =	simm.s32 $0x0;
	s9 =	sor.u32 s2, s5  }
0x9: {  	[smem:$0x7FF] =	sst s31;
	s11 =	sshrl.u32 s6, $0x1;
	s7 =	smul.u32 $0x4E200, s9  }
0xa: {  	s6 =	sadd.s32 $0x1400, s0;
	s5 =	sshll.u32 s11, $0x4;
	s2 =	ssub.s32 $0x2, s2  }
0xb: {  	_ =	strace $0x80000047;
	s12 =	sshrl.u32 s2, $0x1;
	s8 =	sor.u32 s5, s7  }
0xc: {  	s13 =	smul.u32 $0x9C4, s9;
	s2 =	ssub.s32 s2, s12;
	s10 =	sshrl.u32 s8, $0x3  }
0xd: {  	v2 =	vimm.f32 $-Inf;
	v3 =	vimm.s32 $0x0;
	vm0 =	vmmov $0xff;
	s7 =	sadd.s32 $0xB200, s0;
	s8 =	sadd.s32 $0x1200, s0;
	s0 =	sadd.s32 s10, s0  }
0xe: {  	v4 =	vlaneseq.u32;
	v1 =	vmov s11;
	s12 =	simm.s32 $0x3;
	v0 =	vmov s13;
	s10 =	smax.u32 s2, $0x1;
	s9 =	sadd.s32 $0x15000, s0  }
.LBB2_1:
0xf: {  	s0 =	simm.s32 $0x0;
	s2 =	simm.s32 $0x1E440  }
0x10: {  	[tilespmem:s2], [sflag:$0x3] =	stream.linear.gather [hbm4b:s8+s0], $0x80, $0x38;
	[tilespmem:$0x1E4C0] =	vst v63  }
0x11: {  	_ =	swait.ge [sflag:s12], $0x80  }
0x12: {  	[sflag:s12] =	ssyncset.done $0x0  }
0x13: {  	[sflag:s12] =	ssyncadd.s32 $0xFFFFFF80  }
0x14: {  	v5 =	vld [tilespmem:s5+$0x1E440];
	_ =	sdelay $0x3  }
0x15: {  	s0 =	simm.s32 $0x0  }
.LBB2_2:
0x16: {  	p0 =	sne.s32 s0, $0x27100  }
.Ltmp0:
0x17: {  	_ = 	snop;
	(pc) =	sbr.rel @p0 .LBB2_2-.Ltmp0, $4  }
0x18: {  	_ = 	snop  }
0x19: {  	s2 =	sshra.s32 s0, $0x2  }
0x1a: {  	[tilespmem:s2+$0xABA0] =	vst v2  }
0x1b: {  	s0 =	sadd.s32 $0x40, s0;
	[tilespmem:s2+$0x147F0] =	vst v2  }
0x1c: {  	s0 =	simm.s32 $0x40;
	s2 =	simm.s32 $0x0  }
.LBB2_4:
0x1d: {  	p0 =	sne.s32 s0, $0xFC0;
	[tilespmem:s2+$0x17A0] =	vst v3;
	s2 =	smov.u32 s0;
	s0 =	sadd.s32 $0x40, s0  }
.Ltmp1:
0x1e: {  	(pc) =	sbr.rel @p0 .LBB2_4-.Ltmp1, $2  }
0x1f: {  	_ =	sdelay $0x2  }
0x20: {  	s2 =	sshra.s32 s2, $0x2  }
0x21: {  	[tilespmem:s2+$0x17A0] =	vst v3;
	s29 =	simm.s32 $0x0  }
0x22: {  	[tilespmem:s29], [sflag:$0x2] =	stream.linear.gather [hbm4b:s1+s29], $0x3E8, $0x38;
	[tilespmem:$0x1E4C0] =	vst v63  }
.Ltmp2:
0x23: {  	_ = 	snop;
	(pc) =	sbr.rel .LBB2_6-.Ltmp2, $4  }
0x24: {  	s0 =	simm.s32 $0x7E0;
	s31 =	simm.s32 $0xFC0  }
0x25: {  	[tilespmem:s0], [sflag:$0x2] =	stream.linear.gather [hbm4b:s6+s29], $0x3E8, $0x38;
	[tilespmem:$0x1E4C0] =	vst v63  }
0x26: {  	p2 =	por $0x0, $0x0;
	p3 =	por $0x1, $0x1;
	s26 =	simm.s32 $0x0  }
0x27: {  	[tilespmem:s31], [sflag:$0x2] =	stream.linear.gather [hbm4b:s7+s29], $0x3E8, $0x38;
	[tilespmem:$0x1E4C0] =	vst v63  }
.LBB2_13:
0x28: {  	s13 =	smov.u32 s28  }
.LBB2_17:
0x29: {  	v14 =	vand.u32 $0xFFFFFFFE, v14;
	v8 =	vmul.f32 @p0 v8, v5  }
0x2a: {  	v9 =	vmul.f32 @p0 v9, v5;
	v14 =	vbroadcast v14, $0x0  }
0x2b: {  	v8 =	vadd.f32 @p0 v11, v8  }
0x2c: {  	v58 =	vmov s11;
	v9 =	vadd.f32 @p0 v10, v9  }
0x2d: {  	v8 =	vmax.f32 @p0 v12, v8  }
0x2e: {  	[tilespmem:v6+s19+$0x0] =	vst.idx.msk @p0 $0xffff, v8;
	v6 =	vmax.f32 @p0 v13, v9  }
0x2f: {  	[tilespmem:v7+s20+$0x0] =	vst.idx.msk @p0 $0xffff, v6  }
0x30: {  	v6 =	vld.idx.msk [tilespmem:v14+s2+$0x0], $0xffff  }
0x31: {  	v7 =	vld.idx.msk [tilespmem:v58+s2+$0x0], $0xffff;
	_ =	sdelay $0x3  }
0x32: {  	v6 =	vshll.u32 v6, $0x4  }
0x33: {  	v7 =	vshll.u32 v7, $0x4;
	v6 =	vor.u32 v4, v6  }
0x34: {  	v8 =	vld.idx.msk [tilespmem:v14+s0+$0x0], $0xffff;
	s2 =	sadd.s32 @p0 $0x20, s13;
	v7 =	vor.u32 v4, v7  }
0x35: {  	v59 =	vld.idx.msk [tilespmem:v58+s0+$0x0], $0xffff;
	s28 =	smov.u32 @p0 s2  }
0x36: {  	v60 =	vld [tilespmem:s28+$0xFFFFFFF0]  }
0x37: {  	v61 =	vld [tilespmem:s28+$0x0]  }
0x38: {  	v62 =	vld.idx.msk [tilespmem:v6+s19+$0x0], $0xffff  }
0x39: {  	v8 =	vmul.f32 v8, v5;
	v63 =	vld.idx.msk [tilespmem:v7+s20+$0x0], $0xffff  }
0x3a: {  	v9 =	vmul.f32 v59, v5  }
0x3b: {  	v8 =	vadd.f32 v60, v8  }
0x3c: {  	v9 =	vadd.f32 v61, v9  }
0x3d: {  	v8 =	vmax.f32 v62, v8  }
0x3e: {  	[tilespmem:v6+s19+$0x0] =	vst.idx.msk $0xffff, v8;
	v6 =	vmax.f32 v63, v9  }
0x3f: {  	[tilespmem:v7+s20+$0x0] =	vst.idx.msk $0xffff, v6  }
.LBB2_18:
0x40: {  	_ =	strace $0x9000004B  }
0x41: {  	s0 =	simm.s32 @!p4 $0x1;
	_ =	strace $0x8000004C  }
0x42: {  	_ =	swait.ge @!p4 [sflag:s0], $0x400  }
0x43: {  	s14 =	sld [smem:$0x7EA];
	_ =	sdelay $0x2  }
0x44: {  	[sflag:s0] =	ssyncset.done @!p4 $0x0;
	p5 =	seq.s32 s14, $0x1  }
0x45: {  	[sflag:s0] =	ssyncadd.s32 @!p4 $0xFFFFFC00;
	s0 =	simm.s32 @p5 $0x1  }
0x46: {  	_ =	swait.ge @p5 [sflag:s0], $0x400  }
0x47: {  	s23 =	sld [smem:$0x7EB];
	_ =	sdelay $0x2  }
0x48: {  	[sflag:s0] =	ssyncset.done @p5 $0x0;
	p0 =	seq.s32 s23, $0x1  }
0x49: {  	[sflag:s0] =	ssyncadd.s32 @p5 $0xFFFFFC00;
	s0 =	simm.s32 @p0 $0x1  }
0x4a: {  	_ =	swait.ge @p0 [sflag:s0], $0x400  }
0x4b: {  	s28 =	sld [smem:$0x7E9];
	_ =	sdelay $0x1  }
0x4c: {  	[sflag:s0] =	ssyncset.done @p0 $0x0  }
0x4d: {  	[sflag:s0] =	ssyncadd.s32 @p0 $0xFFFFFC00;
	p0 =	seq.s32 s28, $0x1  }
0x4e: {  	s0 =	simm.s32 @p0 $0x1  }
0x4f: {  	_ =	swait.ge @p0 [sflag:s0], $0x400  }
0x50: {  	s30 =	sld [smem:$0x7EC];
	_ =	sdelay $0x1  }
0x51: {  	[sflag:s0] =	ssyncset.done @p0 $0x0  }
0x52: {  	[sflag:s0] =	ssyncadd.s32 @p0 $0xFFFFFC00;
	p0 =	seq.s32 s30, $0x1  }
0x53: {  	s0 =	simm.s32 @p0 $0x1  }
0x54: {  	_ =	swait.ge @p0 [sflag:s0], $0x400  }
0x55: {  	s31 =	sld [smem:$0x7E8];
	_ =	sdelay $0x1  }
0x56: {  	[sflag:s0] =	ssyncset.done @p0 $0x0  }
0x57: {  	[sflag:s0] =	ssyncadd.s32 @p0 $0xFFFFFC00;
	p0 =	seq.s32 s31, $0x1  }
0x58: {  	s0 =	simm.s32 @p0 $0x1  }
0x59: {  	_ =	swait.ge @p0 [sflag:s0], $0x400  }
0x5a: {  	s2 =	sld [smem:$0x7ED];
	_ =	sdelay $0x1  }
0x5b: {  	[sflag:s0] =	ssyncset.done @p0 $0x0  }
0x5c: {  	[sflag:s0] =	ssyncadd.s32 @p0 $0xFFFFFC00;
	p0 =	seq.s32 s2, $0x1  }
0x5d: {  	s0 =	simm.s32 @p0 $0x1  }
0x5e: {  	_ =	swait.ge @p0 [sflag:s0], $0x400  }
0x5f: {  	s4 =	sld [smem:$0x7E7];
	_ =	sdelay $0x1  }
0x60: {  	[sflag:s0] =	ssyncset.done @p0 $0x0  }
0x61: {  	[sflag:s0] =	ssyncadd.s32 @p0 $0xFFFFFC00;
	p0 =	seq.s32 s4, $0x1  }
0x62: {  	s0 =	simm.s32 @p0 $0x1  }
0x63: {  	_ =	swait.ge @p0 [sflag:s0], $0x400  }
0x64: {  	s11 =	sld [smem:$0x7EE];
	_ =	sdelay $0x1  }
0x65: {  	[sflag:s0] =	ssyncset.done @p0 $0x0  }
0x66: {  	[sflag:s0] =	ssyncadd.s32 @p0 $0xFFFFFC00;
	p0 =	seq.s32 s11, $0x1  }
0x67: {  	s0 =	simm.s32 @p0 $0x1  }
0x68: {  	_ =	swait.ge @p0 [sflag:s0], $0x400  }
0x69: {  	s13 =	sld [smem:$0x7E6];
	_ =	sdelay $0x1  }
0x6a: {  	[sflag:s0] =	ssyncset.done @p0 $0x0  }
0x6b: {  	[sflag:s0] =	ssyncadd.s32 @p0 $0xFFFFFC00;
	p0 =	seq.s32 s13, $0x1  }
0x6c: {  	s0 =	simm.s32 @p0 $0x1  }
0x6d: {  	_ =	swait.ge @p0 [sflag:s0], $0x400  }
0x6e: {  	[sflag:s0] =	ssyncset.done @p0 $0x0  }
0x6f: {  	[sflag:s0] =	ssyncadd.s32 @p0 $0xFFFFFC00;
	s0 =	simm.s32 @p6 $0x1  }
0x70: {  	_ =	swait.ge @p6 [sflag:s0], $0x400  }
0x71: {  	s14 =	sld [smem:$0x7E5];
	_ =	sdelay $0x2  }
0x72: {  	[sflag:s0] =	ssyncset.done @p6 $0x0;
	p0 =	seq.s32 s14, $0x1  }
0x73: {  	[sflag:s0] =	ssyncadd.s32 @p6 $0xFFFFFC00;
	s0 =	simm.s32 @p0 $0x1  }
0x74: {  	_ =	swait.ge @p0 [sflag:s0], $0x400  }
0x75: {  	s23 =	sld [smem:$0x7F0];
	_ =	sdelay $0x1  }
0x76: {  	[sflag:s0] =	ssyncset.done @p0 $0x0  }
0x77: {  	[sflag:s0] =	ssyncadd.s32 @p0 $0xFFFFFC00;
	p0 =	seq.s32 s23, $0x1  }
0x78: {  	s0 =	simm.s32 @p0 $0x1  }
0x79: {  	_ =	swait.ge @p0 [sflag:s0], $0x400  }
0x7a: {  	s28 =	sld [smem:$0x7F2];
	_ =	sdelay $0x1  }
0x7b: {  	[sflag:s0] =	ssyncset.done @p0 $0x0  }
0x7c: {  	[sflag:s0] =	ssyncadd.s32 @p0 $0xFFFFFC00;
	p0 =	seq.s32 s28, $0x1  }
0x7d: {  	s0 =	simm.s32 @p0 $0x1  }
0x7e: {  	_ =	swait.ge @p0 [sflag:s0], $0x400  }
0x7f: {  	s30 =	sld [smem:$0x7F3];
	_ =	sdelay $0x1  }
0x80: {  	[sflag:s0] =	ssyncset.done @p0 $0x0  }
0x81: {  	[sflag:s0] =	ssyncadd.s32 @p0 $0xFFFFFC00;
	p0 =	seq.s32 s30, $0x1  }
0x82: {  	s0 =	simm.s32 @p0 $0x1  }
0x83: {  	_ =	swait.ge @p0 [sflag:s0], $0x400  }
0x84: {  	s31 =	sld [smem:$0x7F1];
	_ =	sdelay $0x1  }
0x85: {  	[sflag:s0] =	ssyncset.done @p0 $0x0  }
0x86: {  	[sflag:s0] =	ssyncadd.s32 @p0 $0xFFFFFC00;
	p0 =	seq.s32 s31, $0x1  }
0x87: {  	s0 =	simm.s32 @p0 $0x1  }
0x88: {  	_ =	swait.ge @p0 [sflag:s0], $0x400  }
0x89: {  	[sflag:s0] =	ssyncset.done @p0 $0x0  }
0x8a: {  	[sflag:s0] =	ssyncadd.s32 @p0 $0xFFFFFC00;
	p0 =	sne.s32 s26, $0x140  }
.Ltmp3:
0x8b: {  	_ = 	snop;
	(pc) =	sbr.rel @!p0 .LBB2_19-.Ltmp3, $2  }
0x8c: {  	_ =	sdelay $0x2  }
0x8d: {  	p2 =	por !p2, !p2;
	p3 =	por !p3, !p3;
	_ =	strace $0x9000004C  }
.LBB2_6:
0x8e: {  	_ =	strace $0x80000048  }
0x8f: {  	s0 =	simm.s32 $0x1;
	s2 =	simm.s32 $0x1;
	s4 =	simm.s32 @!p2 $0x0  }
0x90: {  	s11 =	smov.u32 s26;
	_ =	swait.ge [sflag:s15], $0x3E8;
	s4 =	simm.s32 @p2 $0x1  }
0x91: {  	s26 =	sadd.s32 $0x1, s26;
	[smem:$0x7FC] =	sst s4;
	s4 =	simm.s32 @!p3 $0x0  }
0x92: {  	s0 =	simm.s32 @!p2 $0x0;
	[sflag:s15] =	ssyncset.done $0x0;
	s4 =	simm.s32 @p3 $0x1  }
0x93: {  	s2 =	simm.s32 @!p3 $0x0;
	[sflag:s15] =	ssyncadd.s32 $0xFFFFFC18;
	[smem:$0x7FD] =	sst s4  }
0x94: {  	p0 =	seq.s32 s11, $0x13F;
	s0 =	smul.u32 $0xFC0, s0;
	_ =	swait.ge [sflag:s15], $0x3E8  }
0x95: {  	s2 =	sshll.u32 s2, $0xE;
	s14 =	smul.u32 @!p0 $0x7D, s26;
	[sflag:s15] =	ssyncset.done $0x0  }
0x96: {  	s28 =	sor.u32 $0x2BB0, s2;
	s2 =	sand.u32 @!p0 $0x1, s26;
	[sflag:s15] =	ssyncadd.s32 $0xFFFFFC18  }
0x97: {  	s30 =	simm.s32 @!p0 $0x3F0;
	p1 =	seq.s32 @!p0 s2, $0x1;
	_ =	swait.ge [sflag:s15], $0x3E8  }
0x98: {  	s31 =	simm.s32 @!p0 $0x0;
	p1 =	por !p1, p0;
	[sflag:s15] =	ssyncset.done $0x0  }
0x99: {  	s2 =	sadd.s32 @!p0 s1, s14;
	s30 =	simm.s32 @p1 $0x0;
	[sflag:s15] =	ssyncadd.s32 $0xFFFFFC18  }
0x9a: {  	[tilespmem:s30], [sflag:$0x2] =	stream.linear.gather @!p0 [hbm4b:s2+s31], $0x3E8, $0x200038;
	[tilespmem:$0x1E4C0] =	vst v63  }
0x9b: {  	s0 =	sshrl.u32 s0, $0x2;
	s23 =	sadd.s32 @!p0 s6, s14;
	s2 =	sadd.s32 @!p0 $0x7E0, s30  }
0x9c: {  	[tilespmem:s2], [sflag:$0x2] =	stream.linear.gather @!p0 [hbm4b:s23+s31], $0x3E8, $0x200038;
	[tilespmem:$0x1E4C0] =	vst v63  }
0x9d: {  	s14 =	sadd.s32 @!p0 s7, s14;
	s2 =	sand.u32 $0x1, s11;
	s11 =	sadd.s32 @!p0 $0xFC0, s30  }
0x9e: {  	[tilespmem:s11], [sflag:$0x2] =	stream.linear.gather @!p0 [hbm4b:s14+s31], $0x3E8, $0x200038;
	[tilespmem:$0x1E4C0] =	vst v63  }
0x9f: {  	s14 =	sadd.s32 $0x40, s0  }
0xa0: {  	s13 =	sadd.s32 $0xFE0, s0;
	s4 =	sadd.s32 $0x820, s0;
	v6 =	vmov s14  }
0xa1: {  	v8 =	vmov s13;
	s13 =	simm.s32 $0x0;
	s30 =	sxor.u32 $0x1, s2;
	s23 =	sshll.u32 s2, $0xA  }
0xa2: {  	s11 =	smul.u32 $0x3F0, s2;
	s31 =	smov.u32 s29;
	_ =	strace $0x90000048  }
0xa3: {  	v9 =	vimm.s32 $0x0;
	v7 =	vmov s4;
	s0 =	sor.u32 $0x1BA0, s23;
	s29 =	sor.u32 $0x23A0, s23;
	_ =	strace $0x80000049  }
.LBB2_7:
0xa4: {  	s14 =	sshra.s32 s13, $0x2  }
0xa5: {  	v10 =	vld.idx.msk [tilespmem:v6+s14+$0xFFFFFFC0 ss:$0x1], $0xffff;
	_ =	sdelay $0x4  }
0xa6: {  	v10 =	vsub.s32 v10, v0  }
0xa7: {  	vm1 =	vlt.u32 v10, $0x9C4  }
0xa8: {  	v11 =	vsel vm1, $0x1, v3  }
0xa9: {  	(xrf0) =	vadd.scan.msk.s32 $0xffff, v11;
	_ =	sdelay $0x5  }
0xaa: {  	v11, _, _ =	vpop (xrf0)  }
0xab: {  	v12 =	vld.idx.msk [tilespmem:v7+s14+$0xFFFFFFC0 ss:$0x1], $0xffff;
	v11 =	vadd.s32 v11, v9  }
0xac: {  	v11 =	vadd.s32 $0xFFFFFFFF, v11;
	_ =	sdelay $0x3  }
0xad: {  	v12 =	vadd.s32 v1, v12  }
0xae: {  	[tilespmem:v11+s16+$0x0] =	vst.idx.msk vm1, v12  }
0xaf: {  	[tilespmem:v11+s0+$0x0] =	vst.idx.msk vm1, v10  }
0xb0: {  	v10 =	vld.idx.msk [tilespmem:v8+s14+$0xFFFFFFE0 ss:$0x1], $0xffff;
	_ =	sdelay $0x4  }
0xb1: {  	[tilespmem:v11+s29+$0x0] =	vst.idx.msk vm1, v10  }
0xb2: {  	v10 =	vld.idx.msk [tilespmem:v6+s14+$0xFFFFFFD0 ss:$0x1], $0xffff;
	_ =	sdelay $0x4  }
0xb3: {  	v10 =	vsub.s32 v10, v0  }
0xb4: {  	vm2 =	vlt.u32 v10, $0x9C4  }
0xb5: {  	v11 =	vsel vm2, $0x1, v3  }
0xb6: {  	(xrf0) =	vadd.scan.msk.s32 $0xffff, v11;
	_ =	sdelay $0x1  }
0xb7: {  	v11 =	vmpcnt.ones.xlane vm1;
	_ =	sdelay $0x3  }
0xb8: {  	v9 =	vadd.s32 v9, v11;
	v11, _, _ =	vpop (xrf0)  }
0xb9: {  	v12 =	vld.idx.msk [tilespmem:v7+s14+$0xFFFFFFD0 ss:$0x1], $0xffff;
	v11 =	vadd.s32 v11, v9  }
0xba: {  	v11 =	vadd.s32 $0xFFFFFFFF, v11;
	_ =	sdelay $0x3  }
0xbb: {  	v12 =	vadd.s32 v1, v12  }
0xbc: {  	[tilespmem:v11+s16+$0x0] =	vst.idx.msk vm2, v12  }
0xbd: {  	[tilespmem:v11+s0+$0x0] =	vst.idx.msk vm2, v10  }
0xbe: {  	v10 =	vld.idx.msk [tilespmem:v8+s14+$0xFFFFFFF0 ss:$0x1], $0xffff;
	_ =	sdelay $0x4  }
0xbf: {  	[tilespmem:v11+s29+$0x0] =	vst.idx.msk vm2, v10  }
0xc0: {  	v10 =	vld.idx.msk [tilespmem:v6+s14+$0xFFFFFFE0 ss:$0x1], $0xffff;
	_ =	sdelay $0x4  }
0xc1: {  	v10 =	vsub.s32 v10, v0  }
0xc2: {  	vm1 =	vlt.u32 v10, $0x9C4  }
0xc3: {  	v11 =	vsel vm1, $0x1, v3  }
0xc4: {  	(xrf0) =	vadd.scan.msk.s32 $0xffff, v11;
	_ =	sdelay $0x1  }
0xc5: {  	v11 =	vmpcnt.ones.xlane vm2;
	_ =	sdelay $0x3  }
0xc6: {  	v9 =	vadd.s32 v9, v11;
	v11, _, _ =	vpop (xrf0)  }
0xc7: {  	v12 =	vld.idx.msk [tilespmem:v7+s14+$0xFFFFFFE0 ss:$0x1], $0xffff;
	v11 =	vadd.s32 v11, v9  }
0xc8: {  	v11 =	vadd.s32 $0xFFFFFFFF, v11;
	_ =	sdelay $0x3  }
0xc9: {  	v12 =	vadd.s32 v1, v12  }
0xca: {  	[tilespmem:v11+s16+$0x0] =	vst.idx.msk vm1, v12  }
0xcb: {  	[tilespmem:v11+s0+$0x0] =	vst.idx.msk vm1, v10  }
0xcc: {  	v10 =	vld.idx.msk [tilespmem:v8+s14+$0x0 ss:$0x1], $0xffff;
	_ =	sdelay $0x4  }
0xcd: {  	[tilespmem:v11+s29+$0x0] =	vst.idx.msk vm1, v10  }
0xce: {  	v10 =	vld.idx.msk [tilespmem:v6+s14+$0xFFFFFFF0 ss:$0x1], $0xffff;
	_ =	sdelay $0x4  }
0xcf: {  	v10 =	vsub.s32 v10, v0  }
0xd0: {  	vm2 =	vlt.u32 v10, $0x9C4  }
0xd1: {  	v11 =	vsel vm2, $0x1, v3  }
0xd2: {  	(xrf0) =	vadd.scan.msk.s32 $0xffff, v11;
	_ =	sdelay $0x1  }
0xd3: {  	v11 =	vmpcnt.ones.xlane vm1;
	_ =	sdelay $0x3  }
0xd4: {  	v9 =	vadd.s32 v9, v11;
	v11, _, _ =	vpop (xrf0)  }
0xd5: {  	v12 =	vld.idx.msk [tilespmem:v7+s14+$0xFFFFFFF0 ss:$0x1], $0xffff;
	v11 =	vadd.s32 v11, v9  }
0xd6: {  	v11 =	vadd.s32 $0xFFFFFFFF, v11;
	_ =	sdelay $0x3  }
0xd7: {  	v12 =	vadd.s32 v1, v12  }
0xd8: {  	[tilespmem:v11+s16+$0x0] =	vst.idx.msk vm2, v12  }
0xd9: {  	[tilespmem:v11+s0+$0x0] =	vst.idx.msk vm2, v10  }
0xda: {  	v10 =	vld.idx.msk [tilespmem:v8+s14+$0x10 ss:$0x1], $0xffff;
	_ =	sdelay $0x4  }
0xdb: {  	[tilespmem:v11+s29+$0x0] =	vst.idx.msk vm2, v10  }
0xdc: {  	v10 =	vld.idx.msk [tilespmem:v6+s14+$0x0 ss:$0x1], $0xffff;
	_ =	sdelay $0x4  }
0xdd: {  	v10 =	vsub.s32 v10, v0  }
0xde: {  	vm1 =	vlt.u32 v10, $0x9C4  }
0xdf: {  	v11 =	vsel vm1, $0x1, v3  }
0xe0: {  	(xrf0) =	vadd.scan.msk.s32 $0xffff, v11;
	_ =	sdelay $0x1  }
0xe1: {  	v11 =	vmpcnt.ones.xlane vm2;
	_ =	sdelay $0x3  }
0xe2: {  	v9 =	vadd.s32 v9, v11;
	v11, _, _ =	vpop (xrf0)  }
0xe3: {  	v12 =	vld.idx.msk [tilespmem:v7+s14+$0x0 ss:$0x1], $0xffff;
	v11 =	vadd.s32 v11, v9  }
0xe4: {  	v11 =	vadd.s32 $0xFFFFFFFF, v11;
	_ =	sdelay $0x3  }
0xe5: {  	v12 =	vadd.s32 v1, v12  }
0xe6: {  	[tilespmem:v11+s16+$0x0] =	vst.idx.msk vm1, v12  }
0xe7: {  	[tilespmem:v11+s0+$0x0] =	vst.idx.msk vm1, v10  }
0xe8: {  	p0 =	sne.s32 s13, $0xDC0;
	v10 =	vld.idx.msk [tilespmem:v8+s14+$0x20 ss:$0x1], $0xffff  }
.Ltmp4:
0xe9: {  	_ = 	snop;
	(pc) =	sbr.rel @p0 .LBB2_7-.Ltmp4, $3  }
0xea: {  	_ = 	snop  }
0xeb: {  	v63 =	vmpcnt.ones.xlane vm1;
	_ =	sdelay $0x1  }
0xec: {  	s13 =	sadd.s32 $0x140, s13;
	v9 =	vadd.s32 v9, v63;
	[tilespmem:v11+s29+$0x0] =	vst.idx.msk vm1, v10  }
0xed: {  	v6 =	vld [tilespmem:s11+$0x3C0];
	_ =	sdelay $0x4  }
0xee: {  	v6 =	vsub.s32 v6, v0  }
0xef: {  	vm1 =	vlt.u32 v6, $0x9C4  }
0xf0: {  	v7 =	vsel vm1, $0x1, v3  }
0xf1: {  	(xrf0) =	vadd.scan.msk.s32 $0xffff, v7;
	_ =	sdelay $0x5  }
0xf2: {  	v7, _, _ =	vpop (xrf0)  }
0xf3: {  	v8 =	vld [tilespmem:s11+$0xBA0];
	v7 =	vadd.s32 v7, v9  }
0xf4: {  	v7 =	vadd.s32 $0xFFFFFFFF, v7;
	_ =	sdelay $0x3  }
0xf5: {  	v8 =	vadd.s32 v1, v8  }
0xf6: {  	[tilespmem:v7+s16+$0x0] =	vst.idx.msk vm1, v8  }
0xf7: {  	[tilespmem:v7+s0+$0x0] =	vst.idx.msk vm1, v6  }
0xf8: {  	v6 =	vld [tilespmem:s11+$0x1380];
	_ =	sdelay $0x4  }
0xf9: {  	[tilespmem:v7+s29+$0x0] =	vst.idx.msk vm1, v6  }
0xfa: {  	v6 =	vld [tilespmem:s11+$0x3D0];
	_ =	sdelay $0x4  }
0xfb: {  	v6 =	vsub.s32 v6, v0  }
0xfc: {  	vm2 =	vlt.u32 v6, $0x9C4  }
0xfd: {  	v7 =	vsel vm2, $0x1, v3  }
0xfe: {  	(xrf0) =	vadd.scan.msk.s32 $0xffff, v7;
	_ =	sdelay $0x3  }
0xff: {  	v7 =	vmpcnt.ones.xlane vm1;
	_ =	sdelay $0x1  }
0x100: {  	v7 =	vadd.s32 v9, v7;
	v55, _, _ =	vpop (xrf0)  }
0x101: {  	v56 =	vld [tilespmem:s11+$0xBB0];
	v8 =	vadd.s32 v55, v7  }
0x102: {  	v8 =	vadd.s32 $0xFFFFFFFF, v8;
	_ =	sdelay $0x3  }
0x103: {  	v9 =	vadd.s32 v1, v56  }
0x104: {  	[tilespmem:v8+s16+$0x0] =	vst.idx.msk vm2, v9  }
0x105: {  	[tilespmem:v8+s0+$0x0] =	vst.idx.msk vm2, v6  }
0x106: {  	v6 =	vld [tilespmem:s11+$0x1390];
	_ =	sdelay $0x4  }
0x107: {  	[tilespmem:v8+s29+$0x0] =	vst.idx.msk vm2, v6  }
0x108: {  	v6 =	vld [tilespmem:s11+$0x3E0];
	_ =	sdelay $0x4  }
0x109: {  	v6 =	vsub.s32 v6, v0  }
0x10a: {  	vm1 =	vlt.u32 v6, $0x9C4  }
0x10b: {  	v57 =	vmpcnt.ones.xlane vm2;
	vm1 =	vmand vm1, vm0  }
0x10c: {  	v58 =	vmpcnt.ones.xlane vm1  }
0x10d: {  	v7 =	vadd.s32 v7, v57  }
0x10e: {  	v59 =	vsel vm1, $0x1, v3;
	v9 =	vadd.s32 v7, v58  }
0x10f: {  	(xrf0) =	vadd.scan.msk.s32 $0xffff, v59;
	v60 =	vxor.u32 $0x80000000, v9  }
0x110: {  	(xrf0) =	vmax.scan.msk.u32 $0xffff, v60;
	_ =	sdelay $0x4  }
0x111: {  	v61, _, _ =	vpop (xrf0)  }
0x112: {  	v62, _, _ =	vpop (xrf0)  }
0x113: {  	(v2sf) =	vpush v62, $0xF;
	_ =	sdelay $0x9  }
0x114: {  	v63 =	vld [tilespmem:s11+$0xBC0];
	v7 =	vadd.s32 v61, v7  }
0x115: {  	v7 =	vadd.s32 $0xFFFFFFFF, v7;
	_ =	sdelay $0x3  }
0x116: {  	v8 =	vadd.s32 v1, v63;
	s4 =	spop (v2sf)  }
0x117: {  	[tilespmem:v7+s16+$0x0] =	vst.idx.msk vm1, v8;
	s13 =	sand.u32 $0x1, s4  }
0x118: {  	[tilespmem:v7+s0+$0x0] =	vst.idx.msk vm1, v6;
	p0 =	seq.s32 s13, $0x0  }
0x119: {  	v6 =	vld [tilespmem:s11+$0x13A0];
	s4 =	sxor.u32 $0x80000000, s4;
	v8 =	vlaneseq.u32 @!p0  }
0x11a: {  	v8 =	vadd.s32 @!p0 s4, v8;
	_ =	sdelay $0x3  }
0x11b: {  	[tilespmem:v7+s29+$0x0] =	vst.idx.msk vm1, v6;
	v6 =	vimm.s32 @!p0 $0x9C4  }
0x11c: {  	[tilespmem:v8+s0+$0x0] =	vst.idx.msk @!p0 $0x1, v6;
	v6 =	vimm.f32 @!p0 $0.0e+00  }
0x11d: {  	s0 =	simm.s32 @!p0 $0x17A0;
	[tilespmem:v8+s29+$0x0] =	vst.idx.msk @!p0 $0x1, v6;
	v6 =	vimm.s32 @!p0 $0x0;
	s29 =	sadd.s32 s13, s4  }
0x11e: {  	[tilespmem:v8+s0+$0x0] =	vst.idx.msk @!p0 $0x1, v6;
	p1 =	slt.s32 s29, $0x1  }
0x11f: {  	_ =	strace $0x90000049;
	s0 =	sshll.u32 @!p1 s2, $0xE;
	s4 =	simm.s32 @!p1 $0x40  }
0x120: {  	s11 =	simm.s32 @!p1 $0x17A0;
	_ =	strace $0x8000004A;
	s2 =	sor.u32 @!p1 $0x2BA0, s0  }
0x121: {  	[tilespmem:s2], [sflag:$0x1] =	stream.indirect.gather @!p1 [hbm4b:s3+s4], $0x10, s11, s4, $0x2000b8;
	[tilespmem:$0x1E4C0] =	vst v63  }
0x122: {  	s2 =	simm.s32 @!p1 $0x0  }
0x123: {  	p0 =	slt.u32 @!p1 s29, $0x41;
	s2 =	simm.s32 @p1 $0x1  }
0x124: {  	p1 =	por p1, p0;
	[smem:$0x7F4] =	sst s2  }
0x125: {  	s2 =	sadd.s32 @!p1 $0x2FA0, s0;
	s4 =	simm.s32 @!p1 $0x40;
	s11 =	simm.s32 @!p1 $0x17E0  }
0x126: {  	[tilespmem:s2], [sflag:$0x1] =	stream.indirect.gather @!p1 [hbm4b:s3+s4], $0x10, s11, s4, $0x2000b8;
	[tilespmem:$0x1E4C0] =	vst v63  }
0x127: {  	s2 =	simm.s32 @!p1 $0x0  }
0x128: {  	p0 =	slt.u32 @!p1 s29, $0x81;
	s2 =	simm.s32 @p1 $0x1  }
0x129: {  	p1 =	por p1, p0;
	[smem:$0x7F5] =	sst s2  }
0x12a: {  	s2 =	sadd.s32 @!p1 $0x33A0, s0;
	s4 =	simm.s32 @!p1 $0x40;
	s11 =	simm.s32 @!p1 $0x1820  }
0x12b: {  	[tilespmem:s2], [sflag:$0x1] =	stream.indirect.gather @!p1 [hbm4b:s3+s4], $0x10, s11, s4, $0x2000b8;
	[tilespmem:$0x1E4C0] =	vst v63  }
0x12c: {  	s2 =	simm.s32 @!p1 $0x0  }
0x12d: {  	p0 =	slt.u32 @!p1 s29, $0xC1;
	s2 =	simm.s32 @p1 $0x1  }
0x12e: {  	p1 =	por p1, p0;
	[smem:$0x7F6] =	sst s2  }
0x12f: {  	s2 =	sadd.s32 @!p1 $0x37A0, s0;
	s4 =	simm.s32 @!p1 $0x40;
	s11 =	simm.s32 @!p1 $0x1860  }
0x130: {  	[tilespmem:s2], [sflag:$0x1] =	stream.indirect.gather @!p1 [hbm4b:s3+s4], $0x10, s11, s4, $0x2000b8;
	[tilespmem:$0x1E4C0] =	vst v63  }
0x131: {  	p0 =	slt.u32 @!p1 s29, $0x101;
	s2 =	simm.s32 @!p1 $0x0  }
0x132: {  	p0 =	por p1, p0;
	s2 =	simm.s32 @p1 $0x1  }
0x133: {  	s4 =	simm.s32 @!p0 $0x40;
	s11 =	simm.s32 @!p0 $0x18A0;
	p1 =	slt.u32 @!p0 s29, $0x141  }
0x134: {  	[smem:$0x7F7] =	sst s2;
	s2 =	sadd.s32 @!p0 $0x3BA0, s0;
	p1 =	por p0, p1  }
0x135: {  	[tilespmem:s2], [sflag:$0x1] =	stream.indirect.gather @!p0 [hbm4b:s3+s4], $0x10, s11, s4, $0x2000b8;
	[tilespmem:$0x1E4C0] =	vst v63  }
0x136: {  	s2 =	simm.s32 @!p0 $0x0;
	s4 =	simm.s32 @!p1 $0x40  }
0x137: {  	s11 =	simm.s32 @!p1 $0x18E0;
	p2 =	slt.u32 @!p1 s29, $0x181;
	s2 =	simm.s32 @p0 $0x1  }
0x138: {  	p0 =	por p1, p2;
	[smem:$0x7F8] =	sst s2;
	s2 =	sadd.s32 @!p1 $0x3FA0, s0  }
0x139: {  	[tilespmem:s2], [sflag:$0x1] =	stream.indirect.gather @!p1 [hbm4b:s3+s4], $0x10, s11, s4, $0x2000b8;
	[tilespmem:$0x1E4C0] =	vst v63  }
0x13a: {  	s2 =	sadd.s32 @!p0 $0x43A0, s0;
	s4 =	simm.s32 @!p0 $0x40;
	s11 =	simm.s32 @!p0 $0x1920  }
0x13b: {  	[tilespmem:s2], [sflag:$0x1] =	stream.indirect.gather @!p0 [hbm4b:s3+s4], $0x10, s11, s4, $0x2000b8;
	[tilespmem:$0x1E4C0] =	vst v63  }
0x13c: {  	p2 =	slt.u32 @!p0 s29, $0x1C1;
	s2 =	simm.s32 @!p0 $0x0  }
0x13d: {  	s2 =	simm.s32 @p0 $0x1;
	p0 =	por p0, p2  }
0x13e: {  	[smem:$0x7F9] =	sst s2;
	s2 =	sadd.s32 @!p0 $0x47A0, s0  }
0x13f: {  	s4 =	simm.s32 @!p0 $0x40;
	s11 =	simm.s32 @!p0 $0x1960;
	p2 =	slt.u32 @!p0 s29, $0x201  }
0x140: {  	[tilespmem:s2], [sflag:$0x1] =	stream.indirect.gather @!p0 [hbm4b:s3+s4], $0x10, s11, s4, $0x2000b8;
	[tilespmem:$0x1E4C0] =	vst v63  }
0x141: {  	p3 =	por p0, p2  }
0x142: {  	s2 =	sadd.s32 @!p3 $0x4BA0, s0;
	s4 =	simm.s32 @!p3 $0x40;
	s11 =	simm.s32 @!p3 $0x19A0  }
0x143: {  	[tilespmem:s2], [sflag:$0x1] =	stream.indirect.gather @!p3 [hbm4b:s3+s4], $0x10, s11, s4, $0x2000b8;
	[tilespmem:$0x1E4C0] =	vst v63  }
0x144: {  	p2 =	slt.u32 @!p3 s29, $0x241;
	s2 =	simm.s32 @!p3 $0x0  }
0x145: {  	s2 =	simm.s32 @p3 $0x1;
	p3 =	por p3, p2  }
0x146: {  	[smem:$0x7FA] =	sst s2;
	s2 =	sadd.s32 @!p3 $0x4FA0, s0  }
0x147: {  	s4 =	simm.s32 @!p3 $0x40;
	s11 =	simm.s32 @!p3 $0x19E0;
	p2 =	slt.u32 @!p3 s29, $0x281  }
0x148: {  	[tilespmem:s2], [sflag:$0x1] =	stream.indirect.gather @!p3 [hbm4b:s3+s4], $0x10, s11, s4, $0x2000b8;
	[tilespmem:$0x1E4C0] =	vst v63  }
0x149: {  	p5 =	por p3, p2  }
0x14a: {  	s2 =	sadd.s32 @!p5 $0x53A0, s0  }
0x14b: {  	s4 =	simm.s32 @!p5 $0x40;
	s11 =	simm.s32 @!p5 $0x1A20;
	p2 =	slt.u32 @!p5 s29, $0x2C1  }
0x14c: {  	[tilespmem:s2], [sflag:$0x1] =	stream.indirect.gather @!p5 [hbm4b:s3+s4], $0x10, s11, s4, $0x2000b8;
	[tilespmem:$0x1E4C0] =	vst v63  }
0x14d: {  	p6 =	por p5, p2  }
0x14e: {  	s2 =	simm.s32 @!p5 $0x0;
	p2 =	slt.u32 @!p6 s29, $0x301  }
0x14f: {  	s2 =	simm.s32 @p5 $0x1;
	p5 =	por p6, p2  }
0x150: {  	p2 =	slt.u32 @!p5 s29, $0x341  }
0x151: {  	p2 =	por p5, p2  }
.Ltmp5:
0x152: {  	s4 =	simm.s32 @!p6 $0x40;
	(pc) =	sbr.rel @p2 .LBB2_9-.Ltmp5, $4  }
0x153: {  	s11 =	simm.s32 @!p6 $0x1A60;
	[smem:$0x7FB] =	sst s2;
	s2 =	sadd.s32 @!p6 $0x57A0, s0  }
0x154: {  	[tilespmem:s2], [sflag:$0x1] =	stream.indirect.gather @!p6 [hbm4b:s3+s4], $0x10, s11, s4, $0x2000b8;
	[tilespmem:$0x1E4C0] =	vst v63  }
0x155: {  	s2 =	sadd.s32 @!p5 $0x5BA0, s0;
	s4 =	simm.s32 @!p5 $0x40;
	s11 =	simm.s32 @!p5 $0x1AA0  }
0x156: {  	[tilespmem:s2], [sflag:$0x1] =	stream.indirect.gather @!p5 [hbm4b:s3+s4], $0x10, s11, s4, $0x2000b8;
	[tilespmem:$0x1E4C0] =	vst v63  }
0x157: {  	s2 =	sadd.s32 $0x5FA0, s0;
	p0 =	slt.u32 s29, $0x381  }
0x158: {  	[tilespmem:s2], [sflag:$0x1] =	stream.indirect.gather [hbm4b:s3+s17], $0x10, s18, s17, $0x2000b8;
	[tilespmem:$0x1E4C0] =	vst v63  }
0x159: {  	s2 =	sadd.s32 @!p0 $0x63A0, s0;
	p2 =	slt.u32 @!p0 s29, $0x3C1  }
0x15a: {  	s4 =	simm.s32 @!p0 $0x40;
	s11 =	simm.s32 @!p0 $0x1B20;
	p1 =	por p2, p0  }
0x15b: {  	[tilespmem:s2], [sflag:$0x1] =	stream.indirect.gather @!p0 [hbm4b:s3+s4], $0x10, s11, s4, $0x2000b8;
	[tilespmem:$0x1E4C0] =	vst v63  }
0x15c: {  	s0 =	sadd.s32 @!p1 $0x67A0, s0;
	s2 =	simm.s32 @!p1 $0x40;
	s4 =	simm.s32 @!p1 $0x1B60  }
0x15d: {  	[tilespmem:s0], [sflag:$0x1] =	stream.indirect.gather @!p1 [hbm4b:s3+s2], $0x10, s4, s2, $0x2000b8;
	[tilespmem:$0x1E4C0] =	vst v63  }
0x15e: {  	p3 =	por @!p0 $0x1, $0x1;
	p1 =	por @!p1 $0x1, $0x1  }
0x15f: {  	p4 =	por @!p0 $0x0, $0x0;
	p2 =	por !p2, p0;
	p5 =	por p1, p1  }
0x160: {  	p1 =	por @!p2 p3, p3;
	p5 =	por @!p2 p4, p4;
	p2 =	por $0x0, $0x0  }
0x161: {  	p2 =	por @!p0 p5, p5  }
0x162: {  	p3 =	por $0x1, $0x1;
	s0 =	simm.s32 @!p2 $0x0  }
0x163: {  	p3 =	por @!p0 p1, p1;
	s0 =	simm.s32 @p2 $0x1  }
0x164: {  	p2 =	por $0x1, $0x1;
	[smem:$0x7F1] =	sst s0;
	s0 =	simm.s32 @!p3 $0x0  }
0x165: {  	p2 =	por @!p0 p1, p1;
	s0 =	simm.s32 @p3 $0x1  }
0x166: {  	[smem:$0x7F2] =	sst s0;
	s0 =	simm.s32 @!p2 $0x0  }
0x167: {  	s0 =	simm.s32 @p2 $0x1;
	p2 =	por $0x1, $0x1  }
0x168: {  	p2 =	por @!p0 p1, p1  }
0x169: {  	p3 =	por $0x1, $0x1;
	[smem:$0x7E5] =	sst s0;
	s0 =	simm.s32 @!p2 $0x0  }
0x16a: {  	p3 =	por @!p0 p1, p1;
	s0 =	simm.s32 @p2 $0x1  }
0x16b: {  	p2 =	por $0x1, $0x1;
	[smem:$0x7E6] =	sst s0;
	s0 =	simm.s32 @!p3 $0x0  }
0x16c: {  	p2 =	por @!p0 p1, p1;
	s0 =	simm.s32 @p3 $0x1  }
0x16d: {  	[smem:$0x7E7] =	sst s0;
	s0 =	simm.s32 @!p2 $0x0  }
0x16e: {  	s0 =	simm.s32 @p2 $0x1;
	p2 =	por $0x1, $0x1  }
0x16f: {  	p2 =	por @!p0 p1, p1  }
0x170: {  	p3 =	por $0x1, $0x1;
	[smem:$0x7E8] =	sst s0;
	s0 =	simm.s32 @!p2 $0x0  }
0x171: {  	p3 =	por @!p0 p1, p1;
	s0 =	simm.s32 @p2 $0x1  }
0x172: {  	p2 =	por $0x1, $0x1;
	[smem:$0x7E9] =	sst s0;
	s0 =	simm.s32 @!p3 $0x0  }
0x173: {  	p2 =	por @!p0 p1, p1;
	s0 =	simm.s32 @p3 $0x1  }
0x174: {  	[smem:$0x7EA] =	sst s0;
	s0 =	simm.s32 @!p2 $0x0  }
0x175: {  	s0 =	simm.s32 @p2 $0x1;
	p2 =	por $0x1, $0x1  }
0x176: {  	p2 =	por @!p0 p1, p1  }
0x177: {  	[smem:$0x7EB] =	sst s0;
	s0 =	simm.s32 @!p2 $0x0  }
0x178: {  	s0 =	simm.s32 @p2 $0x1;
	p2 =	por $0x1, $0x1  }
0x179: {  	p2 =	por @!p0 p1, p1  }
0x17a: {  	p3 =	por $0x1, $0x1;
	[smem:$0x7EC] =	sst s0;
	s0 =	simm.s32 @!p2 $0x0  }
0x17b: {  	p3 =	por @!p0 p1, p1;
	s0 =	simm.s32 @p2 $0x1  }
0x17c: {  	[smem:$0x7ED] =	sst s0;
	s0 =	simm.s32 @!p3 $0x0  }
0x17d: {  	s0 =	simm.s32 @p3 $0x1;
	p3 =	por $0x1, $0x1  }
0x17e: {  	p2 =	por $0x0, $0x0;
	p3 =	por @!p0 p1, p1  }
.Ltmp6:
0x17f: {  	[smem:$0x7EE] =	sst s0;
	s0 =	simm.s32 @!p3 $0x0;
	(pc) =	sbr.rel .LBB2_11-.Ltmp6, $4  }
0x180: {  	p2 =	por @!p0 p1, p1;
	s0 =	simm.s32 @p3 $0x1  }
0x181: {  	[smem:$0x7F0] =	sst s0;
	s0 =	simm.s32 @!p2 $0x0  }
0x182: {  	p6 =	por $0x1, $0x1;
	s0 =	simm.s32 @p2 $0x1  }
0x183: {  	p6 =	por @!p0 p1, p1;
	[smem:$0x7F3] =	sst s0  }
.LBB2_9:
0x184: {  	s0 =	sld [smem:$0x7F4];
	_ =	sdelay $0x2  }
0x185: {  	s14 =	sld [smem:$0x7F5];
	p2 =	seq.s32 s0, $0x1;
	s0 =	simm.s32 @!p6 $0x0  }
0x186: {  	s0 =	simm.s32 @p6 $0x1  }
0x187: {  	p4 =	por @!p2 $0x0, $0x0;
	p6 =	por $0x0, $0x0;
	[smem:$0x7E3] =	sst s0  }
0x188: {  	p6 =	por @!p2 p4, p4;
	s0 =	simm.s32 @!p5 $0x0;
	p4 =	seq.s32 s14, $0x1  }
0x189: {  	s0 =	simm.s32 @p5 $0x1;
	p5 =	por @!p4 $0x0, $0x0;
	p2 =	por p6, p6  }
0x18a: {  	s23 =	sld [smem:$0x7F6];
	p2 =	por @!p4 p5, p5  }
0x18b: {  	[smem:$0x7E4] =	sst s0;
	s0 =	simm.s32 @!p2 $0x0  }
0x18c: {  	s0 =	simm.s32 @p2 $0x1  }
0x18d: {  	[smem:$0x7EB] =	sst s0;
	s0 =	simm.s32 @!p1 $0x0  }
0x18e: {  	s0 =	simm.s32 @p1 $0x1;
	p1 =	seq.s32 s23, $0x1  }
0x18f: {  	p1 =	por @!p1 $0x0, $0x0  }
0x190: {  	[smem:$0x7DC] =	sst s0;
	s0 =	simm.s32 @!p1 $0x0  }
0x191: {  	s2 =	sld [smem:$0x7F6];
	s0 =	simm.s32 @p1 $0x1  }
0x192: {  	[smem:$0x7DA] =	sst s0  }
0x193: {  	s4 =	sld [smem:$0x7DA]  }
0x194: {  	s11 =	sld [smem:$0x7F6]  }
0x195: {  	p5 =	por p2, p2;
	p1 =	por @!p4 $0x1, $0x1  }
0x196: {  	p6 =	por @!p4 p1, p1;
	p4 =	seq.s32 s2, $0x1;
	p1 =	seq.s32 s4, $0x1  }
0x197: {  	s13 =	sld [smem:$0x7F6];
	p5 =	por @!p4 p1, p1;
	p4 =	seq.s32 s11, $0x1  }
0x198: {  	s14 =	sld [smem:$0x7F7];
	p1 =	por @!p4 $0x1, $0x1  }
0x199: {  	s23 =	sld [smem:$0x7F6];
	s0 =	simm.s32 @!p1 $0x0  }
0x19a: {  	s4 =	sld [smem:$0x7EB];
	s0 =	simm.s32 @p1 $0x1  }
0x19b: {  	[smem:$0x7DB] =	sst s0;
	s0 =	simm.s32 @!p5 $0x0  }
0x19c: {  	s0 =	simm.s32 @p5 $0x1;
	s2 =	sld [smem:$0x7DB]  }
0x19d: {  	p4 =	seq.s32 s13, $0x1;
	[smem:$0x7EC] =	sst s0;
	s0 =	simm.s32 @!p0 $0x0  }
0x19e: {  	p6 =	por @!p4 p1, p1;
	p1 =	seq.s32 s23, $0x1;
	s0 =	simm.s32 @p0 $0x1  }
0x19f: {  	p0 =	seq.s32 s4, $0x1;
	s11 =	sld [smem:$0x7EC];
	p2 =	seq.s32 s2, $0x1  }
0x1a0: {  	p0 =	por @!p1 p2, p2  }
0x1a1: {  	p4 =	seq.s32 s14, $0x1;
	[smem:$0x7DD] =	sst s0;
	s0 =	simm.s32 @!p0 $0x0  }
0x1a2: {  	p2 =	seq.s32 s11, $0x1;
	s0 =	simm.s32 @p0 $0x1;
	p0 =	por @!p4 $0x0, $0x0  }
0x1a3: {  	s14 =	sld [smem:$0x7F8];
	p2 =	por @!p4 p0, p0  }
0x1a4: {  	[smem:$0x7EB] =	sst s0;
	s0 =	simm.s32 @!p2 $0x0  }
0x1a5: {  	s13 =	sld [smem:$0x7EB];
	s0 =	simm.s32 @p2 $0x1  }
0x1a6: {  	[smem:$0x7EC] =	sst s0  }
0x1a7: {  	p0 =	por @!p4 $0x1, $0x1;
	s23 =	sld [smem:$0x7EC]  }
0x1a8: {  	p5 =	por @!p4 p0, p0;
	p6 =	por @!p4 p0, p0;
	s0 =	simm.s32 @!p3 $0x0  }
0x1a9: {  	p2 =	seq.s32 s13, $0x1;
	s0 =	simm.s32 @p3 $0x1;
	p3 =	seq.s32 s14, $0x1  }
0x1aa: {  	p2 =	por @!p4 p0, p0;
	p0 =	por @!p3 $0x0, $0x0;
	p4 =	seq.s32 s23, $0x1  }
0x1ab: {  	p4 =	por @!p3 p0, p0  }
0x1ac: {  	[smem:$0x7E0] =	sst s0;
	s0 =	simm.s32 @!p4 $0x0  }
0x1ad: {  	s0 =	simm.s32 @p4 $0x1  }
0x1ae: {  	[smem:$0x7E8] =	sst s0  }
0x1af: {  	s4 =	sld [smem:$0x7E8];
	_ =	sdelay $0x2  }
0x1b0: {  	p0 =	seq.s32 s4, $0x1  }
0x1b1: {  	s2 =	sld [smem:$0x7DC];
	s0 =	simm.s32 @!p0 $0x0  }
0x1b2: {  	s11 =	sld [smem:$0x7EC];
	s0 =	simm.s32 @p0 $0x1  }
0x1b3: {  	p4 =	por @!p3 $0x1, $0x1;
	[smem:$0x7ED] =	sst s0  }
0x1b4: {  	p5 =	por @!p3 p4, p4;
	p6 =	por @!p3 p4, p4;
	s13 =	sld [smem:$0x7ED]  }
0x1b5: {  	p2 =	por @!p3 p4, p4;
	p4 =	seq.s32 s11, $0x1;
	p0 =	por @!p3 $0x1, $0x1  }
0x1b6: {  	p1 =	seq.s32 s2, $0x1;
	s14 =	sld [smem:$0x7E8];
	p4 =	por @!p3 p0, p0  }
0x1b7: {  	p0 =	por @!p1 $0x0, $0x0;
	s0 =	simm.s32 @!p4 $0x0;
	p3 =	seq.s32 s13, $0x1  }
0x1b8: {  	s0 =	simm.s32 @p4 $0x1;
	p3 =	por @!p1 p0, p0  }
0x1b9: {  	[smem:$0x7EC] =	sst s0;
	p0 =	por @!p1 $0x1, $0x1;
	s0 =	simm.s32 @!p3 $0x0  }
0x1ba: {  	p4 =	por p3, p3;
	s0 =	simm.s32 @p3 $0x1;
	p3 =	seq.s32 s14, $0x1  }
0x1bb: {  	s2 =	sld [smem:$0x7F9];
	p3 =	por @!p1 p0, p0  }
0x1bc: {  	[smem:$0x7ED] =	sst s0;
	s0 =	simm.s32 @!p3 $0x0  }
0x1bd: {  	s23 =	sld [smem:$0x7EC];
	s0 =	simm.s32 @p3 $0x1;
	p3 =	por @!p1 $0x1, $0x1  }
0x1be: {  	[smem:$0x7E8] =	sst s0;
	p2 =	por @!p1 p3, p3  }
0x1bf: {  	p5 =	por @!p1 p3, p3;
	p6 =	por @!p1 p3, p3;
	s0 =	simm.s32 @!p2 $0x0  }
0x1c0: {  	p3 =	por @!p1 $0x1, $0x1;
	s0 =	simm.s32 @p2 $0x1;
	p2 =	seq.s32 s23, $0x1  }
0x1c1: {  	p2 =	por @!p1 p3, p3  }
0x1c2: {  	[smem:$0x7EB] =	sst s0;
	s0 =	simm.s32 @!p2 $0x0  }
0x1c3: {  	s0 =	simm.s32 @p2 $0x1;
	p2 =	seq.s32 s2, $0x1  }
0x1c4: {  	s4 =	sld [smem:$0x7E8];
	p1 =	por @!p2 $0x1, $0x1  }
0x1c5: {  	[smem:$0x7EC] =	sst s0;
	s0 =	simm.s32 @!p1 $0x0  }
0x1c6: {  	s14 =	sld [smem:$0x7F9];
	s0 =	simm.s32 @p1 $0x1  }
0x1c7: {  	p3 =	por p4, p4;
	p0 =	por @!p2 $0x0, $0x0;
	[smem:$0x7DE] =	sst s0  }
0x1c8: {  	p4 =	por @!p2 $0x1, $0x1;
	p1 =	seq.s32 s4, $0x1;
	s11 =	sld [smem:$0x7DE]  }
0x1c9: {  	s13 =	sld [smem:$0x7EB];
	p3 =	por @!p2 p0, p0;
	p1 =	por @!p2 p4, p4  }
0x1ca: {  	s23 =	sld [smem:$0x7EC];
	p4 =	por p2, p2;
	s0 =	simm.s32 @!p1 $0x0  }
0x1cb: {  	s2 =	sld [smem:$0x7DE];
	s0 =	simm.s32 @p1 $0x1;
	p1 =	seq.s32 s11, $0x1  }
0x1cc: {  	p5 =	por @!p2 p1, p1;
	p6 =	por @!p2 p1, p1;
	p2 =	seq.s32 s13, $0x1  }
0x1cd: {  	s4 =	sld [smem:$0x7DD];
	p2 =	por @!p4 p1, p1  }
0x1ce: {  	[smem:$0x7E8] =	sst s0;
	p4 =	seq.s32 s14, $0x1;
	s0 =	simm.s32 @!p2 $0x0  }
0x1cf: {  	p1 =	seq.s32 s23, $0x1;
	s0 =	simm.s32 @p2 $0x1;
	p2 =	seq.s32 s2, $0x1  }
0x1d0: {  	s11 =	sld [smem:$0x7ED];
	p1 =	por @!p4 p2, p2  }
0x1d1: {  	p0 =	seq.s32 s4, $0x1;
	[smem:$0x7EB] =	sst s0;
	s0 =	simm.s32 @!p1 $0x0  }
0x1d2: {  	s13 =	sld [smem:$0x7F9];
	s0 =	simm.s32 @p1 $0x1;
	p1 =	por @!p0 $0x0, $0x0  }
0x1d3: {  	[smem:$0x7EC] =	sst s0;
	s0 =	simm.s32 @!p1 $0x0  }
0x1d4: {  	s14 =	sld [smem:$0x7DE];
	s0 =	simm.s32 @p1 $0x1  }
0x1d5: {  	[smem:$0x7DF] =	sst s0;
	s0 =	simm.s32 @!p3 $0x0  }
0x1d6: {  	s0 =	simm.s32 @p3 $0x1;
	s2 =	sld [smem:$0x7DF]  }
0x1d7: {  	p4 =	seq.s32 s11, $0x1;
	[smem:$0x7EE] =	sst s0  }
0x1d8: {  	p2 =	seq.s32 s14, $0x1;
	p1 =	seq.s32 s13, $0x1;
	s23 =	sld [smem:$0x7EE]  }
0x1d9: {  	p4 =	por @!p1 p2, p2  }
0x1da: {  	s0 =	simm.s32 @!p4 $0x0  }
0x1db: {  	s0 =	simm.s32 @p4 $0x1;
	p1 =	seq.s32 s2, $0x1;
	p4 =	seq.s32 s23, $0x1  }
0x1dc: {  	p4 =	por @!p0 p1, p1  }
0x1dd: {  	[smem:$0x7ED] =	sst s0;
	s0 =	simm.s32 @!p4 $0x0  }
0x1de: {  	s4 =	sld [smem:$0x7E8];
	s0 =	simm.s32 @p4 $0x1;
	p4 =	por @!p0 $0x1, $0x1  }
0x1df: {  	p3 =	por @!p0 p4, p4  }
0x1e0: {  	[smem:$0x7EE] =	sst s0;
	s0 =	simm.s32 @!p3 $0x0  }
0x1e1: {  	s0 =	simm.s32 @p3 $0x1;
	p3 =	seq.s32 s4, $0x1  }
0x1e2: {  	s11 =	sld [smem:$0x7EB];
	p3 =	por @!p0 p4, p4  }
0x1e3: {  	[smem:$0x7E7] =	sst s0;
	s0 =	simm.s32 @!p3 $0x0  }
0x1e4: {  	s13 =	sld [smem:$0x7EC];
	p5 =	por @!p0 p4, p4;
	s0 =	simm.s32 @p3 $0x1  }
0x1e5: {  	p1 =	seq.s32 s11, $0x1;
	[smem:$0x7E8] =	sst s0;
	s0 =	simm.s32 @!p5 $0x0  }
0x1e6: {  	s14 =	sld [smem:$0x7ED];
	p1 =	por @!p0 p4, p4;
	s0 =	simm.s32 @p5 $0x1  }
0x1e7: {  	[smem:$0x7E9] =	sst s0;
	s0 =	simm.s32 @!p1 $0x0  }
0x1e8: {  	s2 =	sld [smem:$0x7EE];
	s0 =	simm.s32 @p1 $0x1;
	p1 =	seq.s32 s13, $0x1  }
0x1e9: {  	s4 =	sld [smem:$0x7E7];
	p1 =	por @!p0 p4, p4  }
0x1ea: {  	[smem:$0x7EB] =	sst s0;
	s0 =	simm.s32 @!p1 $0x0  }
0x1eb: {  	s23 =	sld [smem:$0x7FA];
	s0 =	simm.s32 @p1 $0x1;
	p1 =	seq.s32 s14, $0x1  }
0x1ec: {  	p6 =	por @!p0 p4, p4;
	p3 =	seq.s32 s2, $0x1;
	p1 =	por @!p0 p4, p4  }
0x1ed: {  	p5 =	seq.s32 s4, $0x1;
	[smem:$0x7EC] =	sst s0;
	s0 =	simm.s32 @!p1 $0x0  }
0x1ee: {  	s13 =	sld [smem:$0x7E9];
	s0 =	simm.s32 @p1 $0x1;
	p1 =	seq.s32 s23, $0x1  }
0x1ef: {  	s14 =	sld [smem:$0x7EB];
	p4 =	por p3, p3;
	p2 =	por @!p1 $0x1, $0x1  }
0x1f0: {  	[smem:$0x7ED] =	sst s0;
	p0 =	por @!p1 $0x0, $0x0;
	p5 =	por @!p1 p2, p2  }
0x1f1: {  	p4 =	por @!p1 p0, p0;
	p0 =	seq.s32 s13, $0x1;
	s0 =	simm.s32 @!p5 $0x0  }
0x1f2: {  	p0 =	por @!p1 p2, p2;
	s0 =	simm.s32 @p5 $0x1  }
0x1f3: {  	[smem:$0x7E7] =	sst s0;
	s0 =	simm.s32 @!p0 $0x0  }
0x1f4: {  	s23 =	sld [smem:$0x7EC];
	s0 =	simm.s32 @p0 $0x1;
	p0 =	seq.s32 s14, $0x1  }
0x1f5: {  	p0 =	por @!p1 p2, p2  }
0x1f6: {  	[smem:$0x7E9] =	sst s0;
	s0 =	simm.s32 @!p0 $0x0  }
0x1f7: {  	s2 =	sld [smem:$0x7ED];
	s0 =	simm.s32 @p0 $0x1;
	p0 =	seq.s32 s23, $0x1  }
0x1f8: {  	p0 =	por @!p1 p2, p2  }
0x1f9: {  	[smem:$0x7EB] =	sst s0;
	s0 =	simm.s32 @!p0 $0x0  }
0x1fa: {  	s4 =	sld [smem:$0x7E0];
	s0 =	simm.s32 @p0 $0x1;
	p0 =	seq.s32 s2, $0x1  }
0x1fb: {  	s11 =	sld [smem:$0x7E8];
	p0 =	por @!p1 p2, p2  }
0x1fc: {  	[smem:$0x7EC] =	sst s0;
	s0 =	simm.s32 @!p0 $0x0  }
0x1fd: {  	s0 =	simm.s32 @p0 $0x1;
	p0 =	seq.s32 s4, $0x1  }
0x1fe: {  	p5 =	seq.s32 s11, $0x1;
	s11 =	sld [smem:$0x7E0];
	p0 =	por @!p0 $0x0, $0x0  }
0x1ff: {  	[smem:$0x7ED] =	sst s0;
	s0 =	simm.s32 @!p0 $0x0  }
0x200: {  	s14 =	sld [smem:$0x7E7];
	s0 =	simm.s32 @p0 $0x1  }
0x201: {  	[smem:$0x7E1] =	sst s0  }
0x202: {  	p6 =	por @!p1 p2, p2;
	s13 =	sld [smem:$0x7E1]  }
0x203: {  	p5 =	por @!p1 p2, p2;
	s23 =	sld [smem:$0x7E9];
	p2 =	por @!p1 $0x1, $0x1  }
0x204: {  	s2 =	sld [smem:$0x7EB];
	p3 =	por @!p1 p2, p2;
	p2 =	seq.s32 s11, $0x1  }
0x205: {  	p0 =	por p4, p4;
	s0 =	simm.s32 @!p3 $0x0;
	p1 =	seq.s32 s13, $0x1  }
0x206: {  	s4 =	sld [smem:$0x7EC];
	s0 =	simm.s32 @p3 $0x1;
	p0 =	por @!p2 p1, p1  }
0x207: {  	[smem:$0x7EE] =	sst s0;
	s0 =	simm.s32 @!p0 $0x0  }
0x208: {  	p1 =	seq.s32 s14, $0x1;
	s0 =	simm.s32 @p0 $0x1;
	p0 =	por @!p2 $0x1, $0x1  }
0x209: {  	s11 =	sld [smem:$0x7ED];
	p1 =	por @!p2 p0, p0  }
0x20a: {  	p3 =	seq.s32 s4, $0x1;
	[smem:$0x7EF] =	sst s0;
	s0 =	simm.s32 @!p1 $0x0  }
0x20b: {  	s13 =	sld [smem:$0x7EE];
	p5 =	por @!p2 p0, p0;
	s0 =	simm.s32 @p1 $0x1  }
0x20c: {  	p1 =	seq.s32 s23, $0x1;
	[smem:$0x7E7] =	sst s0;
	s0 =	simm.s32 @!p5 $0x0  }
0x20d: {  	s14 =	sld [smem:$0x7FB];
	p1 =	por @!p2 p0, p0;
	s0 =	simm.s32 @p5 $0x1  }
0x20e: {  	p4 =	por @!p2 p0, p0;
	[smem:$0x7E8] =	sst s0;
	s0 =	simm.s32 @!p1 $0x0  }
0x20f: {  	p6 =	por @!p2 p0, p0;
	p3 =	por @!p2 p0, p0;
	s0 =	simm.s32 @p1 $0x1  }
0x210: {  	p1 =	seq.s32 s2, $0x1;
	[smem:$0x7E9] =	sst s0;
	s0 =	simm.s32 @!p6 $0x0  }
0x211: {  	s23 =	sld [smem:$0x7EF];
	p1 =	por @!p2 p0, p0;
	s0 =	simm.s32 @p6 $0x1  }
0x212: {  	p5 =	seq.s32 s11, $0x1;
	[smem:$0x7EA] =	sst s0;
	s0 =	simm.s32 @!p1 $0x0  }
0x213: {  	s2 =	sld [smem:$0x7E7];
	s0 =	simm.s32 @p1 $0x1;
	p1 =	seq.s32 s13, $0x1  }
0x214: {  	p5 =	por @!p2 p0, p0;
	s4 =	sld [smem:$0x7E8];
	p1 =	por @!p2 p0, p0  }
0x215: {  	[smem:$0x7EB] =	sst s0;
	p0 =	seq.s32 s14, $0x1;
	s0 =	simm.s32 @!p1 $0x0  }
0x216: {  	p2 =	por @!p0 $0x0, $0x0;
	s0 =	simm.s32 @p1 $0x1;
	p1 =	seq.s32 s23, $0x1  }
0x217: {  	p6 =	seq.s32 s2, $0x1;
	p1 =	por @!p0 p2, p2;
	p2 =	por @!p0 $0x1, $0x1  }
0x218: {  	p6 =	por @!p0 p2, p2  }
0x219: {  	[smem:$0x7EE] =	sst s0;
	s0 =	simm.s32 @!p6 $0x0  }
0x21a: {  	s11 =	sld [smem:$0x7E9];
	s0 =	simm.s32 @p6 $0x1;
	p6 =	seq.s32 s4, $0x1  }
0x21b: {  	p6 =	por @!p0 p2, p2  }
0x21c: {  	[smem:$0x7E7] =	sst s0;
	s0 =	simm.s32 @!p6 $0x0  }
0x21d: {  	s13 =	sld [smem:$0x7EA];
	s0 =	simm.s32 @p6 $0x1;
	p6 =	seq.s32 s11, $0x1  }
0x21e: {  	p6 =	por @!p0 p2, p2  }
0x21f: {  	[smem:$0x7E8] =	sst s0;
	s0 =	simm.s32 @!p6 $0x0  }
0x220: {  	s14 =	sld [smem:$0x7EB];
	s0 =	simm.s32 @p6 $0x1;
	p6 =	seq.s32 s13, $0x1  }
0x221: {  	p6 =	por @!p0 p2, p2  }
0x222: {  	[smem:$0x7E9] =	sst s0;
	s0 =	simm.s32 @!p6 $0x0  }
0x223: {  	s0 =	simm.s32 @p6 $0x1;
	p6 =	seq.s32 s14, $0x1  }
0x224: {  	p6 =	por @!p0 p2, p2  }
0x225: {  	[smem:$0x7EA] =	sst s0;
	s0 =	simm.s32 @!p6 $0x0  }
0x226: {  	p3 =	por @!p0 p2, p2;
	s23 =	sld [smem:$0x7EE];
	s0 =	simm.s32 @p6 $0x1  }
0x227: {  	[smem:$0x7EB] =	sst s0;
	s0 =	simm.s32 @!p3 $0x0  }
0x228: {  	s2 =	sld [smem:$0x7E3];
	p5 =	por @!p0 p2, p2;
	s0 =	simm.s32 @p3 $0x1  }
0x229: {  	p3 =	seq.s32 s23, $0x1;
	[smem:$0x7EC] =	sst s0;
	s0 =	simm.s32 @!p5 $0x0  }
0x22a: {  	p3 =	por @!p0 p2, p2;
	s0 =	simm.s32 @p5 $0x1  }
0x22b: {  	[smem:$0x7ED] =	sst s0;
	s0 =	simm.s32 @!p3 $0x0  }
0x22c: {  	s0 =	simm.s32 @p3 $0x1;
	p3 =	seq.s32 s2, $0x1  }
0x22d: {  	s4 =	sld [smem:$0x7EF];
	p5 =	por @!p3 $0x0, $0x0  }
0x22e: {  	[smem:$0x7EE] =	sst s0;
	s0 =	simm.s32 @!p5 $0x0  }
0x22f: {  	s0 =	simm.s32 @p5 $0x1  }
0x230: {  	p4 =	por @!p0 p2, p2;
	[smem:$0x7E2] =	sst s0  }
0x231: {  	p6 =	seq.s32 s4, $0x1;
	p2 =	por @!p0 $0x1, $0x1;
	s11 =	sld [smem:$0x7E2]  }
0x232: {  	s13 =	sld [smem:$0x7E7];
	p6 =	por @!p0 p2, p2  }
0x233: {  	s14 =	sld [smem:$0x7E8];
	p0 =	por p3, p3;
	s0 =	simm.s32 @!p6 $0x0  }
0x234: {  	p5 =	por p1, p1;
	s0 =	simm.s32 @p6 $0x1;
	p2 =	seq.s32 s11, $0x1  }
0x235: {  	p6 =	seq.s32 s13, $0x1;
	p5 =	por @!p3 p2, p2;
	p3 =	por @!p3 $0x1, $0x1  }
0x236: {  	p6 =	por @!p0 p3, p3  }
0x237: {  	[smem:$0x7EF] =	sst s0;
	s0 =	simm.s32 @!p6 $0x0  }
0x238: {  	s23 =	sld [smem:$0x7E9];
	s0 =	simm.s32 @p6 $0x1;
	p6 =	seq.s32 s14, $0x1  }
0x239: {  	p6 =	por @!p0 p3, p3  }
0x23a: {  	[smem:$0x7E7] =	sst s0;
	s0 =	simm.s32 @!p6 $0x0  }
0x23b: {  	s2 =	sld [smem:$0x7EA];
	s0 =	simm.s32 @p6 $0x1;
	p6 =	seq.s32 s23, $0x1  }
0x23c: {  	s4 =	sld [smem:$0x7EB];
	p6 =	por @!p0 p3, p3  }
0x23d: {  	[smem:$0x7E8] =	sst s0;
	s0 =	simm.s32 @!p6 $0x0  }
0x23e: {  	s0 =	simm.s32 @p6 $0x1;
	p6 =	seq.s32 s2, $0x1  }
0x23f: {  	s11 =	sld [smem:$0x7EC];
	p6 =	por @!p0 p3, p3  }
0x240: {  	p2 =	seq.s32 s4, $0x1;
	[smem:$0x7E9] =	sst s0;
	s0 =	simm.s32 @!p6 $0x0  }
0x241: {  	s13 =	sld [smem:$0x7ED];
	p2 =	por @!p0 p3, p3;
	s0 =	simm.s32 @p6 $0x1  }
0x242: {  	p6 =	seq.s32 s11, $0x1;
	[smem:$0x7EA] =	sst s0;
	s0 =	simm.s32 @!p2 $0x0  }
0x243: {  	s4 =	sld [smem:$0x7E3];
	p6 =	por @!p0 p3, p3;
	s0 =	simm.s32 @p2 $0x1  }
0x244: {  	[smem:$0x7EB] =	sst s0;
	s0 =	simm.s32 @!p6 $0x0  }
0x245: {  	s14 =	sld [smem:$0x7EE];
	s0 =	simm.s32 @p6 $0x1;
	p6 =	seq.s32 s13, $0x1  }
0x246: {  	p1 =	por @!p0 p3, p3;
	s23 =	sld [smem:$0x7E4];
	p6 =	por @!p0 p3, p3  }
0x247: {  	p4 =	por @!p0 p3, p3;
	[smem:$0x7EC] =	sst s0;
	s0 =	simm.s32 @!p6 $0x0  }
0x248: {  	s2 =	sld [smem:$0x7EF];
	s0 =	simm.s32 @p6 $0x1;
	p6 =	seq.s32 s14, $0x1  }
0x249: {  	s11 =	sld [smem:$0x7E4];
	p2 =	seq.s32 s4, $0x1;
	p6 =	por @!p0 p3, p3  }
0x24a: {  	[smem:$0x7ED] =	sst s0;
	p0 =	seq.s32 s23, $0x1;
	s0 =	simm.s32 @!p6 $0x0  }
0x24b: {  	s0 =	simm.s32 @p6 $0x1;
	p6 =	por @!p0 $0x1, $0x1;
	p0 =	seq.s32 s2, $0x1  }
0x24c: {  	p0 =	por @!p2 p3, p3  }
0x24d: {  	[smem:$0x7EE] =	sst s0;
	p3 =	seq.s32 s11, $0x1;
	s0 =	simm.s32 @!p0 $0x0  }
0x24e: {  	s13 =	sld [smem:$0x7E7];
	p1 =	por @!p3 p6, p6;
	s0 =	simm.s32 @p0 $0x1  }
0x24f: {  	[smem:$0x7EF] =	sst s0;
	s0 =	simm.s32 @!p1 $0x0  }
0x250: {  	s14 =	sld [smem:$0x7E8];
	p4 =	por @!p3 p6, p6;
	s0 =	simm.s32 @p1 $0x1  }
0x251: {  	p0 =	seq.s32 s13, $0x1;
	[smem:$0x7E5] =	sst s0;
	s0 =	simm.s32 @!p4 $0x0  }
0x252: {  	p0 =	por @!p3 p6, p6;
	s0 =	simm.s32 @p4 $0x1  }
0x253: {  	[smem:$0x7E6] =	sst s0;
	s0 =	simm.s32 @!p0 $0x0  }
0x254: {  	s23 =	sld [smem:$0x7E9];
	s0 =	simm.s32 @p0 $0x1;
	p0 =	seq.s32 s14, $0x1  }
0x255: {  	p0 =	por @!p3 p6, p6  }
0x256: {  	[smem:$0x7E7] =	sst s0;
	s0 =	simm.s32 @!p0 $0x0  }
0x257: {  	s2 =	sld [smem:$0x7EA];
	s0 =	simm.s32 @p0 $0x1;
	p0 =	seq.s32 s23, $0x1  }
0x258: {  	p0 =	por @!p3 p6, p6  }
0x259: {  	[smem:$0x7E8] =	sst s0;
	s0 =	simm.s32 @!p0 $0x0  }
0x25a: {  	s4 =	sld [smem:$0x7EB];
	s0 =	simm.s32 @p0 $0x1;
	p0 =	seq.s32 s2, $0x1  }
0x25b: {  	p0 =	por @!p3 p6, p6  }
0x25c: {  	[smem:$0x7E9] =	sst s0;
	s0 =	simm.s32 @!p0 $0x0  }
0x25d: {  	s11 =	sld [smem:$0x7EC];
	s0 =	simm.s32 @p0 $0x1;
	p0 =	seq.s32 s4, $0x1  }
0x25e: {  	p0 =	por @!p3 p6, p6  }
0x25f: {  	[smem:$0x7EA] =	sst s0;
	s0 =	simm.s32 @!p0 $0x0  }
0x260: {  	s13 =	sld [smem:$0x7ED];
	s0 =	simm.s32 @p0 $0x1;
	p0 =	seq.s32 s11, $0x1  }
0x261: {  	p0 =	por @!p3 p6, p6  }
0x262: {  	[smem:$0x7EB] =	sst s0;
	s0 =	simm.s32 @!p0 $0x0  }
0x263: {  	s14 =	sld [smem:$0x7EE];
	s0 =	simm.s32 @p0 $0x1;
	p0 =	seq.s32 s13, $0x1  }
0x264: {  	p0 =	por @!p3 p6, p6  }
0x265: {  	[smem:$0x7EC] =	sst s0;
	s0 =	simm.s32 @!p0 $0x0  }
0x266: {  	s0 =	simm.s32 @p0 $0x1;
	p0 =	seq.s32 s14, $0x1  }
0x267: {  	p0 =	por @!p3 p6, p6  }
0x268: {  	p2 =	por p5, p5;
	[smem:$0x7ED] =	sst s0;
	s0 =	simm.s32 @!p0 $0x0  }
0x269: {  	p2 =	por @!p3 p6, p6;
	p1 =	por @!p3 $0x0, $0x0;
	s0 =	simm.s32 @p0 $0x1  }
0x26a: {  	p0 =	por p5, p5;
	[smem:$0x7EE] =	sst s0;
	s0 =	simm.s32 @!p2 $0x0  }
0x26b: {  	p0 =	por @!p3 p1, p1;
	s0 =	simm.s32 @p2 $0x1  }
0x26c: {  	[smem:$0x7F0] =	sst s0;
	s0 =	simm.s32 @!p0 $0x0  }
0x26d: {  	s0 =	simm.s32 @p0 $0x1;
	p0 =	por p5, p5  }
0x26e: {  	s23 =	sld [smem:$0x7EF];
	p0 =	por @!p3 p1, p1  }
0x26f: {  	[smem:$0x7F1] =	sst s0;
	s0 =	simm.s32 @!p0 $0x0  }
0x270: {  	p5 =	por @!p3 p1, p1;
	s0 =	simm.s32 @p0 $0x1  }
0x271: {  	p4 =	seq.s32 s23, $0x1;
	[smem:$0x7F2] =	sst s0;
	s0 =	simm.s32 @!p5 $0x0  }
0x272: {  	p4 =	por @!p3 p6, p6;
	s0 =	simm.s32 @p5 $0x1  }
0x273: {  	p6 =	por p4, p4;
	[smem:$0x7F3] =	sst s0  }
.LBB2_11:
0x274: {  	_ =	strace $0x9000004A  }
0x275: {  	s13 =	sshra.s32 s31, $0x1;
	_ =	strace $0x8000004B  }
0x276: {  	p0 =	slt.s32 s13, $0x1;
	s0 =	sld [smem:$0x7FC]  }
.Ltmp7:
0x277: {  	s23 =	sld [smem:$0x7FD];
	(pc) =	sbr.rel @p0 .LBB2_18-.Ltmp7, $2  }
0x278: {  	s31 =	sld [smem:$0x7F4];
	_ =	sdelay $0x2  }
0x279: {  	p2 =	seq.s32 s0, $0x1;
	p3 =	seq.s32 s23, $0x1;
	p4 =	seq.s32 s31, $0x1  }
0x27a: {  	p1 =	sne.s32 s13, $0x1  }
.Ltmp8:
0x27b: {  	_ = 	snop;
	(pc) =	sbr.rel @!p1 .LBB2_13-.Ltmp8, $4  }
0x27c: {  	_ = 	snop  }
0x27d: {  	s0 =	sshll.u32 s30, $0xA  }
0x27e: {  	s4 =	simm.s32 $0x0;
	s11 =	simm.s32 $0x1;
	s13 =	sadd.s32 $0xFFFFFFFF, s13  }
0x27f: {  	p0 =	por $0x0, $0x0;
	s2 =	sor.u32 $0x1BA0, s0;
	s0 =	sor.u32 $0x23A0, s0;
	v14 =	vmov s4  }
0x280: {  	v6 =	vand.u32 $0xFFFFFFFE, v14  }
0x281: {  	v9 =	vmov s11;
	v7 =	vbroadcast v6, $0x0;
	_ =	sdelay $0x4  }
0x282: {  	v8 =	vld.idx.msk [tilespmem:v9+s2+$0x0], $0xffff  }
0x283: {  	v6 =	vld.idx.msk [tilespmem:v7+s2+$0x0], $0xffff;
	_ =	sdelay $0x3  }
0x284: {  	v10 =	vshll.u32 v8, $0x4  }
0x285: {  	v8 =	vld.idx.msk [tilespmem:v7+s0+$0x0], $0xffff;
	v7 =	vor.u32 v4, v10;
	v6 =	vshll.u32 v6, $0x4  }
0x286: {  	p1 =	sne.s32 s13, $0x1;
	v6 =	vor.u32 v4, v6  }
.Ltmp9:
0x287: {  	v11 =	vld [tilespmem:s28+$0xFFFFFFF0];
	(pc) =	sbr.rel @!p1 .LBB2_15-.Ltmp9, $4  }
0x288: {  	v9 =	vld.idx.msk [tilespmem:v9+s0+$0x0], $0xffff  }
0x289: {  	v10 =	vld [tilespmem:s28+$0x0]  }
0x28a: {  	s4 =	simm.s32 $0x2;
	s11 =	simm.s32 $0x3;
	v13 =	vld.idx.msk [tilespmem:v7+s20+$0x0], $0xffff  }
0x28b: {  	s14 =	sadd.s32 $0xFFFFFFFF, s13;
	p0 =	por $0x1, $0x1;
	s13 =	smov.u32 s28;
	v14 =	vmov s4;
	v12 =	vld.idx.msk [tilespmem:v6+s19+$0x0], $0xffff  }
.LBB2_16:
0x28c: {  	p1 =	sne.s32 s14, $0x1;
	v14 =	vand.u32 $0xFFFFFFFE, v14;
	v8 =	vmul.f32 v8, v5  }
0x28d: {  	v9 =	vmul.f32 v9, v5;
	v14 =	vbroadcast v14, $0x0  }
0x28e: {  	v8 =	vadd.f32 v11, v8  }
0x28f: {  	v11 =	vmov s11;
	v9 =	vadd.f32 v10, v9  }
0x290: {  	v8 =	vmax.f32 v12, v8  }
0x291: {  	[tilespmem:v6+s19+$0x0] =	vst.idx.msk $0xffff, v8;
	v6 =	vmax.f32 v13, v9  }
0x292: {  	[tilespmem:v7+s20+$0x0] =	vst.idx.msk $0xffff, v6  }
0x293: {  	v6 =	vld.idx.msk [tilespmem:v14+s2+$0x0], $0xffff  }
0x294: {  	v7 =	vld.idx.msk [tilespmem:v11+s2+$0x0], $0xffff;
	_ =	sdelay $0x4  }
0x295: {  	v6 =	vshll.u32 v6, $0x4  }
0x296: {  	v6 =	vor.u32 v4, v6;
	v7 =	vshll.u32 v7, $0x4  }
0x297: {  	v7 =	vor.u32 v4, v7;
	v8 =	vld.idx.msk [tilespmem:v14+s0+$0x0], $0xffff  }
.Ltmp10:
0x298: {  	s13 =	sadd.s32 $0x20, s13;
	v9 =	vld.idx.msk [tilespmem:v11+s0+$0x0], $0xffff;
	(pc) =	sbr.rel @p1 .LBB2_16-.Ltmp10, $4  }
0x299: {  	v11 =	vld [tilespmem:s13+$0xFFFFFFF0]  }
0x29a: {  	s11 =	sadd.s32 $0x2, s11;
	v10 =	vld [tilespmem:s13+$0x0]  }
0x29b: {  	s4 =	sadd.s32 $0xFFFFFFFF, s11;
	v12 =	vld.idx.msk [tilespmem:v6+s19+$0x0], $0xffff  }
0x29c: {  	s14 =	sadd.s32 $0xFFFFFFFF, s14;
	v14 =	vmov s4;
	v13 =	vld.idx.msk [tilespmem:v7+s20+$0x0], $0xffff  }
.Ltmp11:
0x29d: {  	_ = 	snop;
	(pc) =	sbr.rel .LBB2_17-.Ltmp11, $1  }
0x29e: {  	_ =	sdelay $0x3  }
.LBB2_15:
.Ltmp12:
0x29f: {  	(pc) =	sbr.rel .LBB2_17-.Ltmp12, $2  }
0x2a0: {  	_ =	sdelay $0x2  }
0x2a1: {  	s13 =	smov.u32 s28  }
.LBB2_19:
0x2a2: {  	s11 =	sshra.s32 s29, $0x1  }
0x2a3: {  	p0 =	slt.s32 s11, $0x1  }
.Ltmp13:
0x2a4: {  	_ = 	snop;
	(pc) =	sbr.rel @p0 .LBB2_26-.Ltmp13, $2  }
0x2a5: {  	_ =	sdelay $0x2  }
0x2a6: {  	_ =	strace $0x8000004D  }
0x2a7: {  	p1 =	sne.s32 s11, $0x1  }
.Ltmp14:
0x2a8: {  	_ = 	snop;
	(pc) =	sbr.rel @!p1 .LBB2_21-.Ltmp14, $3  }
0x2a9: {  	_ =	sdelay $0x1  }
0x2aa: {  	s0 =	simm.s32 $0x6BA0;
	s4 =	simm.s32 $0x0  }
0x2ab: {  	s2 =	simm.s32 $0x1;
	s11 =	sadd.s32 $0xFFFFFFFF, s11;
	p0 =	por $0x0, $0x0;
	v14 =	vmov s4  }
0x2ac: {  	v6 =	vand.u32 $0xFFFFFFFE, v14  }
0x2ad: {  	v9 =	vmov s2;
	v7 =	vbroadcast v6, $0x0;
	_ =	sdelay $0x4  }
0x2ae: {  	v8 =	vld.idx.msk [tilespmem:v9+s21+$0x0], $0xffff  }
0x2af: {  	v6 =	vld.idx.msk [tilespmem:v7+s21+$0x0], $0xffff;
	_ =	sdelay $0x3  }
0x2b0: {  	v10 =	vshll.u32 v8, $0x4  }
0x2b1: {  	v8 =	vld.idx.msk [tilespmem:v7+s22+$0x0], $0xffff;
	v7 =	vor.u32 v4, v10;
	v6 =	vshll.u32 v6, $0x4  }
0x2b2: {  	p1 =	sne.s32 s11, $0x1;
	v6 =	vor.u32 v4, v6  }
.Ltmp15:
0x2b3: {  	v11 =	vld [tilespmem:s0+$0x0];
	(pc) =	sbr.rel @!p1 .LBB2_23-.Ltmp15, $4  }
0x2b4: {  	v9 =	vld.idx.msk [tilespmem:v9+s22+$0x0], $0xffff  }
0x2b5: {  	v10 =	vld [tilespmem:s0+$0x10]  }
0x2b6: {  	s2 =	simm.s32 $0x3;
	s4 =	simm.s32 $0x2;
	v13 =	vld.idx.msk [tilespmem:v7+s20+$0x0], $0xffff  }
0x2b7: {  	s13 =	sadd.s32 $0xFFFFFFFF, s11;
	p0 =	por $0x1, $0x1;
	s11 =	simm.s32 $0x6BA0;
	v14 =	vmov s4;
	v12 =	vld.idx.msk [tilespmem:v6+s19+$0x0], $0xffff  }
.LBB2_24:
0x2b8: {  	p1 =	sne.s32 s13, $0x1;
	v14 =	vand.u32 $0xFFFFFFFE, v14;
	v8 =	vmul.f32 v8, v5  }
0x2b9: {  	v9 =	vmul.f32 v9, v5;
	v14 =	vbroadcast v14, $0x0  }
0x2ba: {  	v8 =	vadd.f32 v11, v8  }
0x2bb: {  	v11 =	vmov s2;
	v9 =	vadd.f32 v10, v9  }
0x2bc: {  	v8 =	vmax.f32 v12, v8  }
0x2bd: {  	[tilespmem:v6+s19+$0x0] =	vst.idx.msk $0xffff, v8;
	v6 =	vmax.f32 v13, v9  }
0x2be: {  	[tilespmem:v7+s20+$0x0] =	vst.idx.msk $0xffff, v6  }
0x2bf: {  	v6 =	vld.idx.msk [tilespmem:v14+s21+$0x0], $0xffff  }
0x2c0: {  	v7 =	vld.idx.msk [tilespmem:v11+s21+$0x0], $0xffff;
	_ =	sdelay $0x4  }
0x2c1: {  	v6 =	vshll.u32 v6, $0x4  }
0x2c2: {  	v6 =	vor.u32 v4, v6;
	v7 =	vshll.u32 v7, $0x4  }
0x2c3: {  	v7 =	vor.u32 v4, v7;
	v8 =	vld.idx.msk [tilespmem:v14+s22+$0x0], $0xffff  }
.Ltmp16:
0x2c4: {  	s11 =	sadd.s32 $0x20, s11;
	v9 =	vld.idx.msk [tilespmem:v11+s22+$0x0], $0xffff;
	(pc) =	sbr.rel @p1 .LBB2_24-.Ltmp16, $4  }
0x2c5: {  	v11 =	vld [tilespmem:s11+$0x0]  }
0x2c6: {  	s2 =	sadd.s32 $0x2, s2;
	v10 =	vld [tilespmem:s11+$0x10]  }
0x2c7: {  	s4 =	sadd.s32 $0xFFFFFFFF, s2;
	v12 =	vld.idx.msk [tilespmem:v6+s19+$0x0], $0xffff  }
0x2c8: {  	s13 =	sadd.s32 $0xFFFFFFFF, s13;
	v14 =	vmov s4;
	v13 =	vld.idx.msk [tilespmem:v7+s20+$0x0], $0xffff  }
.LBB2_25:
0x2c9: {  	v14 =	vand.u32 $0xFFFFFFFE, v14;
	v8 =	vmul.f32 @p0 v8, v5  }
0x2ca: {  	v9 =	vmul.f32 @p0 v9, v5;
	v14 =	vbroadcast v14, $0x0  }
0x2cb: {  	v8 =	vadd.f32 @p0 v11, v8  }
0x2cc: {  	v58 =	vmov s2;
	v9 =	vadd.f32 @p0 v10, v9  }
0x2cd: {  	v8 =	vmax.f32 @p0 v12, v8  }
0x2ce: {  	[tilespmem:v6+s19+$0x0] =	vst.idx.msk @p0 $0xffff, v8;
	v6 =	vmax.f32 @p0 v13, v9  }
0x2cf: {  	[tilespmem:v7+s20+$0x0] =	vst.idx.msk @p0 $0xffff, v6  }
0x2d0: {  	v6 =	vld.idx.msk [tilespmem:v14+s21+$0x0], $0xffff  }
0x2d1: {  	v7 =	vld.idx.msk [tilespmem:v58+s21+$0x0], $0xffff;
	_ =	sdelay $0x3  }
0x2d2: {  	v6 =	vshll.u32 v6, $0x4  }
0x2d3: {  	v7 =	vshll.u32 v7, $0x4;
	v6 =	vor.u32 v4, v6  }
0x2d4: {  	s2 =	sadd.s32 @p0 $0x20, s11;
	v8 =	vld.idx.msk [tilespmem:v14+s22+$0x0], $0xffff;
	v7 =	vor.u32 v4, v7  }
0x2d5: {  	s0 =	smov.u32 @p0 s2;
	v59 =	vld.idx.msk [tilespmem:v58+s22+$0x0], $0xffff  }
0x2d6: {  	v60 =	vld [tilespmem:s0+$0x0]  }
0x2d7: {  	v61 =	vld [tilespmem:s0+$0x10]  }
0x2d8: {  	v62 =	vld.idx.msk [tilespmem:v6+s19+$0x0], $0xffff  }
0x2d9: {  	v8 =	vmul.f32 v8, v5;
	v63 =	vld.idx.msk [tilespmem:v7+s20+$0x0], $0xffff  }
0x2da: {  	v5 =	vmul.f32 v59, v5  }
0x2db: {  	v8 =	vadd.f32 v60, v8  }
0x2dc: {  	v5 =	vadd.f32 v61, v5  }
0x2dd: {  	v8 =	vmax.f32 v62, v8  }
0x2de: {  	v5 =	vmax.f32 v63, v5;
	[tilespmem:v6+s19+$0x0] =	vst.idx.msk $0xffff, v8  }
0x2df: {  	[tilespmem:v7+s20+$0x0] =	vst.idx.msk $0xffff, v5  }
.LBB2_26:
0x2e0: {  	_ =	strace $0x9000004D;
	s0 =	simm.s32 $0x0  }
0x2e1: {  	s2 =	simm.s32 $0x40;
	v5 =	vld [tilespmem:s0+$0x147F0]  }
.LBB2_27:
0x2e2: {  	p0 =	sne.s32 s2, $0x270C0;
	v6 =	vld [tilespmem:s0+$0xABA0];
	_ =	sdelay $0x1  }
.Ltmp17:
0x2e3: {  	(pc) =	sbr.rel @p0 .LBB2_27-.Ltmp17, $3  }
0x2e4: {  	_ =	sdelay $0x1  }
0x2e5: {  	s4 =	sshra.s32 s2, $0x2;
	v6 =	vmax.f32 v6, v5  }
0x2e6: {  	s2 =	sadd.s32 $0x40, s2;
	v5 =	vld [tilespmem:s4+$0x147F0];
	[tilespmem:s0+$0xABA0] =	vst v6;
	s0 =	smov.u32 s4  }
0x2e7: {  	v6 =	vld [tilespmem:s0+$0xABA0];
	_ =	sdelay $0x4  }
0x2e8: {  	s25 =	sadd.s32 $0x1, s25;
	v5 =	vmax.f32 v6, v5  }
0x2e9: {  	s31 =	simm.s32 $0x10;
	p0 =	sne.s32 s25, s10;
	[tilespmem:s0+$0xABA0] =	vst v5  }
0x2ea: {  	[hbm4b:s9+s31] =	stream.strided.scatter [tilespmem:s19], [sflag:$0x3], $0x9C40, s24, s31, $0x38;
	[tilespmem:$0x1E4C0] =	vst v63  }
.Ltmp18:
0x2eb: {  	_ = 	snop;
	(pc) =	sbr.rel @p0 .LBB2_1-.Ltmp18, $4  }
.Ltmp19:
0x2ec: {  	_ = 	snop;
	(pc) =	sbr.rel @!p0 .LBB2_29-.Ltmp19, $4  }
0x2ed: {  	_ =	swait.ge [sflag:s12], $0x9C40  }
0x2ee: {  	[sflag:s12] =	ssyncset.done $0x0  }
0x2ef: {  	[sflag:s12] =	ssyncadd.s32 $0xFFFF63C0  }
0x2f0: {  	_ = 	snop  }
.LBB2_21:
.Ltmp20:
0x2f1: {  	(pc) =	sbr.rel .LBB2_25-.Ltmp20, $2  }
0x2f2: {  	_ =	sdelay $0x2  }
0x2f3: {  	s11 =	simm.s32 $0x6BA0  }
.LBB2_23:
.Ltmp21:
0x2f4: {  	(pc) =	sbr.rel .LBB2_25-.Ltmp21, $2  }
0x2f5: {  	_ =	sdelay $0x2  }
0x2f6: {  	s11 =	simm.s32 $0x6BA0  }
.LBB2_29:
0x2f7: {  	_ =	sfence.sel $0x180000  }
0x2f8: {  	[bflag:$0x0] =	sbarrier.arrive $0xFFFF  }
0x2f9: {  	_ =	strace $0x90000047  }
0x2fa: {  	s0 =	stileid.u32;
	[bflag:$0x2] =	sbarrier.arrive $0xFFFF  }
0x2fb: {  	p0 =	sne.s32 s0, $0x0;
	s0 =	rddreg [dreg:$0x3]  }
0x2fc: {  	s0 =	sadd.s32 @!p0 $0x100000, s0  }
0x2fd: {  	[sflag:s0] =	ssyncadd.tile.s32 @!p0 $0x1;
	_ =	shalt  }
.Lfunc_end2:
_tile_overlayer_lowered:
.L_overlay_start_2:
0x2fe: {  	(tag) =	ssettag $0x2  }
0x2ff: {  	s0 =	rddreg [dreg:$0x0];
	s2 =	stileid.u32  }
0x300: {  	s1 =	rddreg [dreg:$0x1];
	p0 =	sne.s32 s2, $0x0  }
0x301: {  	s3 =	rddreg [dreg:$0x2];
	[bflag:$0x3] =	sbarrier.arrive $0xFFFF;
	s2 =	simm.s32 @!p0 $0x1C03  }
0x302: {  	[timem:s3], [sflag:s2] =	dma.local @!p0 [hbm:s0], s1  }
0x303: {  	s0 =	simm.s32 @!p0 $0x3  }
0x304: {  	_ =	swait.ge @!p0 [sflag:s0], s1  }
0x305: {  	s1 =	ssub.s32 @!p0 $0x0, s1;
	[sflag:s0] =	ssyncset.done @!p0 $0x0  }
0x306: {  	[sflag:s0] =	ssyncadd.s32 @!p0 s1  }
0x307: {  	[bflag:$0x3] =	sbarrier.arrive $0xFFFF  }
0x308: {  	_ =	shalt  }

</sc_bundles>
